<compile_context>
chip_gen: v7x
topology: tpu7x:2x2x1
jax: 0.10.2.dev20260603
libtpu: 0.0.44.dev20260713+nightly
codegen_flags: <defaults>
</compile_context>

<pallas_src>
import functools

import jax
import jax.numpy as jnp
from jax import lax
from jax.experimental import pallas as pl
from jax.experimental.pallas import tpu as pltpu
from jax.experimental.pallas import tpu_sc as plsc

N = 10000
E = 320000
H = 128
NHALF = N // 2

NC = 2
NS = 16
NW = NC * NS
CHUNK = 128
CPT = (-(-E // (NW * CHUNK)) + 7) // 8 * 8
EPAD = NW * CPT * CHUNK
NROWS = EPAD // CHUNK
TRASH = N
NPAD = N + 112
RPT = NPAD // NS

_mesh = plsc.VectorSubcoreMesh(
    core_axis_name="c", subcore_axis_name="s", num_cores=NC, num_subcores=NS)


def _wid_base():
    c = lax.axis_index("c")
    s = lax.axis_index("s")
    return c, s, (c * NS + s) * CPT


DRPT = NROWS // NS


def _sc_prep_body(src_hbm, dst_hbm, zeros_hbm, ones_hbm,
                  dego_hbm, degi_hbm,
                  srcv, dstv, onesv, deg_sp):
    c, s, base = _wid_base()
    pltpu.sync_copy(zeros_hbm.at[pl.ds(s * RPT, RPT), :],
                    deg_sp.at[pl.ds(s * RPT, RPT), :])
    pltpu.sync_copy(src_hbm.at[pl.ds(base, CPT), :], srcv)
    pltpu.sync_copy(dst_hbm.at[pl.ds(base, CPT), :], dstv)
    pltpu.sync_copy(ones_hbm, onesv)
    plsc.subcore_barrier()

    def dbody_src(j, carry):
        pltpu.sync_copy(onesv, deg_sp.at[srcv.at[j]], add=True)
        return carry

    lax.fori_loop(0, CPT, dbody_src, 0)
    plsc.subcore_barrier()
    pltpu.sync_copy(deg_sp.at[pl.ds(s * RPT, RPT), :],
                    dego_hbm.at[c, pl.ds(s * RPT, RPT), :])
    pltpu.sync_copy(zeros_hbm.at[pl.ds(s * RPT, RPT), :],
                    deg_sp.at[pl.ds(s * RPT, RPT), :])
    plsc.subcore_barrier()

    def dbody_dst(j, carry):
        pltpu.sync_copy(onesv, deg_sp.at[dstv.at[j]], add=True)
        return carry

    lax.fori_loop(0, CPT, dbody_dst, 0)
    plsc.subcore_barrier()
    pltpu.sync_copy(deg_sp.at[pl.ds(s * RPT, RPT), :],
                    degi_hbm.at[c, pl.ds(s * RPT, RPT), :])


_sc_prep = pl.kernel(
    _sc_prep_body,
    out_type=(jax.ShapeDtypeStruct((NC, NPAD, H), jnp.float32),
              jax.ShapeDtypeStruct((NC, NPAD, H), jnp.float32)),
    mesh=_mesh,
    scratch_types=[
        pltpu.VMEM((CPT, CHUNK), jnp.int32),
        pltpu.VMEM((CPT, CHUNK), jnp.int32),
        pltpu.VMEM((CHUNK, H), jnp.float32),
        pltpu.VMEM_SHARED((NPAD, H), jnp.float32),
    ],
)


def _sc_prep2_body(dst_hbm, e_hbm, dstm_hbm, dstv, ev):
    c, s, base = _wid_base()
    pltpu.sync_copy(dst_hbm.at[pl.ds(base, CPT), :], dstv)
    pltpu.sync_copy(e_hbm.at[pl.ds(base, CPT), :], ev)

    def body(j, carry):
        for g in range(8):
            d16 = dstv[j, pl.ds(16 * g, 16)]
            e16 = ev[j, pl.ds(16 * g, 16)]
            sel = (e16 == 0) | (e16 == 2) | (e16 == 4) | (e16 == 6)
            ev[j, pl.ds(16 * g, 16)] = jnp.where(sel, d16, TRASH)
        return carry

    lax.fori_loop(0, CPT, body, 0)
    pltpu.sync_copy(ev, dstm_hbm.at[pl.ds(base, CPT), :])


_sc_prep2 = pl.kernel(
    _sc_prep2_body,
    out_type=jax.ShapeDtypeStruct((NROWS, CHUNK), jnp.int32),
    mesh=_mesh,
    scratch_types=[
        pltpu.VMEM((CPT, CHUNK), jnp.int32),
        pltpu.VMEM((CPT, CHUNK), jnp.int32),
    ],
)


SEG = 2
SCPT = CPT // SEG


def _edge_body(two_scatters, h_hbm, src_hbm, dst_hbm, dstm_hbm, zeros_hbm,
               part_hbm, *scr):
    if two_scatters:
        (srcv, dstv, dstmv, buf0, buf1, acc_sp,
         gs0, gs1, ss0, ss1, sm0, sm1) = scr
    else:
        srcv, dstv, buf0, buf1, acc_sp, gs0, gs1, ss0, ss1 = scr
        dstmv = sm0 = sm1 = None
    c, s, base = _wid_base()
    bufs = (buf0, buf1)
    gsems = (gs0, gs1)
    ssems = (ss0, ss1)
    msems = (sm0, sm1)
    pltpu.sync_copy(zeros_hbm.at[pl.ds(s * RPT, RPT), :],
                    acc_sp.at[pl.ds(s * RPT, RPT), :])
    plsc.subcore_barrier()

    for seg in range(SEG):
        segbase = base + seg * SCPT
        pltpu.sync_copy(src_hbm.at[pl.ds(segbase, SCPT), :], srcv)
        pltpu.sync_copy(dst_hbm.at[pl.ds(segbase, SCPT), :], dstv)
        if two_scatters:
            pltpu.sync_copy(dstm_hbm.at[pl.ds(segbase, SCPT), :], dstmv)
        pltpu.async_copy(h_hbm.at[srcv.at[0]], buf0, gs0)

        def step(i, carry):
            for b in (0, 1):
                j = 2 * i + b
                o = 1 - b
                pltpu.make_async_copy(h_hbm.at[srcv.at[j]], bufs[b],
                                      gsems[b]).wait()
                pltpu.async_copy(bufs[b], acc_sp.at[dstv.at[j]], ssems[b],
                                 add=True)
                if two_scatters:
                    pltpu.async_copy(bufs[b], acc_sp.at[dstmv.at[j]],
                                     msems[b], add=True)
                jn = j + 1

                @pl.when((jn >= 2) & (jn < SCPT))
                def _():
                    pltpu.make_async_copy(bufs[o], acc_sp.at[dstv.at[jn - 2]],
                                          ssems[o]).wait()
                    if two_scatters:
                        pltpu.make_async_copy(bufs[o],
                                              acc_sp.at[dstmv.at[jn - 2]],
                                              msems[o]).wait()

                @pl.when(jn < SCPT)
                def _():
                    pltpu.async_copy(h_hbm.at[srcv.at[jn]], bufs[o], gsems[o])

            return carry

        lax.fori_loop(0, SCPT // 2, step, 0)
        pltpu.make_async_copy(buf0, acc_sp.at[dstv.at[SCPT - 2]], ss0).wait()
        pltpu.make_async_copy(buf1, acc_sp.at[dstv.at[SCPT - 1]], ss1).wait()
        if two_scatters:
            pltpu.make_async_copy(buf0, acc_sp.at[dstmv.at[SCPT - 2]],
                                  sm0).wait()
            pltpu.make_async_copy(buf1, acc_sp.at[dstmv.at[SCPT - 1]],
                                  sm1).wait()

    plsc.subcore_barrier()
    pltpu.sync_copy(acc_sp.at[pl.ds(s * RPT, RPT), :],
                    part_hbm.at[c, pl.ds(s * RPT, RPT), :])


def _make_edge_kernel(two_scatters):
    scratch = [pltpu.VMEM((SCPT, CHUNK), jnp.int32),
               pltpu.VMEM((SCPT, CHUNK), jnp.int32)]
    if two_scatters:
        scratch.append(pltpu.VMEM((SCPT, CHUNK), jnp.int32))
    scratch += [pltpu.VMEM((CHUNK, H), jnp.float32),
                pltpu.VMEM((CHUNK, H), jnp.float32),
                pltpu.VMEM_SHARED((NPAD, H), jnp.float32)]
    scratch += [pltpu.SemaphoreType.DMA] * (6 if two_scatters else 4)
    return pl.kernel(
        functools.partial(_edge_body, two_scatters),
        out_type=jax.ShapeDtypeStruct((NC, NPAD, H), jnp.float32),
        mesh=_mesh,
        scratch_types=scratch,
    )


_sc_edge = _make_edge_kernel(False)
_sc_edge2 = _make_edge_kernel(True)


def _norm_col(degp):
    return lax.rsqrt(jnp.maximum(degp[0, :, 0:1] + degp[1, :, 0:1], 1.0))


def _tc_inproj_body(f0, f1, w0t, w1t, b0, b1, dego, out):
    ns = _norm_col(dego[...])
    h0 = jnp.dot(f0[...], w0t[...], preferred_element_type=jnp.float32)
    h0 = h0 + b0[...][None, :]
    h1 = jnp.dot(f1[...], w1t[...], preferred_element_type=jnp.float32)
    h1 = h1 + b1[...][None, :]
    out[0:NHALF, :] = h0 * ns[0:NHALF]
    out[NHALF:N, :] = h1 * ns[NHALF:N]
    out[N:NPAD, :] = jnp.zeros((NPAD - N, H), jnp.float32)


_tc_inproj = pl.pallas_call(
    _tc_inproj_body,
    out_shape=jax.ShapeDtypeStruct((NPAD, H), jnp.float32),
)


def _tc_mid_body(p, dego, degi, bg0, wg1, out):
    ns = _norm_col(dego[...])
    nd = _norm_col(degi[...])
    acc = p[0] + p[1]
    h = jnp.maximum(acc[0:N] * nd[0:N] + bg0[...][None, :], 0.0)
    h = jnp.dot(h, wg1[...], preferred_element_type=jnp.float32)
    out[0:N, :] = h * ns[0:N]
    out[N:NPAD, :] = jnp.zeros((NPAD - N, H), jnp.float32)


_tc_mid = pl.pallas_call(
    _tc_mid_body,
    out_shape=jax.ShapeDtypeStruct((NPAD, H), jnp.float32),
)


def _tc_last_body(p, degi, bg1, out):
    nd = _norm_col(degi[...])
    acc = p[0] + p[1]
    out[0:N, :] = jnp.maximum(acc[0:N] * nd[0:N] + bg1[...][None, :], 0.0)
    out[N:NPAD, :] = jnp.zeros((NPAD - N, H), jnp.float32)


_tc_last = pl.pallas_call(
    _tc_last_body,
    out_shape=jax.ShapeDtypeStruct((NPAD, H), jnp.float32),
)


def _tc_final_body(p, out):
    out[...] = p[0, 0:N, :] + p[1, 0:N, :]


_tc_final = pl.pallas_call(
    _tc_final_body,
    out_shape=jax.ShapeDtypeStruct((N, H), jnp.float32),
)


def kernel(feat0, feat1, W_fc0, b_fc0, W_fc1, b_fc1, b_gc0, W_gc1, b_gc1,
           edge_index, e_feat):
    pad = EPAD - E
    src = jnp.concatenate(
        [edge_index[0], jnp.full((pad,), TRASH, jnp.int32)]).reshape(NROWS, CHUNK)
    dst = jnp.concatenate(
        [edge_index[1], jnp.full((pad,), TRASH, jnp.int32)]).reshape(NROWS, CHUNK)
    ef = jnp.concatenate(
        [e_feat, jnp.full((pad,), 1, e_feat.dtype)]).reshape(NROWS, CHUNK)
    zerosH = jnp.zeros((NPAD, H), jnp.float32)
    onesH = jnp.ones((CHUNK, H), jnp.float32)

    dego, degi = _sc_prep(src, dst, zerosH, onesH)
    dstm = _sc_prep2(dst, ef)
    hs = _tc_inproj(feat0, feat1, W_fc0.T, W_fc1.T, b_fc0, b_fc1, dego)
    p1 = _sc_edge(hs, src, dst, dst, zerosH)
    hs2 = _tc_mid(p1, dego, degi, b_gc0, W_gc1)
    p2 = _sc_edge(hs2, src, dst, dst, zerosH)
    h3 = _tc_last(p2, degi, b_gc1)
    p3 = _sc_edge2(h3, src, dst, dstm, zerosH)
    return _tc_final(p3)

# --- scband reference (transcript-rebuilt; emitter-appended) ---
"""Pipeline reference for scband-acm-h-gcn-21534966022323 (READ-ONLY COPY).

The authoritative reference and input builder live on the scoring server;
editing this copy changes nothing except your own understanding.
"""

import jax, jax.numpy as jnp
import numpy as np

N = 10000
E = 320000
H = 128

def setup_inputs(seed: int = 0):
    key = jax.random.key(seed)
    ks = jax.random.split(key, 12)
    edge_index = jax.random.randint(ks[0], (2, E), 0, N)
    e_feat = jax.random.randint(ks[1], (E,), 0, 8)
    feat0 = jax.random.normal(ks[2], (N // 2, H), jnp.float32)
    feat1 = jax.random.normal(ks[3], (N // 2, H), jnp.float32)
    W_fc0 = jax.random.normal(ks[4], (H, H), jnp.float32) * 0.05
    b_fc0 = jnp.zeros((H,), jnp.float32)
    W_fc1 = jax.random.normal(ks[5], (H, H), jnp.float32) * 0.05
    b_fc1 = jnp.zeros((H,), jnp.float32)
    b_gc0 = jnp.zeros((H,), jnp.float32)
    W_gc1 = jax.random.normal(ks[6], (H, H), jnp.float32) * 0.05
    b_gc1 = jnp.zeros((H,), jnp.float32)
    return {"feat0": feat0, "feat1": feat1, "W_fc0": W_fc0, "b_fc0": b_fc0, "W_fc1": W_fc1, "b_fc1": b_fc1, "b_gc0": b_gc0, "W_gc1": W_gc1, "b_gc1": b_gc1, "edge_index": edge_index, "e_feat": e_feat}

def reference(feat0, feat1, W_fc0, b_fc0, W_fc1, b_fc1, b_gc0, W_gc1, b_gc1, edge_index, e_feat):
    src = edge_index[0]
    dst = edge_index[1]
    ones = jnp.ones((E,), jnp.float32)
    deg_out = jax.ops.segment_sum(ones, src, num_segments=N)
    deg_in = jax.ops.segment_sum(ones, dst, num_segments=N)
    norm_s = jax.lax.rsqrt(jnp.clip(deg_out, 1.0))
    norm_d = jax.lax.rsqrt(jnp.clip(deg_in, 1.0))
    # per-type input projections, then concat all node types
    h0 = feat0 @ W_fc0.T + b_fc0
    h1 = feat1 @ W_fc1.T + b_fc1
    h = jnp.concatenate([h0, h1], axis=0)
    # GraphConv layer 0: weight=False, bias=True, norm='both', activation=relu (dropout = identity in eval)
    h = h * norm_s[:, None]
    h = jax.ops.segment_sum(h[src], dst, num_segments=N)
    h = h * norm_d[:, None] + b_gc0
    h = jax.nn.relu(h)
    # GraphConv layer 1: weight=True, bias=True, norm='both', activation=relu
    h = h @ W_gc1
    h = h * norm_s[:, None]
    h = jax.ops.segment_sum(h[src], dst, num_segments=N)
    h = h * norm_d[:, None] + b_gc1
    h = jax.nn.relu(h)
    # heterogeneous edge-type masked final aggregation: m = ft + sum_k where(e==k, ft, 0), k in {0,2,4,6}
    e = e_feat.reshape(-1).astype(jnp.float32)
    mult = 1.0 + (e == 0.0).astype(jnp.float32) + (e == 2.0).astype(jnp.float32) + (e == 4.0).astype(jnp.float32) + (e == 6.0).astype(jnp.float32)
    m = h[src] * mult[:, None]
    out = jax.ops.segment_sum(m, dst, num_segments=N)
    return out

if __name__ == "__main__":
    import jax
    _d = setup_inputs()
    print(jax.jit(kernel)(*tuple(_d.values())))

</pallas_src>

<mosaic_0001>
#map = affine_map<(d0, d1) -> (0, 0)>
#map1 = affine_map<(d0, d1) -> (0, 0, 0)>
module attributes {stable_mosaic.version = 14 : i64} {
  func.func @_sc_prep_body(%arg0: i32, %arg1: i32, %arg2: memref<2560x128xi32, #tpu.memory_space<hbm>>, %arg3: memref<2560x128xi32, #tpu.memory_space<hbm>>, %arg4: memref<10112x128xf32, #tpu.memory_space<hbm>>, %arg5: memref<128x128xf32, #tpu.memory_space<hbm>>, %arg6: memref<2x10112x128xf32, #tpu.memory_space<hbm>>, %arg7: memref<2x10112x128xf32, #tpu.memory_space<hbm>>, %arg8: memref<80x128xi32, #tpu.memory_space<vmem>>, %arg9: memref<80x128xi32, #tpu.memory_space<vmem>>, %arg10: memref<128x128xf32, #tpu.memory_space<vmem>>, %arg11: memref<10112x128xf32, #tpu.memory_space<vmem_shared>>) attributes {dimension_semantics = [#tpu.dimension_semantics<core_parallel>, #tpu.dimension_semantics<subcore_parallel>], iteration_bounds = array<i64: 2, 16>, scalar_prefetch = 0 : i64, scratch_operands = 4 : i64, tpu.core_type = #tpu.core_type<sc_vector_subcore>, window_params = [{transform_indices = #map}, {transform_indices = #map}, {transform_indices = #map}, {transform_indices = #map}, {transform_indices = #map1}, {transform_indices = #map1}]} {
    %mul3A = arith.constant 16 : i32
    %mul3A_0 = arith.muli %arg0, %mul3A : i32
    %add3A = arith.addi %mul3A_0, %arg1 : i32
    %mul3A_1 = arith.constant 80 : i32
    %mul3A_2 = arith.muli %add3A, %mul3A_1 : i32
    %mul3A_3 = arith.constant 632 : i32
    %mul3A_4 = arith.muli %arg1, %mul3A_3 : i32
    %mul3A_5 = arith.constant 632 : i32
    %mul3A_6 = arith.muli %arg1, %mul3A_5 : i32
    "tpu.region"() ({
      %run_scoped3A = tpu.sem_alloc : memref<!tpu.dma_semaphore, #tpu.memory_space<semaphore_mem>>
      %dma_start3A = arith.constant 0 : i32
      %dma_start3A_33 = tpu.memref_slice %arg11[%mul3A_6, %dma_start3A] : memref<10112x128xf32, #tpu.memory_space<vmem_shared>> -> memref<632x128xf32, #tpu.memory_space<vmem_shared>>
      %dma_start3A_34 = arith.constant 0 : i32
      %dma_start3A_35 = tpu.memref_slice %arg4[%mul3A_4, %dma_start3A_34] : memref<10112x128xf32, #tpu.memory_space<hbm>> -> memref<632x128xf32, #tpu.memory_space<hbm>>
      tpu.enqueue_dma source(%dma_start3A_35 : memref<632x128xf32, #tpu.memory_space<hbm>>) target(%dma_start3A_33 : memref<632x128xf32, #tpu.memory_space<vmem_shared>>) target_semaphore(%run_scoped3A : memref<!tpu.dma_semaphore, #tpu.memory_space<semaphore_mem>>)
      %dma_wait3A = arith.constant 0 : i32
      %dma_wait3A_36 = tpu.memref_slice %arg11[%mul3A_6, %dma_wait3A] : memref<10112x128xf32, #tpu.memory_space<vmem_shared>> -> memref<632x128xf32, #tpu.memory_space<vmem_shared>>
      %dma_wait3A_37 = arith.constant 0 : i32
      %dma_wait3A_38 = tpu.memref_slice %arg4[%mul3A_4, %dma_wait3A_37] : memref<10112x128xf32, #tpu.memory_space<hbm>> -> memref<632x128xf32, #tpu.memory_space<hbm>>
      tpu.wait_dma2 semaphore(%run_scoped3A : memref<!tpu.dma_semaphore, #tpu.memory_space<semaphore_mem>>) src(%dma_wait3A_38 : memref<632x128xf32, #tpu.memory_space<hbm>>) dst(%dma_wait3A_36 : memref<632x128xf32, #tpu.memory_space<vmem_shared>>)
      tpu.yield
    }) : () -> ()
    "tpu.region"() ({
      %run_scoped3A = tpu.sem_alloc : memref<!tpu.dma_semaphore, #tpu.memory_space<semaphore_mem>>
      %dma_start3A = arith.constant 0 : i32
      %dma_start3A_33 = tpu.memref_slice %arg2[%mul3A_2, %dma_start3A] : memref<2560x128xi32, #tpu.memory_space<hbm>> -> memref<80x128xi32, #tpu.memory_space<hbm>>
      %dma_start3A_34 = arith.constant 0 : i32
      %dma_start3A_35 = tpu.memref_slice %arg2[%mul3A_2, %dma_start3A_34] : memref<2560x128xi32, #tpu.memory_space<hbm>> -> memref<80x128xi32, #tpu.memory_space<hbm>>
      tpu.enqueue_dma source(%dma_start3A_35 : memref<80x128xi32, #tpu.memory_space<hbm>>) target(%arg8 : memref<80x128xi32, #tpu.memory_space<vmem>>) target_semaphore(%run_scoped3A : memref<!tpu.dma_semaphore, #tpu.memory_space<semaphore_mem>>)
      %dma_wait3A = arith.constant 0 : i32
      %dma_wait3A_36 = tpu.memref_slice %arg2[%mul3A_2, %dma_wait3A] : memref<2560x128xi32, #tpu.memory_space<hbm>> -> memref<80x128xi32, #tpu.memory_space<hbm>>
      %dma_wait3A_37 = arith.constant 0 : i32
      %dma_wait3A_38 = tpu.memref_slice %arg2[%mul3A_2, %dma_wait3A_37] : memref<2560x128xi32, #tpu.memory_space<hbm>> -> memref<80x128xi32, #tpu.memory_space<hbm>>
      tpu.wait_dma2 semaphore(%run_scoped3A : memref<!tpu.dma_semaphore, #tpu.memory_space<semaphore_mem>>) src(%dma_wait3A_38 : memref<80x128xi32, #tpu.memory_space<hbm>>) dst(%arg8 : memref<80x128xi32, #tpu.memory_space<vmem>>)
      tpu.yield
    }) : () -> ()
    "tpu.region"() ({
      %run_scoped3A = tpu.sem_alloc : memref<!tpu.dma_semaphore, #tpu.memory_space<semaphore_mem>>
      %dma_start3A = arith.constant 0 : i32
      %dma_start3A_33 = tpu.memref_slice %arg3[%mul3A_2, %dma_start3A] : memref<2560x128xi32, #tpu.memory_space<hbm>> -> memref<80x128xi32, #tpu.memory_space<hbm>>
      %dma_start3A_34 = arith.constant 0 : i32
      %dma_start3A_35 = tpu.memref_slice %arg3[%mul3A_2, %dma_start3A_34] : memref<2560x128xi32, #tpu.memory_space<hbm>> -> memref<80x128xi32, #tpu.memory_space<hbm>>
      tpu.enqueue_dma source(%dma_start3A_35 : memref<80x128xi32, #tpu.memory_space<hbm>>) target(%arg9 : memref<80x128xi32, #tpu.memory_space<vmem>>) target_semaphore(%run_scoped3A : memref<!tpu.dma_semaphore, #tpu.memory_space<semaphore_mem>>)
      %dma_wait3A = arith.constant 0 : i32
      %dma_wait3A_36 = tpu.memref_slice %arg3[%mul3A_2, %dma_wait3A] : memref<2560x128xi32, #tpu.memory_space<hbm>> -> memref<80x128xi32, #tpu.memory_space<hbm>>
      %dma_wait3A_37 = arith.constant 0 : i32
      %dma_wait3A_38 = tpu.memref_slice %arg3[%mul3A_2, %dma_wait3A_37] : memref<2560x128xi32, #tpu.memory_space<hbm>> -> memref<80x128xi32, #tpu.memory_space<hbm>>
      tpu.wait_dma2 semaphore(%run_scoped3A : memref<!tpu.dma_semaphore, #tpu.memory_space<semaphore_mem>>) src(%dma_wait3A_38 : memref<80x128xi32, #tpu.memory_space<hbm>>) dst(%arg9 : memref<80x128xi32, #tpu.memory_space<vmem>>)
      tpu.yield
    }) : () -> ()
    "tpu.region"() ({
      %run_scoped3A = tpu.sem_alloc : memref<!tpu.dma_semaphore, #tpu.memory_space<semaphore_mem>>
      tpu.enqueue_dma source(%arg5 : memref<128x128xf32, #tpu.memory_space<hbm>>) target(%arg10 : memref<128x128xf32, #tpu.memory_space<vmem>>) target_semaphore(%run_scoped3A : memref<!tpu.dma_semaphore, #tpu.memory_space<semaphore_mem>>)
      tpu.wait_dma2 semaphore(%run_scoped3A : memref<!tpu.dma_semaphore, #tpu.memory_space<semaphore_mem>>) src(%arg5 : memref<128x128xf32, #tpu.memory_space<hbm>>) dst(%arg10 : memref<128x128xf32, #tpu.memory_space<vmem>>)
      tpu.yield
    }) : () -> ()
    %barrier3A = arith.constant 0 : index
    tpu.barrier barrier_id(%barrier3A)
    %scan3A = arith.constant 0 : i32
    %scan3A_7 = arith.constant 0 : i32
    %scan3A_8 = arith.constant 80 : i32
    %scan3A_9 = arith.addi %scan3A_7, %scan3A_8 : i32
    %scan3A_10 = arith.constant 1 : i32
    scf.for %scan3A_33 = %scan3A_7 to %scan3A_9 step %scan3A_10  : i32 {
      "tpu.region"() ({
        %run_scoped3A = tpu.sem_alloc : memref<!tpu.dma_semaphore, #tpu.memory_space<semaphore_mem>>
        %dma_start3A = arith.constant 0 : i32
        %dma_start3A_34 = tpu.memref_slice %arg8[%scan3A_33, %dma_start3A] : memref<80x128xi32, #tpu.memory_space<vmem>> -> memref<1x128xi32, #tpu.memory_space<vmem>>
        %dma_start3A_35 = tpu.memref_squeeze %dma_start3A_34 : memref<1x128xi32, #tpu.memory_space<vmem>> -> memref<128xi32, #tpu.memory_space<vmem>>
        %dma_start3A_36 = arith.constant 0 : i32
        %dma_start3A_37 = arith.constant 0 : i32
        %dma_start3A_38 = tpu.memref_slice %arg11[%dma_start3A_36, %dma_start3A_37] : memref<10112x128xf32, #tpu.memory_space<vmem_shared>> -> memref<10112x128xf32, #tpu.memory_space<vmem_shared>>
        tpu.enqueue_indirect_dma source(%arg10 : memref<128x128xf32, #tpu.memory_space<vmem>>) target(%dma_start3A_38 : memref<10112x128xf32, #tpu.memory_space<vmem_shared>>) offsets(%dma_start3A_35 : memref<128xi32, #tpu.memory_space<vmem>>) semaphore(%run_scoped3A : memref<!tpu.dma_semaphore, #tpu.memory_space<semaphore_mem>>) {add = true}
        %dma_wait3A = arith.constant 0 : i32
        %dma_wait3A_39 = tpu.memref_slice %arg8[%scan3A_33, %dma_wait3A] : memref<80x128xi32, #tpu.memory_space<vmem>> -> memref<1x128xi32, #tpu.memory_space<vmem>>
        %dma_wait3A_40 = tpu.memref_squeeze %dma_wait3A_39 : memref<1x128xi32, #tpu.memory_space<vmem>> -> memref<128xi32, #tpu.memory_space<vmem>>
        %dma_wait3A_41 = arith.constant 0 : i32
        %dma_wait3A_42 = arith.constant 0 : i32
        %dma_wait3A_43 = tpu.memref_slice %arg11[%dma_wait3A_41, %dma_wait3A_42] : memref<10112x128xf32, #tpu.memory_space<vmem_shared>> -> memref<10112x128xf32, #tpu.memory_space<vmem_shared>>
        tpu.wait_indirect_dma semaphore(%run_scoped3A : memref<!tpu.dma_semaphore, #tpu.memory_space<semaphore_mem>>) src(%arg10 : memref<128x128xf32, #tpu.memory_space<vmem>>) dst(%dma_wait3A_43 : memref<10112x128xf32, #tpu.memory_space<vmem_shared>>)
        tpu.yield
      }) : () -> ()
    }
    %scan3A_11 = arith.constant 80 : i32
    %barrier3A_12 = arith.constant 0 : index
    tpu.barrier barrier_id(%barrier3A_12)
    %mul3A_13 = arith.constant 632 : i32
    %mul3A_14 = arith.muli %arg1, %mul3A_13 : i32
    %mul3A_15 = arith.constant 632 : i32
    %mul3A_16 = arith.muli %arg1, %mul3A_15 : i32
    "tpu.region"() ({
      %run_scoped3A = tpu.sem_alloc : memref<!tpu.dma_semaphore, #tpu.memory_space<semaphore_mem>>
      %dma_start3A = arith.constant 0 : i32
      %dma_start3A_33 = tpu.memref_slice %arg6[%arg0, %mul3A_16, %dma_start3A] : memref<2x10112x128xf32, #tpu.memory_space<hbm>> -> memref<1x632x128xf32, #tpu.memory_space<hbm>>
      %dma_start3A_34 = tpu.memref_squeeze %dma_start3A_33 : memref<1x632x128xf32, #tpu.memory_space<hbm>> -> memref<632x128xf32, #tpu.memory_space<hbm>>
      %dma_start3A_35 = arith.constant 0 : i32
      %dma_start3A_36 = tpu.memref_slice %arg11[%mul3A_14, %dma_start3A_35] : memref<10112x128xf32, #tpu.memory_space<vmem_shared>> -> memref<632x128xf32, #tpu.memory_space<vmem_shared>>
      tpu.enqueue_dma source(%dma_start3A_36 : memref<632x128xf32, #tpu.memory_space<vmem_shared>>) target(%dma_start3A_34 : memref<632x128xf32, #tpu.memory_space<hbm>>) target_semaphore(%run_scoped3A : memref<!tpu.dma_semaphore, #tpu.memory_space<semaphore_mem>>)
      %dma_wait3A = arith.constant 0 : i32
      %dma_wait3A_37 = tpu.memref_slice %arg6[%arg0, %mul3A_16, %dma_wait3A] : memref<2x10112x128xf32, #tpu.memory_space<hbm>> -> memref<1x632x128xf32, #tpu.memory_space<hbm>>
      %dma_wait3A_38 = tpu.memref_squeeze %dma_wait3A_37 : memref<1x632x128xf32, #tpu.memory_space<hbm>> -> memref<632x128xf32, #tpu.memory_space<hbm>>
      %dma_wait3A_39 = arith.constant 0 : i32
      %dma_wait3A_40 = tpu.memref_slice %arg11[%mul3A_14, %dma_wait3A_39] : memref<10112x128xf32, #tpu.memory_space<vmem_shared>> -> memref<632x128xf32, #tpu.memory_space<vmem_shared>>
      tpu.wait_dma2 semaphore(%run_scoped3A : memref<!tpu.dma_semaphore, #tpu.memory_space<semaphore_mem>>) src(%dma_wait3A_40 : memref<632x128xf32, #tpu.memory_space<vmem_shared>>) dst(%dma_wait3A_38 : memref<632x128xf32, #tpu.memory_space<hbm>>)
      tpu.yield
    }) : () -> ()
    %mul3A_17 = arith.constant 632 : i32
    %mul3A_18 = arith.muli %arg1, %mul3A_17 : i32
    %mul3A_19 = arith.constant 632 : i32
    %mul3A_20 = arith.muli %arg1, %mul3A_19 : i32
    "tpu.region"() ({
      %run_scoped3A = tpu.sem_alloc : memref<!tpu.dma_semaphore, #tpu.memory_space<semaphore_mem>>
      %dma_start3A = arith.constant 0 : i32
      %dma_start3A_33 = tpu.memref_slice %arg11[%mul3A_20, %dma_start3A] : memref<10112x128xf32, #tpu.memory_space<vmem_shared>> -> memref<632x128xf32, #tpu.memory_space<vmem_shared>>
      %dma_start3A_34 = arith.constant 0 : i32
      %dma_start3A_35 = tpu.memref_slice %arg4[%mul3A_18, %dma_start3A_34] : memref<10112x128xf32, #tpu.memory_space<hbm>> -> memref<632x128xf32, #tpu.memory_space<hbm>>
      tpu.enqueue_dma source(%dma_start3A_35 : memref<632x128xf32, #tpu.memory_space<hbm>>) target(%dma_start3A_33 : memref<632x128xf32, #tpu.memory_space<vmem_shared>>) target_semaphore(%run_scoped3A : memref<!tpu.dma_semaphore, #tpu.memory_space<semaphore_mem>>)
      %dma_wait3A = arith.constant 0 : i32
      %dma_wait3A_36 = tpu.memref_slice %arg11[%mul3A_20, %dma_wait3A] : memref<10112x128xf32, #tpu.memory_space<vmem_shared>> -> memref<632x128xf32, #tpu.memory_space<vmem_shared>>
      %dma_wait3A_37 = arith.constant 0 : i32
      %dma_wait3A_38 = tpu.memref_slice %arg4[%mul3A_18, %dma_wait3A_37] : memref<10112x128xf32, #tpu.memory_space<hbm>> -> memref<632x128xf32, #tpu.memory_space<hbm>>
      tpu.wait_dma2 semaphore(%run_scoped3A : memref<!tpu.dma_semaphore, #tpu.memory_space<semaphore_mem>>) src(%dma_wait3A_38 : memref<632x128xf32, #tpu.memory_space<hbm>>) dst(%dma_wait3A_36 : memref<632x128xf32, #tpu.memory_space<vmem_shared>>)
      tpu.yield
    }) : () -> ()
    %barrier3A_21 = arith.constant 0 : index
    tpu.barrier barrier_id(%barrier3A_21)
    %scan3A_22 = arith.constant 0 : i32
    %scan3A_23 = arith.constant 0 : i32
    %scan3A_24 = arith.constant 80 : i32
    %scan3A_25 = arith.addi %scan3A_23, %scan3A_24 : i32
    %scan3A_26 = arith.constant 1 : i32
    scf.for %scan3A_33 = %scan3A_23 to %scan3A_25 step %scan3A_26  : i32 {
      "tpu.region"() ({
        %run_scoped3A = tpu.sem_alloc : memref<!tpu.dma_semaphore, #tpu.memory_space<semaphore_mem>>
        %dma_start3A = arith.constant 0 : i32
        %dma_start3A_34 = tpu.memref_slice %arg9[%scan3A_33, %dma_start3A] : memref<80x128xi32, #tpu.memory_space<vmem>> -> memref<1x128xi32, #tpu.memory_space<vmem>>
        %dma_start3A_35 = tpu.memref_squeeze %dma_start3A_34 : memref<1x128xi32, #tpu.memory_space<vmem>> -> memref<128xi32, #tpu.memory_space<vmem>>
        %dma_start3A_36 = arith.constant 0 : i32
        %dma_start3A_37 = arith.constant 0 : i32
        %dma_start3A_38 = tpu.memref_slice %arg11[%dma_start3A_36, %dma_start3A_37] : memref<10112x128xf32, #tpu.memory_space<vmem_shared>> -> memref<10112x128xf32, #tpu.memory_space<vmem_shared>>
        tpu.enqueue_indirect_dma source(%arg10 : memref<128x128xf32, #tpu.memory_space<vmem>>) target(%dma_start3A_38 : memref<10112x128xf32, #tpu.memory_space<vmem_shared>>) offsets(%dma_start3A_35 : memref<128xi32, #tpu.memory_space<vmem>>) semaphore(%run_scoped3A : memref<!tpu.dma_semaphore, #tpu.memory_space<semaphore_mem>>) {add = true}
        %dma_wait3A = arith.constant 0 : i32
        %dma_wait3A_39 = tpu.memref_slice %arg9[%scan3A_33, %dma_wait3A] : memref<80x128xi32, #tpu.memory_space<vmem>> -> memref<1x128xi32, #tpu.memory_space<vmem>>
        %dma_wait3A_40 = tpu.memref_squeeze %dma_wait3A_39 : memref<1x128xi32, #tpu.memory_space<vmem>> -> memref<128xi32, #tpu.memory_space<vmem>>
        %dma_wait3A_41 = arith.constant 0 : i32
        %dma_wait3A_42 = arith.constant 0 : i32
        %dma_wait3A_43 = tpu.memref_slice %arg11[%dma_wait3A_41, %dma_wait3A_42] : memref<10112x128xf32, #tpu.memory_space<vmem_shared>> -> memref<10112x128xf32, #tpu.memory_space<vmem_shared>>
        tpu.wait_indirect_dma semaphore(%run_scoped3A : memref<!tpu.dma_semaphore, #tpu.memory_space<semaphore_mem>>) src(%arg10 : memref<128x128xf32, #tpu.memory_space<vmem>>) dst(%dma_wait3A_43 : memref<10112x128xf32, #tpu.memory_space<vmem_shared>>)
        tpu.yield
      }) : () -> ()
    }
    %scan3A_27 = arith.constant 80 : i32
    %barrier3A_28 = arith.constant 0 : index
    tpu.barrier barrier_id(%barrier3A_28)
    %mul3A_29 = arith.constant 632 : i32
    %mul3A_30 = arith.muli %arg1, %mul3A_29 : i32
    %mul3A_31 = arith.constant 632 : i32
    %mul3A_32 = arith.muli %arg1, %mul3A_31 : i32
    "tpu.region"() ({
      %run_scoped3A = tpu.sem_alloc : memref<!tpu.dma_semaphore, #tpu.memory_space<semaphore_mem>>
      %dma_start3A = arith.constant 0 : i32
      %dma_start3A_33 = tpu.memref_slice %arg7[%arg0, %mul3A_32, %dma_start3A] : memref<2x10112x128xf32, #tpu.memory_space<hbm>> -> memref<1x632x128xf32, #tpu.memory_space<hbm>>
      %dma_start3A_34 = tpu.memref_squeeze %dma_start3A_33 : memref<1x632x128xf32, #tpu.memory_space<hbm>> -> memref<632x128xf32, #tpu.memory_space<hbm>>
      %dma_start3A_35 = arith.constant 0 : i32
      %dma_start3A_36 = tpu.memref_slice %arg11[%mul3A_30, %dma_start3A_35] : memref<10112x128xf32, #tpu.memory_space<vmem_shared>> -> memref<632x128xf32, #tpu.memory_space<vmem_shared>>
      tpu.enqueue_dma source(%dma_start3A_36 : memref<632x128xf32, #tpu.memory_space<vmem_shared>>) target(%dma_start3A_34 : memref<632x128xf32, #tpu.memory_space<hbm>>) target_semaphore(%run_scoped3A : memref<!tpu.dma_semaphore, #tpu.memory_space<semaphore_mem>>)
      %dma_wait3A = arith.constant 0 : i32
      %dma_wait3A_37 = tpu.memref_slice %arg7[%arg0, %mul3A_32, %dma_wait3A] : memref<2x10112x128xf32, #tpu.memory_space<hbm>> -> memref<1x632x128xf32, #tpu.memory_space<hbm>>
      %dma_wait3A_38 = tpu.memref_squeeze %dma_wait3A_37 : memref<1x632x128xf32, #tpu.memory_space<hbm>> -> memref<632x128xf32, #tpu.memory_space<hbm>>
      %dma_wait3A_39 = arith.constant 0 : i32
      %dma_wait3A_40 = tpu.memref_slice %arg11[%mul3A_30, %dma_wait3A_39] : memref<10112x128xf32, #tpu.memory_space<vmem_shared>> -> memref<632x128xf32, #tpu.memory_space<vmem_shared>>
      tpu.wait_dma2 semaphore(%run_scoped3A : memref<!tpu.dma_semaphore, #tpu.memory_space<semaphore_mem>>) src(%dma_wait3A_40 : memref<632x128xf32, #tpu.memory_space<vmem_shared>>) dst(%dma_wait3A_38 : memref<632x128xf32, #tpu.memory_space<hbm>>)
      tpu.yield
    }) : () -> ()
    return
  }
}

#map = affine_map<(d0, d1) -> (0, 0)>
#map1 = affine_map<(d0, d1) -> (0, 0, 0)>
module attributes {stable_mosaic.version = 14 : i64} {
  func.func @_edge_body(%arg0: i32, %arg1: i32, %arg2: memref<10112x128xf32, #tpu.memory_space<hbm>>, %arg3: memref<2560x128xi32, #tpu.memory_space<hbm>>, %arg4: memref<2560x128xi32, #tpu.memory_space<hbm>>, %arg5: memref<2560x128xi32, #tpu.memory_space<hbm>>, %arg6: memref<10112x128xf32, #tpu.memory_space<hbm>>, %arg7: memref<2x10112x128xf32, #tpu.memory_space<hbm>>, %arg8: memref<40x128xi32, #tpu.memory_space<vmem>>, %arg9: memref<40x128xi32, #tpu.memory_space<vmem>>, %arg10: memref<128x128xf32, #tpu.memory_space<vmem>>, %arg11: memref<128x128xf32, #tpu.memory_space<vmem>>, %arg12: memref<10112x128xf32, #tpu.memory_space<vmem_shared>>, %arg13: memref<!tpu.dma_semaphore, #tpu.memory_space<semaphore_mem>>, %arg14: memref<!tpu.dma_semaphore, #tpu.memory_space<semaphore_mem>>, %arg15: memref<!tpu.dma_semaphore, #tpu.memory_space<semaphore_mem>>, %arg16: memref<!tpu.dma_semaphore, #tpu.memory_space<semaphore_mem>>) attributes {dimension_semantics = [#tpu.dimension_semantics<core_parallel>, #tpu.dimension_semantics<subcore_parallel>], iteration_bounds = array<i64: 2, 16>, scalar_prefetch = 0 : i64, scratch_operands = 9 : i64, tpu.core_type = #tpu.core_type<sc_vector_subcore>, window_params = [{transform_indices = #map}, {transform_indices = #map}, {transform_indices = #map}, {transform_indices = #map}, {transform_indices = #map}, {transform_indices = #map1}]} {
    %mul3A = arith.constant 16 : i32
    %mul3A_0 = arith.muli %arg0, %mul3A : i32
    %add3A = arith.addi %mul3A_0, %arg1 : i32
    %mul3A_1 = arith.constant 80 : i32
    %mul3A_2 = arith.muli %add3A, %mul3A_1 : i32
    %mul3A_3 = arith.constant 632 : i32
    %mul3A_4 = arith.muli %arg1, %mul3A_3 : i32
    %mul3A_5 = arith.constant 632 : i32
    %mul3A_6 = arith.muli %arg1, %mul3A_5 : i32
    "tpu.region"() ({
      %run_scoped3A = tpu.sem_alloc : memref<!tpu.dma_semaphore, #tpu.memory_space<semaphore_mem>>
      %dma_start3A_67 = arith.constant 0 : i32
      %dma_start3A_68 = tpu.memref_slice %arg12[%mul3A_6, %dma_start3A_67] : memref<10112x128xf32, #tpu.memory_space<vmem_shared>> -> memref<632x128xf32, #tpu.memory_space<vmem_shared>>
      %dma_start3A_69 = arith.constant 0 : i32
      %dma_start3A_70 = tpu.memref_slice %arg6[%mul3A_4, %dma_start3A_69] : memref<10112x128xf32, #tpu.memory_space<hbm>> -> memref<632x128xf32, #tpu.memory_space<hbm>>
      tpu.enqueue_dma source(%dma_start3A_70 : memref<632x128xf32, #tpu.memory_space<hbm>>) target(%dma_start3A_68 : memref<632x128xf32, #tpu.memory_space<vmem_shared>>) target_semaphore(%run_scoped3A : memref<!tpu.dma_semaphore, #tpu.memory_space<semaphore_mem>>)
      %dma_wait3A_71 = arith.constant 0 : i32
      %dma_wait3A_72 = tpu.memref_slice %arg12[%mul3A_6, %dma_wait3A_71] : memref<10112x128xf32, #tpu.memory_space<vmem_shared>> -> memref<632x128xf32, #tpu.memory_space<vmem_shared>>
      %dma_wait3A_73 = arith.constant 0 : i32
      %dma_wait3A_74 = tpu.memref_slice %arg6[%mul3A_4, %dma_wait3A_73] : memref<10112x128xf32, #tpu.memory_space<hbm>> -> memref<632x128xf32, #tpu.memory_space<hbm>>
      tpu.wait_dma2 semaphore(%run_scoped3A : memref<!tpu.dma_semaphore, #tpu.memory_space<semaphore_mem>>) src(%dma_wait3A_74 : memref<632x128xf32, #tpu.memory_space<hbm>>) dst(%dma_wait3A_72 : memref<632x128xf32, #tpu.memory_space<vmem_shared>>)
      tpu.yield
    }) : () -> ()
    %barrier3A = arith.constant 0 : index
    tpu.barrier barrier_id(%barrier3A)
    %add3A_7 = arith.constant 0 : i32
    %add3A_8 = arith.addi %mul3A_2, %add3A_7 : i32
    "tpu.region"() ({
      %run_scoped3A = tpu.sem_alloc : memref<!tpu.dma_semaphore, #tpu.memory_space<semaphore_mem>>
      %dma_start3A_67 = arith.constant 0 : i32
      %dma_start3A_68 = tpu.memref_slice %arg3[%add3A_8, %dma_start3A_67] : memref<2560x128xi32, #tpu.memory_space<hbm>> -> memref<40x128xi32, #tpu.memory_space<hbm>>
      %dma_start3A_69 = arith.constant 0 : i32
      %dma_start3A_70 = tpu.memref_slice %arg3[%add3A_8, %dma_start3A_69] : memref<2560x128xi32, #tpu.memory_space<hbm>> -> memref<40x128xi32, #tpu.memory_space<hbm>>
      tpu.enqueue_dma source(%dma_start3A_70 : memref<40x128xi32, #tpu.memory_space<hbm>>) target(%arg8 : memref<40x128xi32, #tpu.memory_space<vmem>>) target_semaphore(%run_scoped3A : memref<!tpu.dma_semaphore, #tpu.memory_space<semaphore_mem>>)
      %dma_wait3A_71 = arith.constant 0 : i32
      %dma_wait3A_72 = tpu.memref_slice %arg3[%add3A_8, %dma_wait3A_71] : memref<2560x128xi32, #tpu.memory_space<hbm>> -> memref<40x128xi32, #tpu.memory_space<hbm>>
      %dma_wait3A_73 = arith.constant 0 : i32
      %dma_wait3A_74 = tpu.memref_slice %arg3[%add3A_8, %dma_wait3A_73] : memref<2560x128xi32, #tpu.memory_space<hbm>> -> memref<40x128xi32, #tpu.memory_space<hbm>>
      tpu.wait_dma2 semaphore(%run_scoped3A : memref<!tpu.dma_semaphore, #tpu.memory_space<semaphore_mem>>) src(%dma_wait3A_74 : memref<40x128xi32, #tpu.memory_space<hbm>>) dst(%arg8 : memref<40x128xi32, #tpu.memory_space<vmem>>)
      tpu.yield
    }) : () -> ()
    "tpu.region"() ({
      %run_scoped3A = tpu.sem_alloc : memref<!tpu.dma_semaphore, #tpu.memory_space<semaphore_mem>>
      %dma_start3A_67 = arith.constant 0 : i32
      %dma_start3A_68 = tpu.memref_slice %arg4[%add3A_8, %dma_start3A_67] : memref<2560x128xi32, #tpu.memory_space<hbm>> -> memref<40x128xi32, #tpu.memory_space<hbm>>
      %dma_start3A_69 = arith.constant 0 : i32
      %dma_start3A_70 = tpu.memref_slice %arg4[%add3A_8, %dma_start3A_69] : memref<2560x128xi32, #tpu.memory_space<hbm>> -> memref<40x128xi32, #tpu.memory_space<hbm>>
      tpu.enqueue_dma source(%dma_start3A_70 : memref<40x128xi32, #tpu.memory_space<hbm>>) target(%arg9 : memref<40x128xi32, #tpu.memory_space<vmem>>) target_semaphore(%run_scoped3A : memref<!tpu.dma_semaphore, #tpu.memory_space<semaphore_mem>>)
      %dma_wait3A_71 = arith.constant 0 : i32
      %dma_wait3A_72 = tpu.memref_slice %arg4[%add3A_8, %dma_wait3A_71] : memref<2560x128xi32, #tpu.memory_space<hbm>> -> memref<40x128xi32, #tpu.memory_space<hbm>>
      %dma_wait3A_73 = arith.constant 0 : i32
      %dma_wait3A_74 = tpu.memref_slice %arg4[%add3A_8, %dma_wait3A_73] : memref<2560x128xi32, #tpu.memory_space<hbm>> -> memref<40x128xi32, #tpu.memory_space<hbm>>
      tpu.wait_dma2 semaphore(%run_scoped3A : memref<!tpu.dma_semaphore, #tpu.memory_space<semaphore_mem>>) src(%dma_wait3A_74 : memref<40x128xi32, #tpu.memory_space<hbm>>) dst(%arg9 : memref<40x128xi32, #tpu.memory_space<vmem>>)
      tpu.yield
    }) : () -> ()
    %dma_start3A = arith.constant 0 : i32
    %dma_start3A_9 = arith.constant 0 : i32
    %dma_start3A_10 = tpu.memref_slice %arg8[%dma_start3A, %dma_start3A_9] : memref<40x128xi32, #tpu.memory_space<vmem>> -> memref<1x128xi32, #tpu.memory_space<vmem>>
    %dma_start3A_11 = tpu.memref_squeeze %dma_start3A_10 : memref<1x128xi32, #tpu.memory_space<vmem>> -> memref<128xi32, #tpu.memory_space<vmem>>
    %dma_start3A_12 = arith.constant 0 : i32
    %dma_start3A_13 = arith.constant 0 : i32
    %dma_start3A_14 = tpu.memref_slice %arg2[%dma_start3A_12, %dma_start3A_13] : memref<10112x128xf32, #tpu.memory_space<hbm>> -> memref<10112x128xf32, #tpu.memory_space<hbm>>
    tpu.enqueue_indirect_dma source(%dma_start3A_14 : memref<10112x128xf32, #tpu.memory_space<hbm>>) target(%arg10 : memref<128x128xf32, #tpu.memory_space<vmem>>) offsets(%dma_start3A_11 : memref<128xi32, #tpu.memory_space<vmem>>) semaphore(%arg13 : memref<!tpu.dma_semaphore, #tpu.memory_space<semaphore_mem>>)
    %scan3A = arith.constant 0 : i32
    %scan3A_15 = arith.constant 0 : i32
    %scan3A_16 = arith.constant 20 : i32
    %scan3A_17 = arith.addi %scan3A_15, %scan3A_16 : i32
    %scan3A_18 = arith.constant 1 : i32
    scf.for %scan3A_67 = %scan3A_15 to %scan3A_17 step %scan3A_18  : i32 {
      %mul3A_68 = arith.constant 2 : i32
      %mul3A_69 = arith.muli %mul3A_68, %scan3A_67 : i32
      %add3A_70 = arith.constant 0 : i32
      %add3A_71 = arith.addi %mul3A_69, %add3A_70 : i32
      %dma_wait3A_72 = arith.constant 0 : i32
      %dma_wait3A_73 = tpu.memref_slice %arg8[%add3A_71, %dma_wait3A_72] : memref<40x128xi32, #tpu.memory_space<vmem>> -> memref<1x128xi32, #tpu.memory_space<vmem>>
      %dma_wait3A_74 = tpu.memref_squeeze %dma_wait3A_73 : memref<1x128xi32, #tpu.memory_space<vmem>> -> memref<128xi32, #tpu.memory_space<vmem>>
      %dma_wait3A_75 = arith.constant 0 : i32
      %dma_wait3A_76 = arith.constant 0 : i32
      %dma_wait3A_77 = tpu.memref_slice %arg2[%dma_wait3A_75, %dma_wait3A_76] : memref<10112x128xf32, #tpu.memory_space<hbm>> -> memref<10112x128xf32, #tpu.memory_space<hbm>>
      tpu.wait_indirect_dma semaphore(%arg13 : memref<!tpu.dma_semaphore, #tpu.memory_space<semaphore_mem>>) src(%dma_wait3A_77 : memref<10112x128xf32, #tpu.memory_space<hbm>>) dst(%arg10 : memref<128x128xf32, #tpu.memory_space<vmem>>)
      %dma_start3A_78 = arith.constant 0 : i32
      %dma_start3A_79 = tpu.memref_slice %arg9[%add3A_71, %dma_start3A_78] : memref<40x128xi32, #tpu.memory_space<vmem>> -> memref<1x128xi32, #tpu.memory_space<vmem>>
      %dma_start3A_80 = tpu.memref_squeeze %dma_start3A_79 : memref<1x128xi32, #tpu.memory_space<vmem>> -> memref<128xi32, #tpu.memory_space<vmem>>
      %dma_start3A_81 = arith.constant 0 : i32
      %dma_start3A_82 = arith.constant 0 : i32
      %dma_start3A_83 = tpu.memref_slice %arg12[%dma_start3A_81, %dma_start3A_82] : memref<10112x128xf32, #tpu.memory_space<vmem_shared>> -> memref<10112x128xf32, #tpu.memory_space<vmem_shared>>
      tpu.enqueue_indirect_dma source(%arg10 : memref<128x128xf32, #tpu.memory_space<vmem>>) target(%dma_start3A_83 : memref<10112x128xf32, #tpu.memory_space<vmem_shared>>) offsets(%dma_start3A_80 : memref<128xi32, #tpu.memory_space<vmem>>) semaphore(%arg15 : memref<!tpu.dma_semaphore, #tpu.memory_space<semaphore_mem>>) {add = true}
      %add3A_84 = arith.constant 1 : i32
      %add3A_85 = arith.addi %add3A_71, %add3A_84 : i32
      %ge3A = arith.constant 2 : i32
      %ge3A_86 = arith.cmpi sge, %add3A_85, %ge3A : i32
      %lt3A = arith.constant 40 : i32
      %lt3A_87 = arith.cmpi slt, %add3A_85, %lt3A : i32
      %and3A = arith.andi %ge3A_86, %lt3A_87 : i1
      %convert_element_type3A = arith.extui %and3A : i1 to i32
      %cond3A = arith.constant 0 : i32
      %cond3A_88 = arith.cmpi ne, %convert_element_type3A, %cond3A : i32
      scf.if %cond3A_88 {
        %sub3A = arith.constant 2 : i32
        %sub3A_125 = arith.subi %add3A_85, %sub3A : i32
        %dma_wait3A_126 = arith.constant 0 : i32
        %dma_wait3A_127 = tpu.memref_slice %arg9[%sub3A_125, %dma_wait3A_126] : memref<40x128xi32, #tpu.memory_space<vmem>> -> memref<1x128xi32, #tpu.memory_space<vmem>>
        %dma_wait3A_128 = tpu.memref_squeeze %dma_wait3A_127 : memref<1x128xi32, #tpu.memory_space<vmem>> -> memref<128xi32, #tpu.memory_space<vmem>>
        %dma_wait3A_129 = arith.constant 0 : i32
        %dma_wait3A_130 = arith.constant 0 : i32
        %dma_wait3A_131 = tpu.memref_slice %arg12[%dma_wait3A_129, %dma_wait3A_130] : memref<10112x128xf32, #tpu.memory_space<vmem_shared>> -> memref<10112x128xf32, #tpu.memory_space<vmem_shared>>
        tpu.wait_indirect_dma semaphore(%arg16 : memref<!tpu.dma_semaphore, #tpu.memory_space<semaphore_mem>>) src(%arg11 : memref<128x128xf32, #tpu.memory_space<vmem>>) dst(%dma_wait3A_131 : memref<10112x128xf32, #tpu.memory_space<vmem_shared>>)
      } else {
      }
      %lt3A_89 = arith.constant 40 : i32
      %lt3A_90 = arith.cmpi slt, %add3A_85, %lt3A_89 : i32
      %convert_element_type3A_91 = arith.extui %lt3A_90 : i1 to i32
      %cond3A_92 = arith.constant 0 : i32
      %cond3A_93 = arith.cmpi ne, %convert_element_type3A_91, %cond3A_92 : i32
      scf.if %cond3A_93 {
        %dma_start3A_125 = arith.constant 0 : i32
        %dma_start3A_126 = tpu.memref_slice %arg8[%add3A_85, %dma_start3A_125] : memref<40x128xi32, #tpu.memory_space<vmem>> -> memref<1x128xi32, #tpu.memory_space<vmem>>
        %dma_start3A_127 = tpu.memref_squeeze %dma_start3A_126 : memref<1x128xi32, #tpu.memory_space<vmem>> -> memref<128xi32, #tpu.memory_space<vmem>>
        %dma_start3A_128 = arith.constant 0 : i32
        %dma_start3A_129 = arith.constant 0 : i32
        %dma_start3A_130 = tpu.memref_slice %arg2[%dma_start3A_128, %dma_start3A_129] : memref<10112x128xf32, #tpu.memory_space<hbm>> -> memref<10112x128xf32, #tpu.memory_space<hbm>>
        tpu.enqueue_indirect_dma source(%dma_start3A_130 : memref<10112x128xf32, #tpu.memory_space<hbm>>) target(%arg11 : memref<128x128xf32, #tpu.memory_space<vmem>>) offsets(%dma_start3A_127 : memref<128xi32, #tpu.memory_space<vmem>>) semaphore(%arg14 : memref<!tpu.dma_semaphore, #tpu.memory_space<semaphore_mem>>)
      } else {
      }
      %mul3A_94 = arith.constant 2 : i32
      %mul3A_95 = arith.muli %mul3A_94, %scan3A_67 : i32
      %add3A_96 = arith.constant 1 : i32
      %add3A_97 = arith.addi %mul3A_95, %add3A_96 : i32
      %dma_wait3A_98 = arith.constant 0 : i32
      %dma_wait3A_99 = tpu.memref_slice %arg8[%add3A_97, %dma_wait3A_98] : memref<40x128xi32, #tpu.memory_space<vmem>> -> memref<1x128xi32, #tpu.memory_space<vmem>>
      %dma_wait3A_100 = tpu.memref_squeeze %dma_wait3A_99 : memref<1x128xi32, #tpu.memory_space<vmem>> -> memref<128xi32, #tpu.memory_space<vmem>>
      %dma_wait3A_101 = arith.constant 0 : i32
      %dma_wait3A_102 = arith.constant 0 : i32
      %dma_wait3A_103 = tpu.memref_slice %arg2[%dma_wait3A_101, %dma_wait3A_102] : memref<10112x128xf32, #tpu.memory_space<hbm>> -> memref<10112x128xf32, #tpu.memory_space<hbm>>
      tpu.wait_indirect_dma semaphore(%arg14 : memref<!tpu.dma_semaphore, #tpu.memory_space<semaphore_mem>>) src(%dma_wait3A_103 : memref<10112x128xf32, #tpu.memory_space<hbm>>) dst(%arg11 : memref<128x128xf32, #tpu.memory_space<vmem>>)
      %dma_start3A_104 = arith.constant 0 : i32
      %dma_start3A_105 = tpu.memref_slice %arg9[%add3A_97, %dma_start3A_104] : memref<40x128xi32, #tpu.memory_space<vmem>> -> memref<1x128xi32, #tpu.memory_space<vmem>>
      %dma_start3A_106 = tpu.memref_squeeze %dma_start3A_105 : memref<1x128xi32, #tpu.memory_space<vmem>> -> memref<128xi32, #tpu.memory_space<vmem>>
      %dma_start3A_107 = arith.constant 0 : i32
      %dma_start3A_108 = arith.constant 0 : i32
      %dma_start3A_109 = tpu.memref_slice %arg12[%dma_start3A_107, %dma_start3A_108] : memref<10112x128xf32, #tpu.memory_space<vmem_shared>> -> memref<10112x128xf32, #tpu.memory_space<vmem_shared>>
      tpu.enqueue_indirect_dma source(%arg11 : memref<128x128xf32, #tpu.memory_space<vmem>>) target(%dma_start3A_109 : memref<10112x128xf32, #tpu.memory_space<vmem_shared>>) offsets(%dma_start3A_106 : memref<128xi32, #tpu.memory_space<vmem>>) semaphore(%arg16 : memref<!tpu.dma_semaphore, #tpu.memory_space<semaphore_mem>>) {add = true}
      %add3A_110 = arith.constant 1 : i32
      %add3A_111 = arith.addi %add3A_97, %add3A_110 : i32
      %ge3A_112 = arith.constant 2 : i32
      %ge3A_113 = arith.cmpi sge, %add3A_111, %ge3A_112 : i32
      %lt3A_114 = arith.constant 40 : i32
      %lt3A_115 = arith.cmpi slt, %add3A_111, %lt3A_114 : i32
      %and3A_116 = arith.andi %ge3A_113, %lt3A_115 : i1
      %convert_element_type3A_117 = arith.extui %and3A_116 : i1 to i32
      %cond3A_118 = arith.constant 0 : i32
      %cond3A_119 = arith.cmpi ne, %convert_element_type3A_117, %cond3A_118 : i32
      scf.if %cond3A_119 {
        %sub3A = arith.constant 2 : i32
        %sub3A_125 = arith.subi %add3A_111, %sub3A : i32
        %dma_wait3A_126 = arith.constant 0 : i32
        %dma_wait3A_127 = tpu.memref_slice %arg9[%sub3A_125, %dma_wait3A_126] : memref<40x128xi32, #tpu.memory_space<vmem>> -> memref<1x128xi32, #tpu.memory_space<vmem>>
        %dma_wait3A_128 = tpu.memref_squeeze %dma_wait3A_127 : memref<1x128xi32, #tpu.memory_space<vmem>> -> memref<128xi32, #tpu.memory_space<vmem>>
        %dma_wait3A_129 = arith.constant 0 : i32
        %dma_wait3A_130 = arith.constant 0 : i32
        %dma_wait3A_131 = tpu.memref_slice %arg12[%dma_wait3A_129, %dma_wait3A_130] : memref<10112x128xf32, #tpu.memory_space<vmem_shared>> -> memref<10112x128xf32, #tpu.memory_space<vmem_shared>>
        tpu.wait_indirect_dma semaphore(%arg15 : memref<!tpu.dma_semaphore, #tpu.memory_space<semaphore_mem>>) src(%arg10 : memref<128x128xf32, #tpu.memory_space<vmem>>) dst(%dma_wait3A_131 : memref<10112x128xf32, #tpu.memory_space<vmem_shared>>)
      } else {
      }
      %lt3A_120 = arith.constant 40 : i32
      %lt3A_121 = arith.cmpi slt, %add3A_111, %lt3A_120 : i32
      %convert_element_type3A_122 = arith.extui %lt3A_121 : i1 to i32
      %cond3A_123 = arith.constant 0 : i32
      %cond3A_124 = arith.cmpi ne, %convert_element_type3A_122, %cond3A_123 : i32
      scf.if %cond3A_124 {
        %dma_start3A_125 = arith.constant 0 : i32
        %dma_start3A_126 = tpu.memref_slice %arg8[%add3A_111, %dma_start3A_125] : memref<40x128xi32, #tpu.memory_space<vmem>> -> memref<1x128xi32, #tpu.memory_space<vmem>>
        %dma_start3A_127 = tpu.memref_squeeze %dma_start3A_126 : memref<1x128xi32, #tpu.memory_space<vmem>> -> memref<128xi32, #tpu.memory_space<vmem>>
        %dma_start3A_128 = arith.constant 0 : i32
        %dma_start3A_129 = arith.constant 0 : i32
        %dma_start3A_130 = tpu.memref_slice %arg2[%dma_start3A_128, %dma_start3A_129] : memref<10112x128xf32, #tpu.memory_space<hbm>> -> memref<10112x128xf32, #tpu.memory_space<hbm>>
        tpu.enqueue_indirect_dma source(%dma_start3A_130 : memref<10112x128xf32, #tpu.memory_space<hbm>>) target(%arg10 : memref<128x128xf32, #tpu.memory_space<vmem>>) offsets(%dma_start3A_127 : memref<128xi32, #tpu.memory_space<vmem>>) semaphore(%arg13 : memref<!tpu.dma_semaphore, #tpu.memory_space<semaphore_mem>>)
      } else {
      }
    }
    %scan3A_19 = arith.constant 20 : i32
    %dma_wait3A = arith.constant 38 : i32
    %dma_wait3A_20 = arith.constant 0 : i32
    %dma_wait3A_21 = tpu.memref_slice %arg9[%dma_wait3A, %dma_wait3A_20] : memref<40x128xi32, #tpu.memory_space<vmem>> -> memref<1x128xi32, #tpu.memory_space<vmem>>
    %dma_wait3A_22 = tpu.memref_squeeze %dma_wait3A_21 : memref<1x128xi32, #tpu.memory_space<vmem>> -> memref<128xi32, #tpu.memory_space<vmem>>
    %dma_wait3A_23 = arith.constant 0 : i32
    %dma_wait3A_24 = arith.constant 0 : i32
    %dma_wait3A_25 = tpu.memref_slice %arg12[%dma_wait3A_23, %dma_wait3A_24] : memref<10112x128xf32, #tpu.memory_space<vmem_shared>> -> memref<10112x128xf32, #tpu.memory_space<vmem_shared>>
    tpu.wait_indirect_dma semaphore(%arg15 : memref<!tpu.dma_semaphore, #tpu.memory_space<semaphore_mem>>) src(%arg10 : memref<128x128xf32, #tpu.memory_space<vmem>>) dst(%dma_wait3A_25 : memref<10112x128xf32, #tpu.memory_space<vmem_shared>>)
    %dma_wait3A_26 = arith.constant 39 : i32
    %dma_wait3A_27 = arith.constant 0 : i32
    %dma_wait3A_28 = tpu.memref_slice %arg9[%dma_wait3A_26, %dma_wait3A_27] : memref<40x128xi32, #tpu.memory_space<vmem>> -> memref<1x128xi32, #tpu.memory_space<vmem>>
    %dma_wait3A_29 = tpu.memref_squeeze %dma_wait3A_28 : memref<1x128xi32, #tpu.memory_space<vmem>> -> memref<128xi32, #tpu.memory_space<vmem>>
    %dma_wait3A_30 = arith.constant 0 : i32
    %dma_wait3A_31 = arith.constant 0 : i32
    %dma_wait3A_32 = tpu.memref_slice %arg12[%dma_wait3A_30, %dma_wait3A_31] : memref<10112x128xf32, #tpu.memory_space<vmem_shared>> -> memref<10112x128xf32, #tpu.memory_space<vmem_shared>>
    tpu.wait_indirect_dma semaphore(%arg16 : memref<!tpu.dma_semaphore, #tpu.memory_space<semaphore_mem>>) src(%arg11 : memref<128x128xf32, #tpu.memory_space<vmem>>) dst(%dma_wait3A_32 : memref<10112x128xf32, #tpu.memory_space<vmem_shared>>)
    %add3A_33 = arith.constant 40 : i32
    %add3A_34 = arith.addi %mul3A_2, %add3A_33 : i32
    "tpu.region"() ({
      %run_scoped3A = tpu.sem_alloc : memref<!tpu.dma_semaphore, #tpu.memory_space<semaphore_mem>>
      %dma_start3A_67 = arith.constant 0 : i32
      %dma_start3A_68 = tpu.memref_slice %arg3[%add3A_34, %dma_start3A_67] : memref<2560x128xi32, #tpu.memory_space<hbm>> -> memref<40x128xi32, #tpu.memory_space<hbm>>
      %dma_start3A_69 = arith.constant 0 : i32
      %dma_start3A_70 = tpu.memref_slice %arg3[%add3A_34, %dma_start3A_69] : memref<2560x128xi32, #tpu.memory_space<hbm>> -> memref<40x128xi32, #tpu.memory_space<hbm>>
      tpu.enqueue_dma source(%dma_start3A_70 : memref<40x128xi32, #tpu.memory_space<hbm>>) target(%arg8 : memref<40x128xi32, #tpu.memory_space<vmem>>) target_semaphore(%run_scoped3A : memref<!tpu.dma_semaphore, #tpu.memory_space<semaphore_mem>>)
      %dma_wait3A_71 = arith.constant 0 : i32
      %dma_wait3A_72 = tpu.memref_slice %arg3[%add3A_34, %dma_wait3A_71] : memref<2560x128xi32, #tpu.memory_space<hbm>> -> memref<40x128xi32, #tpu.memory_space<hbm>>
      %dma_wait3A_73 = arith.constant 0 : i32
      %dma_wait3A_74 = tpu.memref_slice %arg3[%add3A_34, %dma_wait3A_73] : memref<2560x128xi32, #tpu.memory_space<hbm>> -> memref<40x128xi32, #tpu.memory_space<hbm>>
      tpu.wait_dma2 semaphore(%run_scoped3A : memref<!tpu.dma_semaphore, #tpu.memory_space<semaphore_mem>>) src(%dma_wait3A_74 : memref<40x128xi32, #tpu.memory_space<hbm>>) dst(%arg8 : memref<40x128xi32, #tpu.memory_space<vmem>>)
      tpu.yield
    }) : () -> ()
    "tpu.region"() ({
      %run_scoped3A = tpu.sem_alloc : memref<!tpu.dma_semaphore, #tpu.memory_space<semaphore_mem>>
      %dma_start3A_67 = arith.constant 0 : i32
      %dma_start3A_68 = tpu.memref_slice %arg4[%add3A_34, %dma_start3A_67] : memref<2560x128xi32, #tpu.memory_space<hbm>> -> memref<40x128xi32, #tpu.memory_space<hbm>>
      %dma_start3A_69 = arith.constant 0 : i32
      %dma_start3A_70 = tpu.memref_slice %arg4[%add3A_34, %dma_start3A_69] : memref<2560x128xi32, #tpu.memory_space<hbm>> -> memref<40x128xi32, #tpu.memory_space<hbm>>
      tpu.enqueue_dma source(%dma_start3A_70 : memref<40x128xi32, #tpu.memory_space<hbm>>) target(%arg9 : memref<40x128xi32, #tpu.memory_space<vmem>>) target_semaphore(%run_scoped3A : memref<!tpu.dma_semaphore, #tpu.memory_space<semaphore_mem>>)
      %dma_wait3A_71 = arith.constant 0 : i32
      %dma_wait3A_72 = tpu.memref_slice %arg4[%add3A_34, %dma_wait3A_71] : memref<2560x128xi32, #tpu.memory_space<hbm>> -> memref<40x128xi32, #tpu.memory_space<hbm>>
      %dma_wait3A_73 = arith.constant 0 : i32
      %dma_wait3A_74 = tpu.memref_slice %arg4[%add3A_34, %dma_wait3A_73] : memref<2560x128xi32, #tpu.memory_space<hbm>> -> memref<40x128xi32, #tpu.memory_space<hbm>>
      tpu.wait_dma2 semaphore(%run_scoped3A : memref<!tpu.dma_semaphore, #tpu.memory_space<semaphore_mem>>) src(%dma_wait3A_74 : memref<40x128xi32, #tpu.memory_space<hbm>>) dst(%arg9 : memref<40x128xi32, #tpu.memory_space<vmem>>)
      tpu.yield
    }) : () -> ()
    %dma_start3A_35 = arith.constant 0 : i32
    %dma_start3A_36 = arith.constant 0 : i32
    %dma_start3A_37 = tpu.memref_slice %arg8[%dma_start3A_35, %dma_start3A_36] : memref<40x128xi32, #tpu.memory_space<vmem>> -> memref<1x128xi32, #tpu.memory_space<vmem>>
    %dma_start3A_38 = tpu.memref_squeeze %dma_start3A_37 : memref<1x128xi32, #tpu.memory_space<vmem>> -> memref<128xi32, #tpu.memory_space<vmem>>
    %dma_start3A_39 = arith.constant 0 : i32
    %dma_start3A_40 = arith.constant 0 : i32
    %dma_start3A_41 = tpu.memref_slice %arg2[%dma_start3A_39, %dma_start3A_40] : memref<10112x128xf32, #tpu.memory_space<hbm>> -> memref<10112x128xf32, #tpu.memory_space<hbm>>
    tpu.enqueue_indirect_dma source(%dma_start3A_41 : memref<10112x128xf32, #tpu.memory_space<hbm>>) target(%arg10 : memref<128x128xf32, #tpu.memory_space<vmem>>) offsets(%dma_start3A_38 : memref<128xi32, #tpu.memory_space<vmem>>) semaphore(%arg13 : memref<!tpu.dma_semaphore, #tpu.memory_space<semaphore_mem>>)
    %scan3A_42 = arith.constant 0 : i32
    %scan3A_43 = arith.constant 0 : i32
    %scan3A_44 = arith.constant 20 : i32
    %scan3A_45 = arith.addi %scan3A_43, %scan3A_44 : i32
    %scan3A_46 = arith.constant 1 : i32
    scf.for %scan3A_67 = %scan3A_43 to %scan3A_45 step %scan3A_46  : i32 {
      %mul3A_68 = arith.constant 2 : i32
      %mul3A_69 = arith.muli %mul3A_68, %scan3A_67 : i32
      %add3A_70 = arith.constant 0 : i32
      %add3A_71 = arith.addi %mul3A_69, %add3A_70 : i32
      %dma_wait3A_72 = arith.constant 0 : i32
      %dma_wait3A_73 = tpu.memref_slice %arg8[%add3A_71, %dma_wait3A_72] : memref<40x128xi32, #tpu.memory_space<vmem>> -> memref<1x128xi32, #tpu.memory_space<vmem>>
      %dma_wait3A_74 = tpu.memref_squeeze %dma_wait3A_73 : memref<1x128xi32, #tpu.memory_space<vmem>> -> memref<128xi32, #tpu.memory_space<vmem>>
      %dma_wait3A_75 = arith.constant 0 : i32
      %dma_wait3A_76 = arith.constant 0 : i32
      %dma_wait3A_77 = tpu.memref_slice %arg2[%dma_wait3A_75, %dma_wait3A_76] : memref<10112x128xf32, #tpu.memory_space<hbm>> -> memref<10112x128xf32, #tpu.memory_space<hbm>>
      tpu.wait_indirect_dma semaphore(%arg13 : memref<!tpu.dma_semaphore, #tpu.memory_space<semaphore_mem>>) src(%dma_wait3A_77 : memref<10112x128xf32, #tpu.memory_space<hbm>>) dst(%arg10 : memref<128x128xf32, #tpu.memory_space<vmem>>)
      %dma_start3A_78 = arith.constant 0 : i32
      %dma_start3A_79 = tpu.memref_slice %arg9[%add3A_71, %dma_start3A_78] : memref<40x128xi32, #tpu.memory_space<vmem>> -> memref<1x128xi32, #tpu.memory_space<vmem>>
      %dma_start3A_80 = tpu.memref_squeeze %dma_start3A_79 : memref<1x128xi32, #tpu.memory_space<vmem>> -> memref<128xi32, #tpu.memory_space<vmem>>
      %dma_start3A_81 = arith.constant 0 : i32
      %dma_start3A_82 = arith.constant 0 : i32
      %dma_start3A_83 = tpu.memref_slice %arg12[%dma_start3A_81, %dma_start3A_82] : memref<10112x128xf32, #tpu.memory_space<vmem_shared>> -> memref<10112x128xf32, #tpu.memory_space<vmem_shared>>
      tpu.enqueue_indirect_dma source(%arg10 : memref<128x128xf32, #tpu.memory_space<vmem>>) target(%dma_start3A_83 : memref<10112x128xf32, #tpu.memory_space<vmem_shared>>) offsets(%dma_start3A_80 : memref<128xi32, #tpu.memory_space<vmem>>) semaphore(%arg15 : memref<!tpu.dma_semaphore, #tpu.memory_space<semaphore_mem>>) {add = true}
      %add3A_84 = arith.constant 1 : i32
      %add3A_85 = arith.addi %add3A_71, %add3A_84 : i32
      %ge3A = arith.constant 2 : i32
      %ge3A_86 = arith.cmpi sge, %add3A_85, %ge3A : i32
      %lt3A = arith.constant 40 : i32
      %lt3A_87 = arith.cmpi slt, %add3A_85, %lt3A : i32
      %and3A = arith.andi %ge3A_86, %lt3A_87 : i1
      %convert_element_type3A = arith.extui %and3A : i1 to i32
      %cond3A = arith.constant 0 : i32
      %cond3A_88 = arith.cmpi ne, %convert_element_type3A, %cond3A : i32
      scf.if %cond3A_88 {
        %sub3A = arith.constant 2 : i32
        %sub3A_125 = arith.subi %add3A_85, %sub3A : i32
        %dma_wait3A_126 = arith.constant 0 : i32
        %dma_wait3A_127 = tpu.memref_slice %arg9[%sub3A_125, %dma_wait3A_126] : memref<40x128xi32, #tpu.memory_space<vmem>> -> memref<1x128xi32, #tpu.memory_space<vmem>>
        %dma_wait3A_128 = tpu.memref_squeeze %dma_wait3A_127 : memref<1x128xi32, #tpu.memory_space<vmem>> -> memref<128xi32, #tpu.memory_space<vmem>>
        %dma_wait3A_129 = arith.constant 0 : i32
        %dma_wait3A_130 = arith.constant 0 : i32
        %dma_wait3A_131 = tpu.memref_slice %arg12[%dma_wait3A_129, %dma_wait3A_130] : memref<10112x128xf32, #tpu.memory_space<vmem_shared>> -> memref<10112x128xf32, #tpu.memory_space<vmem_shared>>
        tpu.wait_indirect_dma semaphore(%arg16 : memref<!tpu.dma_semaphore, #tpu.memory_space<semaphore_mem>>) src(%arg11 : memref<128x128xf32, #tpu.memory_space<vmem>>) dst(%dma_wait3A_131 : memref<10112x128xf32, #tpu.memory_space<vmem_shared>>)
      } else {
      }
      %lt3A_89 = arith.constant 40 : i32
      %lt3A_90 = arith.cmpi slt, %add3A_85, %lt3A_89 : i32
      %convert_element_type3A_91 = arith.extui %lt3A_90 : i1 to i32
      %cond3A_92 = arith.constant 0 : i32
      %cond3A_93 = arith.cmpi ne, %convert_element_type3A_91, %cond3A_92 : i32
      scf.if %cond3A_93 {
        %dma_start3A_125 = arith.constant 0 : i32
        %dma_start3A_126 = tpu.memref_slice %arg8[%add3A_85, %dma_start3A_125] : memref<40x128xi32, #tpu.memory_space<vmem>> -> memref<1x128xi32, #tpu.memory_space<vmem>>
        %dma_start3A_127 = tpu.memref_squeeze %dma_start3A_126 : memref<1x128xi32, #tpu.memory_space<vmem>> -> memref<128xi32, #tpu.memory_space<vmem>>
        %dma_start3A_128 = arith.constant 0 : i32
        %dma_start3A_129 = arith.constant 0 : i32
        %dma_start3A_130 = tpu.memref_slice %arg2[%dma_start3A_128, %dma_start3A_129] : memref<10112x128xf32, #tpu.memory_space<hbm>> -> memref<10112x128xf32, #tpu.memory_space<hbm>>
        tpu.enqueue_indirect_dma source(%dma_start3A_130 : memref<10112x128xf32, #tpu.memory_space<hbm>>) target(%arg11 : memref<128x128xf32, #tpu.memory_space<vmem>>) offsets(%dma_start3A_127 : memref<128xi32, #tpu.memory_space<vmem>>) semaphore(%arg14 : memref<!tpu.dma_semaphore, #tpu.memory_space<semaphore_mem>>)
      } else {
      }
      %mul3A_94 = arith.constant 2 : i32
      %mul3A_95 = arith.muli %mul3A_94, %scan3A_67 : i32
      %add3A_96 = arith.constant 1 : i32
      %add3A_97 = arith.addi %mul3A_95, %add3A_96 : i32
      %dma_wait3A_98 = arith.constant 0 : i32
      %dma_wait3A_99 = tpu.memref_slice %arg8[%add3A_97, %dma_wait3A_98] : memref<40x128xi32, #tpu.memory_space<vmem>> -> memref<1x128xi32, #tpu.memory_space<vmem>>
      %dma_wait3A_100 = tpu.memref_squeeze %dma_wait3A_99 : memref<1x128xi32, #tpu.memory_space<vmem>> -> memref<128xi32, #tpu.memory_space<vmem>>
      %dma_wait3A_101 = arith.constant 0 : i32
      %dma_wait3A_102 = arith.constant 0 : i32
      %dma_wait3A_103 = tpu.memref_slice %arg2[%dma_wait3A_101, %dma_wait3A_102] : memref<10112x128xf32, #tpu.memory_space<hbm>> -> memref<10112x128xf32, #tpu.memory_space<hbm>>
      tpu.wait_indirect_dma semaphore(%arg14 : memref<!tpu.dma_semaphore, #tpu.memory_space<semaphore_mem>>) src(%dma_wait3A_103 : memref<10112x128xf32, #tpu.memory_space<hbm>>) dst(%arg11 : memref<128x128xf32, #tpu.memory_space<vmem>>)
      %dma_start3A_104 = arith.constant 0 : i32
      %dma_start3A_105 = tpu.memref_slice %arg9[%add3A_97, %dma_start3A_104] : memref<40x128xi32, #tpu.memory_space<vmem>> -> memref<1x128xi32, #tpu.memory_space<vmem>>
      %dma_start3A_106 = tpu.memref_squeeze %dma_start3A_105 : memref<1x128xi32, #tpu.memory_space<vmem>> -> memref<128xi32, #tpu.memory_space<vmem>>
      %dma_start3A_107 = arith.constant 0 : i32
      %dma_start3A_108 = arith.constant 0 : i32
      %dma_start3A_109 = tpu.memref_slice %arg12[%dma_start3A_107, %dma_start3A_108] : memref<10112x128xf32, #tpu.memory_space<vmem_shared>> -> memref<10112x128xf32, #tpu.memory_space<vmem_shared>>
      tpu.enqueue_indirect_dma source(%arg11 : memref<128x128xf32, #tpu.memory_space<vmem>>) target(%dma_start3A_109 : memref<10112x128xf32, #tpu.memory_space<vmem_shared>>) offsets(%dma_start3A_106 : memref<128xi32, #tpu.memory_space<vmem>>) semaphore(%arg16 : memref<!tpu.dma_semaphore, #tpu.memory_space<semaphore_mem>>) {add = true}
      %add3A_110 = arith.constant 1 : i32
      %add3A_111 = arith.addi %add3A_97, %add3A_110 : i32
      %ge3A_112 = arith.constant 2 : i32
      %ge3A_113 = arith.cmpi sge, %add3A_111, %ge3A_112 : i32
      %lt3A_114 = arith.constant 40 : i32
      %lt3A_115 = arith.cmpi slt, %add3A_111, %lt3A_114 : i32
      %and3A_116 = arith.andi %ge3A_113, %lt3A_115 : i1
      %convert_element_type3A_117 = arith.extui %and3A_116 : i1 to i32
      %cond3A_118 = arith.constant 0 : i32
      %cond3A_119 = arith.cmpi ne, %convert_element_type3A_117, %cond3A_118 : i32
      scf.if %cond3A_119 {
        %sub3A = arith.constant 2 : i32
        %sub3A_125 = arith.subi %add3A_111, %sub3A : i32
        %dma_wait3A_126 = arith.constant 0 : i32
        %dma_wait3A_127 = tpu.memref_slice %arg9[%sub3A_125, %dma_wait3A_126] : memref<40x128xi32, #tpu.memory_space<vmem>> -> memref<1x128xi32, #tpu.memory_space<vmem>>
        %dma_wait3A_128 = tpu.memref_squeeze %dma_wait3A_127 : memref<1x128xi32, #tpu.memory_space<vmem>> -> memref<128xi32, #tpu.memory_space<vmem>>
        %dma_wait3A_129 = arith.constant 0 : i32
        %dma_wait3A_130 = arith.constant 0 : i32
        %dma_wait3A_131 = tpu.memref_slice %arg12[%dma_wait3A_129, %dma_wait3A_130] : memref<10112x128xf32, #tpu.memory_space<vmem_shared>> -> memref<10112x128xf32, #tpu.memory_space<vmem_shared>>
        tpu.wait_indirect_dma semaphore(%arg15 : memref<!tpu.dma_semaphore, #tpu.memory_space<semaphore_mem>>) src(%arg10 : memref<128x128xf32, #tpu.memory_space<vmem>>) dst(%dma_wait3A_131 : memref<10112x128xf32, #tpu.memory_space<vmem_shared>>)
      } else {
      }
      %lt3A_120 = arith.constant 40 : i32
      %lt3A_121 = arith.cmpi slt, %add3A_111, %lt3A_120 : i32
      %convert_element_type3A_122 = arith.extui %lt3A_121 : i1 to i32
      %cond3A_123 = arith.constant 0 : i32
      %cond3A_124 = arith.cmpi ne, %convert_element_type3A_122, %cond3A_123 : i32
      scf.if %cond3A_124 {
        %dma_start3A_125 = arith.constant 0 : i32
        %dma_start3A_126 = tpu.memref_slice %arg8[%add3A_111, %dma_start3A_125] : memref<40x128xi32, #tpu.memory_space<vmem>> -> memref<1x128xi32, #tpu.memory_space<vmem>>
        %dma_start3A_127 = tpu.memref_squeeze %dma_start3A_126 : memref<1x128xi32, #tpu.memory_space<vmem>> -> memref<128xi32, #tpu.memory_space<vmem>>
        %dma_start3A_128 = arith.constant 0 : i32
        %dma_start3A_129 = arith.constant 0 : i32
        %dma_start3A_130 = tpu.memref_slice %arg2[%dma_start3A_128, %dma_start3A_129] : memref<10112x128xf32, #tpu.memory_space<hbm>> -> memref<10112x128xf32, #tpu.memory_space<hbm>>
        tpu.enqueue_indirect_dma source(%dma_start3A_130 : memref<10112x128xf32, #tpu.memory_space<hbm>>) target(%arg10 : memref<128x128xf32, #tpu.memory_space<vmem>>) offsets(%dma_start3A_127 : memref<128xi32, #tpu.memory_space<vmem>>) semaphore(%arg13 : memref<!tpu.dma_semaphore, #tpu.memory_space<semaphore_mem>>)
      } else {
      }
    }
    %scan3A_47 = arith.constant 20 : i32
    %dma_wait3A_48 = arith.constant 38 : i32
    %dma_wait3A_49 = arith.constant 0 : i32
    %dma_wait3A_50 = tpu.memref_slice %arg9[%dma_wait3A_48, %dma_wait3A_49] : memref<40x128xi32, #tpu.memory_space<vmem>> -> memref<1x128xi32, #tpu.memory_space<vmem>>
    %dma_wait3A_51 = tpu.memref_squeeze %dma_wait3A_50 : memref<1x128xi32, #tpu.memory_space<vmem>> -> memref<128xi32, #tpu.memory_space<vmem>>
    %dma_wait3A_52 = arith.constant 0 : i32
    %dma_wait3A_53 = arith.constant 0 : i32
    %dma_wait3A_54 = tpu.memref_slice %arg12[%dma_wait3A_52, %dma_wait3A_53] : memref<10112x128xf32, #tpu.memory_space<vmem_shared>> -> memref<10112x128xf32, #tpu.memory_space<vmem_shared>>
    tpu.wait_indirect_dma semaphore(%arg15 : memref<!tpu.dma_semaphore, #tpu.memory_space<semaphore_mem>>) src(%arg10 : memref<128x128xf32, #tpu.memory_space<vmem>>) dst(%dma_wait3A_54 : memref<10112x128xf32, #tpu.memory_space<vmem_shared>>)
    %dma_wait3A_55 = arith.constant 39 : i32
    %dma_wait3A_56 = arith.constant 0 : i32
    %dma_wait3A_57 = tpu.memref_slice %arg9[%dma_wait3A_55, %dma_wait3A_56] : memref<40x128xi32, #tpu.memory_space<vmem>> -> memref<1x128xi32, #tpu.memory_space<vmem>>
    %dma_wait3A_58 = tpu.memref_squeeze %dma_wait3A_57 : memref<1x128xi32, #tpu.memory_space<vmem>> -> memref<128xi32, #tpu.memory_space<vmem>>
    %dma_wait3A_59 = arith.constant 0 : i32
    %dma_wait3A_60 = arith.constant 0 : i32
    %dma_wait3A_61 = tpu.memref_slice %arg12[%dma_wait3A_59, %dma_wait3A_60] : memref<10112x128xf32, #tpu.memory_space<vmem_shared>> -> memref<10112x128xf32, #tpu.memory_space<vmem_shared>>
    tpu.wait_indirect_dma semaphore(%arg16 : memref<!tpu.dma_semaphore, #tpu.memory_space<semaphore_mem>>) src(%arg11 : memref<128x128xf32, #tpu.memory_space<vmem>>) dst(%dma_wait3A_61 : memref<10112x128xf32, #tpu.memory_space<vmem_shared>>)
    %barrier3A_62 = arith.constant 0 : index
    tpu.barrier barrier_id(%barrier3A_62)
    %mul3A_63 = arith.constant 632 : i32
    %mul3A_64 = arith.muli %arg1, %mul3A_63 : i32
    %mul3A_65 = arith.constant 632 : i32
    %mul3A_66 = arith.muli %arg1, %mul3A_65 : i32
    "tpu.region"() ({
      %run_scoped3A = tpu.sem_alloc : memref<!tpu.dma_semaphore, #tpu.memory_space<semaphore_mem>>
      %dma_start3A_67 = arith.constant 0 : i32
      %dma_start3A_68 = tpu.memref_slice %arg7[%arg0, %mul3A_66, %dma_start3A_67] : memref<2x10112x128xf32, #tpu.memory_space<hbm>> -> memref<1x632x128xf32, #tpu.memory_space<hbm>>
      %dma_start3A_69 = tpu.memref_squeeze %dma_start3A_68 : memref<1x632x128xf32, #tpu.memory_space<hbm>> -> memref<632x128xf32, #tpu.memory_space<hbm>>
      %dma_start3A_70 = arith.constant 0 : i32
      %dma_start3A_71 = tpu.memref_slice %arg12[%mul3A_64, %dma_start3A_70] : memref<10112x128xf32, #tpu.memory_space<vmem_shared>> -> memref<632x128xf32, #tpu.memory_space<vmem_shared>>
      tpu.enqueue_dma source(%dma_start3A_71 : memref<632x128xf32, #tpu.memory_space<vmem_shared>>) target(%dma_start3A_69 : memref<632x128xf32, #tpu.memory_space<hbm>>) target_semaphore(%run_scoped3A : memref<!tpu.dma_semaphore, #tpu.memory_space<semaphore_mem>>)
      %dma_wait3A_72 = arith.constant 0 : i32
      %dma_wait3A_73 = tpu.memref_slice %arg7[%arg0, %mul3A_66, %dma_wait3A_72] : memref<2x10112x128xf32, #tpu.memory_space<hbm>> -> memref<1x632x128xf32, #tpu.memory_space<hbm>>
      %dma_wait3A_74 = tpu.memref_squeeze %dma_wait3A_73 : memref<1x632x128xf32, #tpu.memory_space<hbm>> -> memref<632x128xf32, #tpu.memory_space<hbm>>
      %dma_wait3A_75 = arith.constant 0 : i32
      %dma_wait3A_76 = tpu.memref_slice %arg12[%mul3A_64, %dma_wait3A_75] : memref<10112x128xf32, #tpu.memory_space<vmem_shared>> -> memref<632x128xf32, #tpu.memory_space<vmem_shared>>
      tpu.wait_dma2 semaphore(%run_scoped3A : memref<!tpu.dma_semaphore, #tpu.memory_space<semaphore_mem>>) src(%dma_wait3A_76 : memref<632x128xf32, #tpu.memory_space<vmem_shared>>) dst(%dma_wait3A_74 : memref<632x128xf32, #tpu.memory_space<hbm>>)
      tpu.yield
    }) : () -> ()
    return
  }
}

#map = affine_map<(d0, d1) -> (0, 0)>
#map1 = affine_map<(d0, d1) -> (0, 0, 0)>
module attributes {stable_mosaic.version = 14 : i64} {
  func.func @_edge_body(%arg0: i32, %arg1: i32, %arg2: memref<10112x128xf32, #tpu.memory_space<hbm>>, %arg3: memref<2560x128xi32, #tpu.memory_space<hbm>>, %arg4: memref<2560x128xi32, #tpu.memory_space<hbm>>, %arg5: memref<2560x128xi32, #tpu.memory_space<hbm>>, %arg6: memref<10112x128xf32, #tpu.memory_space<hbm>>, %arg7: memref<2x10112x128xf32, #tpu.memory_space<hbm>>, %arg8: memref<40x128xi32, #tpu.memory_space<vmem>>, %arg9: memref<40x128xi32, #tpu.memory_space<vmem>>, %arg10: memref<128x128xf32, #tpu.memory_space<vmem>>, %arg11: memref<128x128xf32, #tpu.memory_space<vmem>>, %arg12: memref<10112x128xf32, #tpu.memory_space<vmem_shared>>, %arg13: memref<!tpu.dma_semaphore, #tpu.memory_space<semaphore_mem>>, %arg14: memref<!tpu.dma_semaphore, #tpu.memory_space<semaphore_mem>>, %arg15: memref<!tpu.dma_semaphore, #tpu.memory_space<semaphore_mem>>, %arg16: memref<!tpu.dma_semaphore, #tpu.memory_space<semaphore_mem>>) attributes {dimension_semantics = [#tpu.dimension_semantics<core_parallel>, #tpu.dimension_semantics<subcore_parallel>], iteration_bounds = array<i64: 2, 16>, scalar_prefetch = 0 : i64, scratch_operands = 9 : i64, tpu.core_type = #tpu.core_type<sc_vector_subcore>, window_params = [{transform_indices = #map}, {transform_indices = #map}, {transform_indices = #map}, {transform_indices = #map}, {transform_indices = #map}, {transform_indices = #map1}]} {
    %mul3A = arith.constant 16 : i32
    %mul3A_0 = arith.muli %arg0, %mul3A : i32
    %add3A = arith.addi %mul3A_0, %arg1 : i32
    %mul3A_1 = arith.constant 80 : i32
    %mul3A_2 = arith.muli %add3A, %mul3A_1 : i32
    %mul3A_3 = arith.constant 632 : i32
    %mul3A_4 = arith.muli %arg1, %mul3A_3 : i32
    %mul3A_5 = arith.constant 632 : i32
    %mul3A_6 = arith.muli %arg1, %mul3A_5 : i32
    "tpu.region"() ({
      %run_scoped3A = tpu.sem_alloc : memref<!tpu.dma_semaphore, #tpu.memory_space<semaphore_mem>>
      %dma_start3A_67 = arith.constant 0 : i32
      %dma_start3A_68 = tpu.memref_slice %arg12[%mul3A_6, %dma_start3A_67] : memref<10112x128xf32, #tpu.memory_space<vmem_shared>> -> memref<632x128xf32, #tpu.memory_space<vmem_shared>>
      %dma_start3A_69 = arith.constant 0 : i32
      %dma_start3A_70 = tpu.memref_slice %arg6[%mul3A_4, %dma_start3A_69] : memref<10112x128xf32, #tpu.memory_space<hbm>> -> memref<632x128xf32, #tpu.memory_space<hbm>>
      tpu.enqueue_dma source(%dma_start3A_70 : memref<632x128xf32, #tpu.memory_space<hbm>>) target(%dma_start3A_68 : memref<632x128xf32, #tpu.memory_space<vmem_shared>>) target_semaphore(%run_scoped3A : memref<!tpu.dma_semaphore, #tpu.memory_space<semaphore_mem>>)
      %dma_wait3A_71 = arith.constant 0 : i32
      %dma_wait3A_72 = tpu.memref_slice %arg12[%mul3A_6, %dma_wait3A_71] : memref<10112x128xf32, #tpu.memory_space<vmem_shared>> -> memref<632x128xf32, #tpu.memory_space<vmem_shared>>
      %dma_wait3A_73 = arith.constant 0 : i32
      %dma_wait3A_74 = tpu.memref_slice %arg6[%mul3A_4, %dma_wait3A_73] : memref<10112x128xf32, #tpu.memory_space<hbm>> -> memref<632x128xf32, #tpu.memory_space<hbm>>
      tpu.wait_dma2 semaphore(%run_scoped3A : memref<!tpu.dma_semaphore, #tpu.memory_space<semaphore_mem>>) src(%dma_wait3A_74 : memref<632x128xf32, #tpu.memory_space<hbm>>) dst(%dma_wait3A_72 : memref<632x128xf32, #tpu.memory_space<vmem_shared>>)
      tpu.yield
    }) : () -> ()
    %barrier3A = arith.constant 0 : index
    tpu.barrier barrier_id(%barrier3A)
    %add3A_7 = arith.constant 0 : i32
    %add3A_8 = arith.addi %mul3A_2, %add3A_7 : i32
    "tpu.region"() ({
      %run_scoped3A = tpu.sem_alloc : memref<!tpu.dma_semaphore, #tpu.memory_space<semaphore_mem>>
      %dma_start3A_67 = arith.constant 0 : i32
      %dma_start3A_68 = tpu.memref_slice %arg3[%add3A_8, %dma_start3A_67] : memref<2560x128xi32, #tpu.memory_space<hbm>> -> memref<40x128xi32, #tpu.memory_space<hbm>>
      %dma_start3A_69 = arith.constant 0 : i32
      %dma_start3A_70 = tpu.memref_slice %arg3[%add3A_8, %dma_start3A_69] : memref<2560x128xi32, #tpu.memory_space<hbm>> -> memref<40x128xi32, #tpu.memory_space<hbm>>
      tpu.enqueue_dma source(%dma_start3A_70 : memref<40x128xi32, #tpu.memory_space<hbm>>) target(%arg8 : memref<40x128xi32, #tpu.memory_space<vmem>>) target_semaphore(%run_scoped3A : memref<!tpu.dma_semaphore, #tpu.memory_space<semaphore_mem>>)
      %dma_wait3A_71 = arith.constant 0 : i32
      %dma_wait3A_72 = tpu.memref_slice %arg3[%add3A_8, %dma_wait3A_71] : memref<2560x128xi32, #tpu.memory_space<hbm>> -> memref<40x128xi32, #tpu.memory_space<hbm>>
      %dma_wait3A_73 = arith.constant 0 : i32
      %dma_wait3A_74 = tpu.memref_slice %arg3[%add3A_8, %dma_wait3A_73] : memref<2560x128xi32, #tpu.memory_space<hbm>> -> memref<40x128xi32, #tpu.memory_space<hbm>>
      tpu.wait_dma2 semaphore(%run_scoped3A : memref<!tpu.dma_semaphore, #tpu.memory_space<semaphore_mem>>) src(%dma_wait3A_74 : memref<40x128xi32, #tpu.memory_space<hbm>>) dst(%arg8 : memref<40x128xi32, #tpu.memory_space<vmem>>)
      tpu.yield
    }) : () -> ()
    "tpu.region"() ({
      %run_scoped3A = tpu.sem_alloc : memref<!tpu.dma_semaphore, #tpu.memory_space<semaphore_mem>>
      %dma_start3A_67 = arith.constant 0 : i32
      %dma_start3A_68 = tpu.memref_slice %arg4[%add3A_8, %dma_start3A_67] : memref<2560x128xi32, #tpu.memory_space<hbm>> -> memref<40x128xi32, #tpu.memory_space<hbm>>
      %dma_start3A_69 = arith.constant 0 : i32
      %dma_start3A_70 = tpu.memref_slice %arg4[%add3A_8, %dma_start3A_69] : memref<2560x128xi32, #tpu.memory_space<hbm>> -> memref<40x128xi32, #tpu.memory_space<hbm>>
      tpu.enqueue_dma source(%dma_start3A_70 : memref<40x128xi32, #tpu.memory_space<hbm>>) target(%arg9 : memref<40x128xi32, #tpu.memory_space<vmem>>) target_semaphore(%run_scoped3A : memref<!tpu.dma_semaphore, #tpu.memory_space<semaphore_mem>>)
      %dma_wait3A_71 = arith.constant 0 : i32
      %dma_wait3A_72 = tpu.memref_slice %arg4[%add3A_8, %dma_wait3A_71] : memref<2560x128xi32, #tpu.memory_space<hbm>> -> memref<40x128xi32, #tpu.memory_space<hbm>>
      %dma_wait3A_73 = arith.constant 0 : i32
      %dma_wait3A_74 = tpu.memref_slice %arg4[%add3A_8, %dma_wait3A_73] : memref<2560x128xi32, #tpu.memory_space<hbm>> -> memref<40x128xi32, #tpu.memory_space<hbm>>
      tpu.wait_dma2 semaphore(%run_scoped3A : memref<!tpu.dma_semaphore, #tpu.memory_space<semaphore_mem>>) src(%dma_wait3A_74 : memref<40x128xi32, #tpu.memory_space<hbm>>) dst(%arg9 : memref<40x128xi32, #tpu.memory_space<vmem>>)
      tpu.yield
    }) : () -> ()
    %dma_start3A = arith.constant 0 : i32
    %dma_start3A_9 = arith.constant 0 : i32
    %dma_start3A_10 = tpu.memref_slice %arg8[%dma_start3A, %dma_start3A_9] : memref<40x128xi32, #tpu.memory_space<vmem>> -> memref<1x128xi32, #tpu.memory_space<vmem>>
    %dma_start3A_11 = tpu.memref_squeeze %dma_start3A_10 : memref<1x128xi32, #tpu.memory_space<vmem>> -> memref<128xi32, #tpu.memory_space<vmem>>
    %dma_start3A_12 = arith.constant 0 : i32
    %dma_start3A_13 = arith.constant 0 : i32
    %dma_start3A_14 = tpu.memref_slice %arg2[%dma_start3A_12, %dma_start3A_13] : memref<10112x128xf32, #tpu.memory_space<hbm>> -> memref<10112x128xf32, #tpu.memory_space<hbm>>
    tpu.enqueue_indirect_dma source(%dma_start3A_14 : memref<10112x128xf32, #tpu.memory_space<hbm>>) target(%arg10 : memref<128x128xf32, #tpu.memory_space<vmem>>) offsets(%dma_start3A_11 : memref<128xi32, #tpu.memory_space<vmem>>) semaphore(%arg13 : memref<!tpu.dma_semaphore, #tpu.memory_space<semaphore_mem>>)
    %scan3A = arith.constant 0 : i32
    %scan3A_15 = arith.constant 0 : i32
    %scan3A_16 = arith.constant 20 : i32
    %scan3A_17 = arith.addi %scan3A_15, %scan3A_16 : i32
    %scan3A_18 = arith.constant 1 : i32
    scf.for %scan3A_67 = %scan3A_15 to %scan3A_17 step %scan3A_18  : i32 {
      %mul3A_68 = arith.constant 2 : i32
      %mul3A_69 = arith.muli %mul3A_68, %scan3A_67 : i32
      %add3A_70 = arith.constant 0 : i32
      %add3A_71 = arith.addi %mul3A_69, %add3A_70 : i32
      %dma_wait3A_72 = arith.constant 0 : i32
      %dma_wait3A_73 = tpu.memref_slice %arg8[%add3A_71, %dma_wait3A_72] : memref<40x128xi32, #tpu.memory_space<vmem>> -> memref<1x128xi32, #tpu.memory_space<vmem>>
      %dma_wait3A_74 = tpu.memref_squeeze %dma_wait3A_73 : memref<1x128xi32, #tpu.memory_space<vmem>> -> memref<128xi32, #tpu.memory_space<vmem>>
      %dma_wait3A_75 = arith.constant 0 : i32
      %dma_wait3A_76 = arith.constant 0 : i32
      %dma_wait3A_77 = tpu.memref_slice %arg2[%dma_wait3A_75, %dma_wait3A_76] : memref<10112x128xf32, #tpu.memory_space<hbm>> -> memref<10112x128xf32, #tpu.memory_space<hbm>>
      tpu.wait_indirect_dma semaphore(%arg13 : memref<!tpu.dma_semaphore, #tpu.memory_space<semaphore_mem>>) src(%dma_wait3A_77 : memref<10112x128xf32, #tpu.memory_space<hbm>>) dst(%arg10 : memref<128x128xf32, #tpu.memory_space<vmem>>)
      %dma_start3A_78 = arith.constant 0 : i32
      %dma_start3A_79 = tpu.memref_slice %arg9[%add3A_71, %dma_start3A_78] : memref<40x128xi32, #tpu.memory_space<vmem>> -> memref<1x128xi32, #tpu.memory_space<vmem>>
      %dma_start3A_80 = tpu.memref_squeeze %dma_start3A_79 : memref<1x128xi32, #tpu.memory_space<vmem>> -> memref<128xi32, #tpu.memory_space<vmem>>
      %dma_start3A_81 = arith.constant 0 : i32
      %dma_start3A_82 = arith.constant 0 : i32
      %dma_start3A_83 = tpu.memref_slice %arg12[%dma_start3A_81, %dma_start3A_82] : memref<10112x128xf32, #tpu.memory_space<vmem_shared>> -> memref<10112x128xf32, #tpu.memory_space<vmem_shared>>
      tpu.enqueue_indirect_dma source(%arg10 : memref<128x128xf32, #tpu.memory_space<vmem>>) target(%dma_start3A_83 : memref<10112x128xf32, #tpu.memory_space<vmem_shared>>) offsets(%dma_start3A_80 : memref<128xi32, #tpu.memory_space<vmem>>) semaphore(%arg15 : memref<!tpu.dma_semaphore, #tpu.memory_space<semaphore_mem>>) {add = true}
      %add3A_84 = arith.constant 1 : i32
      %add3A_85 = arith.addi %add3A_71, %add3A_84 : i32
      %ge3A = arith.constant 2 : i32
      %ge3A_86 = arith.cmpi sge, %add3A_85, %ge3A : i32
      %lt3A = arith.constant 40 : i32
      %lt3A_87 = arith.cmpi slt, %add3A_85, %lt3A : i32
      %and3A = arith.andi %ge3A_86, %lt3A_87 : i1
      %convert_element_type3A = arith.extui %and3A : i1 to i32
      %cond3A = arith.constant 0 : i32
      %cond3A_88 = arith.cmpi ne, %convert_element_type3A, %cond3A : i32
      scf.if %cond3A_88 {
        %sub3A = arith.constant 2 : i32
        %sub3A_125 = arith.subi %add3A_85, %sub3A : i32
        %dma_wait3A_126 = arith.constant 0 : i32
        %dma_wait3A_127 = tpu.memref_slice %arg9[%sub3A_125, %dma_wait3A_126] : memref<40x128xi32, #tpu.memory_space<vmem>> -> memref<1x128xi32, #tpu.memory_space<vmem>>
        %dma_wait3A_128 = tpu.memref_squeeze %dma_wait3A_127 : memref<1x128xi32, #tpu.memory_space<vmem>> -> memref<128xi32, #tpu.memory_space<vmem>>
        %dma_wait3A_129 = arith.constant 0 : i32
        %dma_wait3A_130 = arith.constant 0 : i32
        %dma_wait3A_131 = tpu.memref_slice %arg12[%dma_wait3A_129, %dma_wait3A_130] : memref<10112x128xf32, #tpu.memory_space<vmem_shared>> -> memref<10112x128xf32, #tpu.memory_space<vmem_shared>>
        tpu.wait_indirect_dma semaphore(%arg16 : memref<!tpu.dma_semaphore, #tpu.memory_space<semaphore_mem>>) src(%arg11 : memref<128x128xf32, #tpu.memory_space<vmem>>) dst(%dma_wait3A_131 : memref<10112x128xf32, #tpu.memory_space<vmem_shared>>)
      } else {
      }
      %lt3A_89 = arith.constant 40 : i32
      %lt3A_90 = arith.cmpi slt, %add3A_85, %lt3A_89 : i32
      %convert_element_type3A_91 = arith.extui %lt3A_90 : i1 to i32
      %cond3A_92 = arith.constant 0 : i32
      %cond3A_93 = arith.cmpi ne, %convert_element_type3A_91, %cond3A_92 : i32
      scf.if %cond3A_93 {
        %dma_start3A_125 = arith.constant 0 : i32
        %dma_start3A_126 = tpu.memref_slice %arg8[%add3A_85, %dma_start3A_125] : memref<40x128xi32, #tpu.memory_space<vmem>> -> memref<1x128xi32, #tpu.memory_space<vmem>>
        %dma_start3A_127 = tpu.memref_squeeze %dma_start3A_126 : memref<1x128xi32, #tpu.memory_space<vmem>> -> memref<128xi32, #tpu.memory_space<vmem>>
        %dma_start3A_128 = arith.constant 0 : i32
        %dma_start3A_129 = arith.constant 0 : i32
        %dma_start3A_130 = tpu.memref_slice %arg2[%dma_start3A_128, %dma_start3A_129] : memref<10112x128xf32, #tpu.memory_space<hbm>> -> memref<10112x128xf32, #tpu.memory_space<hbm>>
        tpu.enqueue_indirect_dma source(%dma_start3A_130 : memref<10112x128xf32, #tpu.memory_space<hbm>>) target(%arg11 : memref<128x128xf32, #tpu.memory_space<vmem>>) offsets(%dma_start3A_127 : memref<128xi32, #tpu.memory_space<vmem>>) semaphore(%arg14 : memref<!tpu.dma_semaphore, #tpu.memory_space<semaphore_mem>>)
      } else {
      }
      %mul3A_94 = arith.constant 2 : i32
      %mul3A_95 = arith.muli %mul3A_94, %scan3A_67 : i32
      %add3A_96 = arith.constant 1 : i32
      %add3A_97 = arith.addi %mul3A_95, %add3A_96 : i32
      %dma_wait3A_98 = arith.constant 0 : i32
      %dma_wait3A_99 = tpu.memref_slice %arg8[%add3A_97, %dma_wait3A_98] : memref<40x128xi32, #tpu.memory_space<vmem>> -> memref<1x128xi32, #tpu.memory_space<vmem>>
      %dma_wait3A_100 = tpu.memref_squeeze %dma_wait3A_99 : memref<1x128xi32, #tpu.memory_space<vmem>> -> memref<128xi32, #tpu.memory_space<vmem>>
      %dma_wait3A_101 = arith.constant 0 : i32
      %dma_wait3A_102 = arith.constant 0 : i32
      %dma_wait3A_103 = tpu.memref_slice %arg2[%dma_wait3A_101, %dma_wait3A_102] : memref<10112x128xf32, #tpu.memory_space<hbm>> -> memref<10112x128xf32, #tpu.memory_space<hbm>>
      tpu.wait_indirect_dma semaphore(%arg14 : memref<!tpu.dma_semaphore, #tpu.memory_space<semaphore_mem>>) src(%dma_wait3A_103 : memref<10112x128xf32, #tpu.memory_space<hbm>>) dst(%arg11 : memref<128x128xf32, #tpu.memory_space<vmem>>)
      %dma_start3A_104 = arith.constant 0 : i32
      %dma_start3A_105 = tpu.memref_slice %arg9[%add3A_97, %dma_start3A_104] : memref<40x128xi32, #tpu.memory_space<vmem>> -> memref<1x128xi32, #tpu.memory_space<vmem>>
      %dma_start3A_106 = tpu.memref_squeeze %dma_start3A_105 : memref<1x128xi32, #tpu.memory_space<vmem>> -> memref<128xi32, #tpu.memory_space<vmem>>
      %dma_start3A_107 = arith.constant 0 : i32
      %dma_start3A_108 = arith.constant 0 : i32
      %dma_start3A_109 = tpu.memref_slice %arg12[%dma_start3A_107, %dma_start3A_108] : memref<10112x128xf32, #tpu.memory_space<vmem_shared>> -> memref<10112x128xf32, #tpu.memory_space<vmem_shared>>
      tpu.enqueue_indirect_dma source(%arg11 : memref<128x128xf32, #tpu.memory_space<vmem>>) target(%dma_start3A_109 : memref<10112x128xf32, #tpu.memory_space<vmem_shared>>) offsets(%dma_start3A_106 : memref<128xi32, #tpu.memory_space<vmem>>) semaphore(%arg16 : memref<!tpu.dma_semaphore, #tpu.memory_space<semaphore_mem>>) {add = true}
      %add3A_110 = arith.constant 1 : i32
      %add3A_111 = arith.addi %add3A_97, %add3A_110 : i32
      %ge3A_112 = arith.constant 2 : i32
      %ge3A_113 = arith.cmpi sge, %add3A_111, %ge3A_112 : i32
      %lt3A_114 = arith.constant 40 : i32
      %lt3A_115 = arith.cmpi slt, %add3A_111, %lt3A_114 : i32
      %and3A_116 = arith.andi %ge3A_113, %lt3A_115 : i1
      %convert_element_type3A_117 = arith.extui %and3A_116 : i1 to i32
      %cond3A_118 = arith.constant 0 : i32
      %cond3A_119 = arith.cmpi ne, %convert_element_type3A_117, %cond3A_118 : i32
      scf.if %cond3A_119 {
        %sub3A = arith.constant 2 : i32
        %sub3A_125 = arith.subi %add3A_111, %sub3A : i32
        %dma_wait3A_126 = arith.constant 0 : i32
        %dma_wait3A_127 = tpu.memref_slice %arg9[%sub3A_125, %dma_wait3A_126] : memref<40x128xi32, #tpu.memory_space<vmem>> -> memref<1x128xi32, #tpu.memory_space<vmem>>
        %dma_wait3A_128 = tpu.memref_squeeze %dma_wait3A_127 : memref<1x128xi32, #tpu.memory_space<vmem>> -> memref<128xi32, #tpu.memory_space<vmem>>
        %dma_wait3A_129 = arith.constant 0 : i32
        %dma_wait3A_130 = arith.constant 0 : i32
        %dma_wait3A_131 = tpu.memref_slice %arg12[%dma_wait3A_129, %dma_wait3A_130] : memref<10112x128xf32, #tpu.memory_space<vmem_shared>> -> memref<10112x128xf32, #tpu.memory_space<vmem_shared>>
        tpu.wait_indirect_dma semaphore(%arg15 : memref<!tpu.dma_semaphore, #tpu.memory_space<semaphore_mem>>) src(%arg10 : memref<128x128xf32, #tpu.memory_space<vmem>>) dst(%dma_wait3A_131 : memref<10112x128xf32, #tpu.memory_space<vmem_shared>>)
      } else {
      }
      %lt3A_120 = arith.constant 40 : i32
      %lt3A_121 = arith.cmpi slt, %add3A_111, %lt3A_120 : i32
      %convert_element_type3A_122 = arith.extui %lt3A_121 : i1 to i32
      %cond3A_123 = arith.constant 0 : i32
      %cond3A_124 = arith.cmpi ne, %convert_element_type3A_122, %cond3A_123 : i32
      scf.if %cond3A_124 {
        %dma_start3A_125 = arith.constant 0 : i32
        %dma_start3A_126 = tpu.memref_slice %arg8[%add3A_111, %dma_start3A_125] : memref<40x128xi32, #tpu.memory_space<vmem>> -> memref<1x128xi32, #tpu.memory_space<vmem>>
        %dma_start3A_127 = tpu.memref_squeeze %dma_start3A_126 : memref<1x128xi32, #tpu.memory_space<vmem>> -> memref<128xi32, #tpu.memory_space<vmem>>
        %dma_start3A_128 = arith.constant 0 : i32
        %dma_start3A_129 = arith.constant 0 : i32
        %dma_start3A_130 = tpu.memref_slice %arg2[%dma_start3A_128, %dma_start3A_129] : memref<10112x128xf32, #tpu.memory_space<hbm>> -> memref<10112x128xf32, #tpu.memory_space<hbm>>
        tpu.enqueue_indirect_dma source(%dma_start3A_130 : memref<10112x128xf32, #tpu.memory_space<hbm>>) target(%arg10 : memref<128x128xf32, #tpu.memory_space<vmem>>) offsets(%dma_start3A_127 : memref<128xi32, #tpu.memory_space<vmem>>) semaphore(%arg13 : memref<!tpu.dma_semaphore, #tpu.memory_space<semaphore_mem>>)
      } else {
      }
    }
    %scan3A_19 = arith.constant 20 : i32
    %dma_wait3A = arith.constant 38 : i32
    %dma_wait3A_20 = arith.constant 0 : i32
    %dma_wait3A_21 = tpu.memref_slice %arg9[%dma_wait3A, %dma_wait3A_20] : memref<40x128xi32, #tpu.memory_space<vmem>> -> memref<1x128xi32, #tpu.memory_space<vmem>>
    %dma_wait3A_22 = tpu.memref_squeeze %dma_wait3A_21 : memref<1x128xi32, #tpu.memory_space<vmem>> -> memref<128xi32, #tpu.memory_space<vmem>>
    %dma_wait3A_23 = arith.constant 0 : i32
    %dma_wait3A_24 = arith.constant 0 : i32
    %dma_wait3A_25 = tpu.memref_slice %arg12[%dma_wait3A_23, %dma_wait3A_24] : memref<10112x128xf32, #tpu.memory_space<vmem_shared>> -> memref<10112x128xf32, #tpu.memory_space<vmem_shared>>
    tpu.wait_indirect_dma semaphore(%arg15 : memref<!tpu.dma_semaphore, #tpu.memory_space<semaphore_mem>>) src(%arg10 : memref<128x128xf32, #tpu.memory_space<vmem>>) dst(%dma_wait3A_25 : memref<10112x128xf32, #tpu.memory_space<vmem_shared>>)
    %dma_wait3A_26 = arith.constant 39 : i32
    %dma_wait3A_27 = arith.constant 0 : i32
    %dma_wait3A_28 = tpu.memref_slice %arg9[%dma_wait3A_26, %dma_wait3A_27] : memref<40x128xi32, #tpu.memory_space<vmem>> -> memref<1x128xi32, #tpu.memory_space<vmem>>
    %dma_wait3A_29 = tpu.memref_squeeze %dma_wait3A_28 : memref<1x128xi32, #tpu.memory_space<vmem>> -> memref<128xi32, #tpu.memory_space<vmem>>
    %dma_wait3A_30 = arith.constant 0 : i32
    %dma_wait3A_31 = arith.constant 0 : i32
    %dma_wait3A_32 = tpu.memref_slice %arg12[%dma_wait3A_30, %dma_wait3A_31] : memref<10112x128xf32, #tpu.memory_space<vmem_shared>> -> memref<10112x128xf32, #tpu.memory_space<vmem_shared>>
    tpu.wait_indirect_dma semaphore(%arg16 : memref<!tpu.dma_semaphore, #tpu.memory_space<semaphore_mem>>) src(%arg11 : memref<128x128xf32, #tpu.memory_space<vmem>>) dst(%dma_wait3A_32 : memref<10112x128xf32, #tpu.memory_space<vmem_shared>>)
    %add3A_33 = arith.constant 40 : i32
    %add3A_34 = arith.addi %mul3A_2, %add3A_33 : i32
    "tpu.region"() ({
      %run_scoped3A = tpu.sem_alloc : memref<!tpu.dma_semaphore, #tpu.memory_space<semaphore_mem>>
      %dma_start3A_67 = arith.constant 0 : i32
      %dma_start3A_68 = tpu.memref_slice %arg3[%add3A_34, %dma_start3A_67] : memref<2560x128xi32, #tpu.memory_space<hbm>> -> memref<40x128xi32, #tpu.memory_space<hbm>>
      %dma_start3A_69 = arith.constant 0 : i32
      %dma_start3A_70 = tpu.memref_slice %arg3[%add3A_34, %dma_start3A_69] : memref<2560x128xi32, #tpu.memory_space<hbm>> -> memref<40x128xi32, #tpu.memory_space<hbm>>
      tpu.enqueue_dma source(%dma_start3A_70 : memref<40x128xi32, #tpu.memory_space<hbm>>) target(%arg8 : memref<40x128xi32, #tpu.memory_space<vmem>>) target_semaphore(%run_scoped3A : memref<!tpu.dma_semaphore, #tpu.memory_space<semaphore_mem>>)
      %dma_wait3A_71 = arith.constant 0 : i32
      %dma_wait3A_72 = tpu.memref_slice %arg3[%add3A_34, %dma_wait3A_71] : memref<2560x128xi32, #tpu.memory_space<hbm>> -> memref<40x128xi32, #tpu.memory_space<hbm>>
      %dma_wait3A_73 = arith.constant 0 : i32
      %dma_wait3A_74 = tpu.memref_slice %arg3[%add3A_34, %dma_wait3A_73] : memref<2560x128xi32, #tpu.memory_space<hbm>> -> memref<40x128xi32, #tpu.memory_space<hbm>>
      tpu.wait_dma2 semaphore(%run_scoped3A : memref<!tpu.dma_semaphore, #tpu.memory_space<semaphore_mem>>) src(%dma_wait3A_74 : memref<40x128xi32, #tpu.memory_space<hbm>>) dst(%arg8 : memref<40x128xi32, #tpu.memory_space<vmem>>)
      tpu.yield
    }) : () -> ()
    "tpu.region"() ({
      %run_scoped3A = tpu.sem_alloc : memref<!tpu.dma_semaphore, #tpu.memory_space<semaphore_mem>>
      %dma_start3A_67 = arith.constant 0 : i32
      %dma_start3A_68 = tpu.memref_slice %arg4[%add3A_34, %dma_start3A_67] : memref<2560x128xi32, #tpu.memory_space<hbm>> -> memref<40x128xi32, #tpu.memory_space<hbm>>
      %dma_start3A_69 = arith.constant 0 : i32
      %dma_start3A_70 = tpu.memref_slice %arg4[%add3A_34, %dma_start3A_69] : memref<2560x128xi32, #tpu.memory_space<hbm>> -> memref<40x128xi32, #tpu.memory_space<hbm>>
      tpu.enqueue_dma source(%dma_start3A_70 : memref<40x128xi32, #tpu.memory_space<hbm>>) target(%arg9 : memref<40x128xi32, #tpu.memory_space<vmem>>) target_semaphore(%run_scoped3A : memref<!tpu.dma_semaphore, #tpu.memory_space<semaphore_mem>>)
      %dma_wait3A_71 = arith.constant 0 : i32
      %dma_wait3A_72 = tpu.memref_slice %arg4[%add3A_34, %dma_wait3A_71] : memref<2560x128xi32, #tpu.memory_space<hbm>> -> memref<40x128xi32, #tpu.memory_space<hbm>>
      %dma_wait3A_73 = arith.constant 0 : i32
      %dma_wait3A_74 = tpu.memref_slice %arg4[%add3A_34, %dma_wait3A_73] : memref<2560x128xi32, #tpu.memory_space<hbm>> -> memref<40x128xi32, #tpu.memory_space<hbm>>
      tpu.wait_dma2 semaphore(%run_scoped3A : memref<!tpu.dma_semaphore, #tpu.memory_space<semaphore_mem>>) src(%dma_wait3A_74 : memref<40x128xi32, #tpu.memory_space<hbm>>) dst(%arg9 : memref<40x128xi32, #tpu.memory_space<vmem>>)
      tpu.yield
    }) : () -> ()
    %dma_start3A_35 = arith.constant 0 : i32
    %dma_start3A_36 = arith.constant 0 : i32
    %dma_start3A_37 = tpu.memref_slice %arg8[%dma_start3A_35, %dma_start3A_36] : memref<40x128xi32, #tpu.memory_space<vmem>> -> memref<1x128xi32, #tpu.memory_space<vmem>>
    %dma_start3A_38 = tpu.memref_squeeze %dma_start3A_37 : memref<1x128xi32, #tpu.memory_space<vmem>> -> memref<128xi32, #tpu.memory_space<vmem>>
    %dma_start3A_39 = arith.constant 0 : i32
    %dma_start3A_40 = arith.constant 0 : i32
    %dma_start3A_41 = tpu.memref_slice %arg2[%dma_start3A_39, %dma_start3A_40] : memref<10112x128xf32, #tpu.memory_space<hbm>> -> memref<10112x128xf32, #tpu.memory_space<hbm>>
    tpu.enqueue_indirect_dma source(%dma_start3A_41 : memref<10112x128xf32, #tpu.memory_space<hbm>>) target(%arg10 : memref<128x128xf32, #tpu.memory_space<vmem>>) offsets(%dma_start3A_38 : memref<128xi32, #tpu.memory_space<vmem>>) semaphore(%arg13 : memref<!tpu.dma_semaphore, #tpu.memory_space<semaphore_mem>>)
    %scan3A_42 = arith.constant 0 : i32
    %scan3A_43 = arith.constant 0 : i32
    %scan3A_44 = arith.constant 20 : i32
    %scan3A_45 = arith.addi %scan3A_43, %scan3A_44 : i32
    %scan3A_46 = arith.constant 1 : i32
    scf.for %scan3A_67 = %scan3A_43 to %scan3A_45 step %scan3A_46  : i32 {
      %mul3A_68 = arith.constant 2 : i32
      %mul3A_69 = arith.muli %mul3A_68, %scan3A_67 : i32
      %add3A_70 = arith.constant 0 : i32
      %add3A_71 = arith.addi %mul3A_69, %add3A_70 : i32
      %dma_wait3A_72 = arith.constant 0 : i32
      %dma_wait3A_73 = tpu.memref_slice %arg8[%add3A_71, %dma_wait3A_72] : memref<40x128xi32, #tpu.memory_space<vmem>> -> memref<1x128xi32, #tpu.memory_space<vmem>>
      %dma_wait3A_74 = tpu.memref_squeeze %dma_wait3A_73 : memref<1x128xi32, #tpu.memory_space<vmem>> -> memref<128xi32, #tpu.memory_space<vmem>>
      %dma_wait3A_75 = arith.constant 0 : i32
      %dma_wait3A_76 = arith.constant 0 : i32
      %dma_wait3A_77 = tpu.memref_slice %arg2[%dma_wait3A_75, %dma_wait3A_76] : memref<10112x128xf32, #tpu.memory_space<hbm>> -> memref<10112x128xf32, #tpu.memory_space<hbm>>
      tpu.wait_indirect_dma semaphore(%arg13 : memref<!tpu.dma_semaphore, #tpu.memory_space<semaphore_mem>>) src(%dma_wait3A_77 : memref<10112x128xf32, #tpu.memory_space<hbm>>) dst(%arg10 : memref<128x128xf32, #tpu.memory_space<vmem>>)
      %dma_start3A_78 = arith.constant 0 : i32
      %dma_start3A_79 = tpu.memref_slice %arg9[%add3A_71, %dma_start3A_78] : memref<40x128xi32, #tpu.memory_space<vmem>> -> memref<1x128xi32, #tpu.memory_space<vmem>>
      %dma_start3A_80 = tpu.memref_squeeze %dma_start3A_79 : memref<1x128xi32, #tpu.memory_space<vmem>> -> memref<128xi32, #tpu.memory_space<vmem>>
      %dma_start3A_81 = arith.constant 0 : i32
      %dma_start3A_82 = arith.constant 0 : i32
      %dma_start3A_83 = tpu.memref_slice %arg12[%dma_start3A_81, %dma_start3A_82] : memref<10112x128xf32, #tpu.memory_space<vmem_shared>> -> memref<10112x128xf32, #tpu.memory_space<vmem_shared>>
      tpu.enqueue_indirect_dma source(%arg10 : memref<128x128xf32, #tpu.memory_space<vmem>>) target(%dma_start3A_83 : memref<10112x128xf32, #tpu.memory_space<vmem_shared>>) offsets(%dma_start3A_80 : memref<128xi32, #tpu.memory_space<vmem>>) semaphore(%arg15 : memref<!tpu.dma_semaphore, #tpu.memory_space<semaphore_mem>>) {add = true}
      %add3A_84 = arith.constant 1 : i32
      %add3A_85 = arith.addi %add3A_71, %add3A_84 : i32
      %ge3A = arith.constant 2 : i32
      %ge3A_86 = arith.cmpi sge, %add3A_85, %ge3A : i32
      %lt3A = arith.constant 40 : i32
      %lt3A_87 = arith.cmpi slt, %add3A_85, %lt3A : i32
      %and3A = arith.andi %ge3A_86, %lt3A_87 : i1
      %convert_element_type3A = arith.extui %and3A : i1 to i32
      %cond3A = arith.constant 0 : i32
      %cond3A_88 = arith.cmpi ne, %convert_element_type3A, %cond3A : i32
      scf.if %cond3A_88 {
        %sub3A = arith.constant 2 : i32
        %sub3A_125 = arith.subi %add3A_85, %sub3A : i32
        %dma_wait3A_126 = arith.constant 0 : i32
        %dma_wait3A_127 = tpu.memref_slice %arg9[%sub3A_125, %dma_wait3A_126] : memref<40x128xi32, #tpu.memory_space<vmem>> -> memref<1x128xi32, #tpu.memory_space<vmem>>
        %dma_wait3A_128 = tpu.memref_squeeze %dma_wait3A_127 : memref<1x128xi32, #tpu.memory_space<vmem>> -> memref<128xi32, #tpu.memory_space<vmem>>
        %dma_wait3A_129 = arith.constant 0 : i32
        %dma_wait3A_130 = arith.constant 0 : i32
        %dma_wait3A_131 = tpu.memref_slice %arg12[%dma_wait3A_129, %dma_wait3A_130] : memref<10112x128xf32, #tpu.memory_space<vmem_shared>> -> memref<10112x128xf32, #tpu.memory_space<vmem_shared>>
        tpu.wait_indirect_dma semaphore(%arg16 : memref<!tpu.dma_semaphore, #tpu.memory_space<semaphore_mem>>) src(%arg11 : memref<128x128xf32, #tpu.memory_space<vmem>>) dst(%dma_wait3A_131 : memref<10112x128xf32, #tpu.memory_space<vmem_shared>>)
      } else {
      }
      %lt3A_89 = arith.constant 40 : i32
      %lt3A_90 = arith.cmpi slt, %add3A_85, %lt3A_89 : i32
      %convert_element_type3A_91 = arith.extui %lt3A_90 : i1 to i32
      %cond3A_92 = arith.constant 0 : i32
      %cond3A_93 = arith.cmpi ne, %convert_element_type3A_91, %cond3A_92 : i32
      scf.if %cond3A_93 {
        %dma_start3A_125 = arith.constant 0 : i32
        %dma_start3A_126 = tpu.memref_slice %arg8[%add3A_85, %dma_start3A_125] : memref<40x128xi32, #tpu.memory_space<vmem>> -> memref<1x128xi32, #tpu.memory_space<vmem>>
        %dma_start3A_127 = tpu.memref_squeeze %dma_start3A_126 : memref<1x128xi32, #tpu.memory_space<vmem>> -> memref<128xi32, #tpu.memory_space<vmem>>
        %dma_start3A_128 = arith.constant 0 : i32
        %dma_start3A_129 = arith.constant 0 : i32
        %dma_start3A_130 = tpu.memref_slice %arg2[%dma_start3A_128, %dma_start3A_129] : memref<10112x128xf32, #tpu.memory_space<hbm>> -> memref<10112x128xf32, #tpu.memory_space<hbm>>
        tpu.enqueue_indirect_dma source(%dma_start3A_130 : memref<10112x128xf32, #tpu.memory_space<hbm>>) target(%arg11 : memref<128x128xf32, #tpu.memory_space<vmem>>) offsets(%dma_start3A_127 : memref<128xi32, #tpu.memory_space<vmem>>) semaphore(%arg14 : memref<!tpu.dma_semaphore, #tpu.memory_space<semaphore_mem>>)
      } else {
      }
      %mul3A_94 = arith.constant 2 : i32
      %mul3A_95 = arith.muli %mul3A_94, %scan3A_67 : i32
      %add3A_96 = arith.constant 1 : i32
      %add3A_97 = arith.addi %mul3A_95, %add3A_96 : i32
      %dma_wait3A_98 = arith.constant 0 : i32
      %dma_wait3A_99 = tpu.memref_slice %arg8[%add3A_97, %dma_wait3A_98] : memref<40x128xi32, #tpu.memory_space<vmem>> -> memref<1x128xi32, #tpu.memory_space<vmem>>
      %dma_wait3A_100 = tpu.memref_squeeze %dma_wait3A_99 : memref<1x128xi32, #tpu.memory_space<vmem>> -> memref<128xi32, #tpu.memory_space<vmem>>
      %dma_wait3A_101 = arith.constant 0 : i32
      %dma_wait3A_102 = arith.constant 0 : i32
      %dma_wait3A_103 = tpu.memref_slice %arg2[%dma_wait3A_101, %dma_wait3A_102] : memref<10112x128xf32, #tpu.memory_space<hbm>> -> memref<10112x128xf32, #tpu.memory_space<hbm>>
      tpu.wait_indirect_dma semaphore(%arg14 : memref<!tpu.dma_semaphore, #tpu.memory_space<semaphore_mem>>) src(%dma_wait3A_103 : memref<10112x128xf32, #tpu.memory_space<hbm>>) dst(%arg11 : memref<128x128xf32, #tpu.memory_space<vmem>>)
      %dma_start3A_104 = arith.constant 0 : i32
      %dma_start3A_105 = tpu.memref_slice %arg9[%add3A_97, %dma_start3A_104] : memref<40x128xi32, #tpu.memory_space<vmem>> -> memref<1x128xi32, #tpu.memory_space<vmem>>
      %dma_start3A_106 = tpu.memref_squeeze %dma_start3A_105 : memref<1x128xi32, #tpu.memory_space<vmem>> -> memref<128xi32, #tpu.memory_space<vmem>>
      %dma_start3A_107 = arith.constant 0 : i32
      %dma_start3A_108 = arith.constant 0 : i32
      %dma_start3A_109 = tpu.memref_slice %arg12[%dma_start3A_107, %dma_start3A_108] : memref<10112x128xf32, #tpu.memory_space<vmem_shared>> -> memref<10112x128xf32, #tpu.memory_space<vmem_shared>>
      tpu.enqueue_indirect_dma source(%arg11 : memref<128x128xf32, #tpu.memory_space<vmem>>) target(%dma_start3A_109 : memref<10112x128xf32, #tpu.memory_space<vmem_shared>>) offsets(%dma_start3A_106 : memref<128xi32, #tpu.memory_space<vmem>>) semaphore(%arg16 : memref<!tpu.dma_semaphore, #tpu.memory_space<semaphore_mem>>) {add = true}
      %add3A_110 = arith.constant 1 : i32
      %add3A_111 = arith.addi %add3A_97, %add3A_110 : i32
      %ge3A_112 = arith.constant 2 : i32
      %ge3A_113 = arith.cmpi sge, %add3A_111, %ge3A_112 : i32
      %lt3A_114 = arith.constant 40 : i32
      %lt3A_115 = arith.cmpi slt, %add3A_111, %lt3A_114 : i32
      %and3A_116 = arith.andi %ge3A_113, %lt3A_115 : i1
      %convert_element_type3A_117 = arith.extui %and3A_116 : i1 to i32
      %cond3A_118 = arith.constant 0 : i32
      %cond3A_119 = arith.cmpi ne, %convert_element_type3A_117, %cond3A_118 : i32
      scf.if %cond3A_119 {
        %sub3A = arith.constant 2 : i32
        %sub3A_125 = arith.subi %add3A_111, %sub3A : i32
        %dma_wait3A_126 = arith.constant 0 : i32
        %dma_wait3A_127 = tpu.memref_slice %arg9[%sub3A_125, %dma_wait3A_126] : memref<40x128xi32, #tpu.memory_space<vmem>> -> memref<1x128xi32, #tpu.memory_space<vmem>>
        %dma_wait3A_128 = tpu.memref_squeeze %dma_wait3A_127 : memref<1x128xi32, #tpu.memory_space<vmem>> -> memref<128xi32, #tpu.memory_space<vmem>>
        %dma_wait3A_129 = arith.constant 0 : i32
        %dma_wait3A_130 = arith.constant 0 : i32
        %dma_wait3A_131 = tpu.memref_slice %arg12[%dma_wait3A_129, %dma_wait3A_130] : memref<10112x128xf32, #tpu.memory_space<vmem_shared>> -> memref<10112x128xf32, #tpu.memory_space<vmem_shared>>
        tpu.wait_indirect_dma semaphore(%arg15 : memref<!tpu.dma_semaphore, #tpu.memory_space<semaphore_mem>>) src(%arg10 : memref<128x128xf32, #tpu.memory_space<vmem>>) dst(%dma_wait3A_131 : memref<10112x128xf32, #tpu.memory_space<vmem_shared>>)
      } else {
      }
      %lt3A_120 = arith.constant 40 : i32
      %lt3A_121 = arith.cmpi slt, %add3A_111, %lt3A_120 : i32
      %convert_element_type3A_122 = arith.extui %lt3A_121 : i1 to i32
      %cond3A_123 = arith.constant 0 : i32
      %cond3A_124 = arith.cmpi ne, %convert_element_type3A_122, %cond3A_123 : i32
      scf.if %cond3A_124 {
        %dma_start3A_125 = arith.constant 0 : i32
        %dma_start3A_126 = tpu.memref_slice %arg8[%add3A_111, %dma_start3A_125] : memref<40x128xi32, #tpu.memory_space<vmem>> -> memref<1x128xi32, #tpu.memory_space<vmem>>
        %dma_start3A_127 = tpu.memref_squeeze %dma_start3A_126 : memref<1x128xi32, #tpu.memory_space<vmem>> -> memref<128xi32, #tpu.memory_space<vmem>>
        %dma_start3A_128 = arith.constant 0 : i32
        %dma_start3A_129 = arith.constant 0 : i32
        %dma_start3A_130 = tpu.memref_slice %arg2[%dma_start3A_128, %dma_start3A_129] : memref<10112x128xf32, #tpu.memory_space<hbm>> -> memref<10112x128xf32, #tpu.memory_space<hbm>>
        tpu.enqueue_indirect_dma source(%dma_start3A_130 : memref<10112x128xf32, #tpu.memory_space<hbm>>) target(%arg10 : memref<128x128xf32, #tpu.memory_space<vmem>>) offsets(%dma_start3A_127 : memref<128xi32, #tpu.memory_space<vmem>>) semaphore(%arg13 : memref<!tpu.dma_semaphore, #tpu.memory_space<semaphore_mem>>)
      } else {
      }
    }
    %scan3A_47 = arith.constant 20 : i32
    %dma_wait3A_48 = arith.constant 38 : i32
    %dma_wait3A_49 = arith.constant 0 : i32
    %dma_wait3A_50 = tpu.memref_slice %arg9[%dma_wait3A_48, %dma_wait3A_49] : memref<40x128xi32, #tpu.memory_space<vmem>> -> memref<1x128xi32, #tpu.memory_space<vmem>>
    %dma_wait3A_51 = tpu.memref_squeeze %dma_wait3A_50 : memref<1x128xi32, #tpu.memory_space<vmem>> -> memref<128xi32, #tpu.memory_space<vmem>>
    %dma_wait3A_52 = arith.constant 0 : i32
    %dma_wait3A_53 = arith.constant 0 : i32
    %dma_wait3A_54 = tpu.memref_slice %arg12[%dma_wait3A_52, %dma_wait3A_53] : memref<10112x128xf32, #tpu.memory_space<vmem_shared>> -> memref<10112x128xf32, #tpu.memory_space<vmem_shared>>
    tpu.wait_indirect_dma semaphore(%arg15 : memref<!tpu.dma_semaphore, #tpu.memory_space<semaphore_mem>>) src(%arg10 : memref<128x128xf32, #tpu.memory_space<vmem>>) dst(%dma_wait3A_54 : memref<10112x128xf32, #tpu.memory_space<vmem_shared>>)
    %dma_wait3A_55 = arith.constant 39 : i32
    %dma_wait3A_56 = arith.constant 0 : i32
    %dma_wait3A_57 = tpu.memref_slice %arg9[%dma_wait3A_55, %dma_wait3A_56] : memref<40x128xi32, #tpu.memory_space<vmem>> -> memref<1x128xi32, #tpu.memory_space<vmem>>
    %dma_wait3A_58 = tpu.memref_squeeze %dma_wait3A_57 : memref<1x128xi32, #tpu.memory_space<vmem>> -> memref<128xi32, #tpu.memory_space<vmem>>
    %dma_wait3A_59 = arith.constant 0 : i32
    %dma_wait3A_60 = arith.constant 0 : i32
    %dma_wait3A_61 = tpu.memref_slice %arg12[%dma_wait3A_59, %dma_wait3A_60] : memref<10112x128xf32, #tpu.memory_space<vmem_shared>> -> memref<10112x128xf32, #tpu.memory_space<vmem_shared>>
    tpu.wait_indirect_dma semaphore(%arg16 : memref<!tpu.dma_semaphore, #tpu.memory_space<semaphore_mem>>) src(%arg11 : memref<128x128xf32, #tpu.memory_space<vmem>>) dst(%dma_wait3A_61 : memref<10112x128xf32, #tpu.memory_space<vmem_shared>>)
    %barrier3A_62 = arith.constant 0 : index
    tpu.barrier barrier_id(%barrier3A_62)
    %mul3A_63 = arith.constant 632 : i32
    %mul3A_64 = arith.muli %arg1, %mul3A_63 : i32
    %mul3A_65 = arith.constant 632 : i32
    %mul3A_66 = arith.muli %arg1, %mul3A_65 : i32
    "tpu.region"() ({
      %run_scoped3A = tpu.sem_alloc : memref<!tpu.dma_semaphore, #tpu.memory_space<semaphore_mem>>
      %dma_start3A_67 = arith.constant 0 : i32
      %dma_start3A_68 = tpu.memref_slice %arg7[%arg0, %mul3A_66, %dma_start3A_67] : memref<2x10112x128xf32, #tpu.memory_space<hbm>> -> memref<1x632x128xf32, #tpu.memory_space<hbm>>
      %dma_start3A_69 = tpu.memref_squeeze %dma_start3A_68 : memref<1x632x128xf32, #tpu.memory_space<hbm>> -> memref<632x128xf32, #tpu.memory_space<hbm>>
      %dma_start3A_70 = arith.constant 0 : i32
      %dma_start3A_71 = tpu.memref_slice %arg12[%mul3A_64, %dma_start3A_70] : memref<10112x128xf32, #tpu.memory_space<vmem_shared>> -> memref<632x128xf32, #tpu.memory_space<vmem_shared>>
      tpu.enqueue_dma source(%dma_start3A_71 : memref<632x128xf32, #tpu.memory_space<vmem_shared>>) target(%dma_start3A_69 : memref<632x128xf32, #tpu.memory_space<hbm>>) target_semaphore(%run_scoped3A : memref<!tpu.dma_semaphore, #tpu.memory_space<semaphore_mem>>)
      %dma_wait3A_72 = arith.constant 0 : i32
      %dma_wait3A_73 = tpu.memref_slice %arg7[%arg0, %mul3A_66, %dma_wait3A_72] : memref<2x10112x128xf32, #tpu.memory_space<hbm>> -> memref<1x632x128xf32, #tpu.memory_space<hbm>>
      %dma_wait3A_74 = tpu.memref_squeeze %dma_wait3A_73 : memref<1x632x128xf32, #tpu.memory_space<hbm>> -> memref<632x128xf32, #tpu.memory_space<hbm>>
      %dma_wait3A_75 = arith.constant 0 : i32
      %dma_wait3A_76 = tpu.memref_slice %arg12[%mul3A_64, %dma_wait3A_75] : memref<10112x128xf32, #tpu.memory_space<vmem_shared>> -> memref<632x128xf32, #tpu.memory_space<vmem_shared>>
      tpu.wait_dma2 semaphore(%run_scoped3A : memref<!tpu.dma_semaphore, #tpu.memory_space<semaphore_mem>>) src(%dma_wait3A_76 : memref<632x128xf32, #tpu.memory_space<vmem_shared>>) dst(%dma_wait3A_74 : memref<632x128xf32, #tpu.memory_space<hbm>>)
      tpu.yield
    }) : () -> ()
    return
  }
}

#map = affine_map<(d0, d1) -> (0, 0)>
module attributes {stable_mosaic.version = 14 : i64} {
  func.func @_sc_prep2_body(%arg0: i32, %arg1: i32, %arg2: memref<2560x128xi32, #tpu.memory_space<hbm>>, %arg3: memref<2560x128xi32, #tpu.memory_space<hbm>>, %arg4: memref<2560x128xi32, #tpu.memory_space<hbm>>, %arg5: memref<80x128xi32, #tpu.memory_space<vmem>>, %arg6: memref<80x128xi32, #tpu.memory_space<vmem>>) attributes {dimension_semantics = [#tpu.dimension_semantics<core_parallel>, #tpu.dimension_semantics<subcore_parallel>], iteration_bounds = array<i64: 2, 16>, scalar_prefetch = 0 : i64, scratch_operands = 2 : i64, tpu.core_type = #tpu.core_type<sc_vector_subcore>, window_params = [{transform_indices = #map}, {transform_indices = #map}, {transform_indices = #map}]} {
    %mul3A = arith.constant 16 : i32
    %mul3A_0 = arith.muli %arg0, %mul3A : i32
    %add3A = arith.addi %mul3A_0, %arg1 : i32
    %mul3A_1 = arith.constant 80 : i32
    %mul3A_2 = arith.muli %add3A, %mul3A_1 : i32
    "tpu.region"() ({
      %run_scoped3A = tpu.sem_alloc : memref<!tpu.dma_semaphore, #tpu.memory_space<semaphore_mem>>
      %dma_start3A = arith.constant 0 : i32
      %dma_start3A_8 = tpu.memref_slice %arg2[%mul3A_2, %dma_start3A] : memref<2560x128xi32, #tpu.memory_space<hbm>> -> memref<80x128xi32, #tpu.memory_space<hbm>>
      %dma_start3A_9 = arith.constant 0 : i32
      %dma_start3A_10 = tpu.memref_slice %arg2[%mul3A_2, %dma_start3A_9] : memref<2560x128xi32, #tpu.memory_space<hbm>> -> memref<80x128xi32, #tpu.memory_space<hbm>>
      tpu.enqueue_dma source(%dma_start3A_10 : memref<80x128xi32, #tpu.memory_space<hbm>>) target(%arg5 : memref<80x128xi32, #tpu.memory_space<vmem>>) target_semaphore(%run_scoped3A : memref<!tpu.dma_semaphore, #tpu.memory_space<semaphore_mem>>)
      %dma_wait3A = arith.constant 0 : i32
      %dma_wait3A_11 = tpu.memref_slice %arg2[%mul3A_2, %dma_wait3A] : memref<2560x128xi32, #tpu.memory_space<hbm>> -> memref<80x128xi32, #tpu.memory_space<hbm>>
      %dma_wait3A_12 = arith.constant 0 : i32
      %dma_wait3A_13 = tpu.memref_slice %arg2[%mul3A_2, %dma_wait3A_12] : memref<2560x128xi32, #tpu.memory_space<hbm>> -> memref<80x128xi32, #tpu.memory_space<hbm>>
      tpu.wait_dma2 semaphore(%run_scoped3A : memref<!tpu.dma_semaphore, #tpu.memory_space<semaphore_mem>>) src(%dma_wait3A_13 : memref<80x128xi32, #tpu.memory_space<hbm>>) dst(%arg5 : memref<80x128xi32, #tpu.memory_space<vmem>>)
      tpu.yield
    }) : () -> ()
    "tpu.region"() ({
      %run_scoped3A = tpu.sem_alloc : memref<!tpu.dma_semaphore, #tpu.memory_space<semaphore_mem>>
      %dma_start3A = arith.constant 0 : i32
      %dma_start3A_8 = tpu.memref_slice %arg3[%mul3A_2, %dma_start3A] : memref<2560x128xi32, #tpu.memory_space<hbm>> -> memref<80x128xi32, #tpu.memory_space<hbm>>
      %dma_start3A_9 = arith.constant 0 : i32
      %dma_start3A_10 = tpu.memref_slice %arg3[%mul3A_2, %dma_start3A_9] : memref<2560x128xi32, #tpu.memory_space<hbm>> -> memref<80x128xi32, #tpu.memory_space<hbm>>
      tpu.enqueue_dma source(%dma_start3A_10 : memref<80x128xi32, #tpu.memory_space<hbm>>) target(%arg6 : memref<80x128xi32, #tpu.memory_space<vmem>>) target_semaphore(%run_scoped3A : memref<!tpu.dma_semaphore, #tpu.memory_space<semaphore_mem>>)
      %dma_wait3A = arith.constant 0 : i32
      %dma_wait3A_11 = tpu.memref_slice %arg3[%mul3A_2, %dma_wait3A] : memref<2560x128xi32, #tpu.memory_space<hbm>> -> memref<80x128xi32, #tpu.memory_space<hbm>>
      %dma_wait3A_12 = arith.constant 0 : i32
      %dma_wait3A_13 = tpu.memref_slice %arg3[%mul3A_2, %dma_wait3A_12] : memref<2560x128xi32, #tpu.memory_space<hbm>> -> memref<80x128xi32, #tpu.memory_space<hbm>>
      tpu.wait_dma2 semaphore(%run_scoped3A : memref<!tpu.dma_semaphore, #tpu.memory_space<semaphore_mem>>) src(%dma_wait3A_13 : memref<80x128xi32, #tpu.memory_space<hbm>>) dst(%arg6 : memref<80x128xi32, #tpu.memory_space<vmem>>)
      tpu.yield
    }) : () -> ()
    %scan3A = arith.constant 0 : i32
    %scan3A_3 = arith.constant 0 : i32
    %scan3A_4 = arith.constant 80 : i32
    %scan3A_5 = arith.addi %scan3A_3, %scan3A_4 : i32
    %scan3A_6 = arith.constant 1 : i32
    scf.for %scan3A_8 = %scan3A_3 to %scan3A_5 step %scan3A_6  : i32 {
      %get3A = arith.index_cast %scan3A_8 : i32 to index
      %get3A_9 = arith.constant 0 : index
      %get3A_10 = tpu.vector_load %arg5[%get3A, %get3A_9] {strides = array<i32>} : memref<80x128xi32, #tpu.memory_space<vmem>>, vector<1x16xi32>,
      %get3A_11 = vector.shape_cast %get3A_10 : vector<1x16xi32> to vector<16xi32>
      %get3A_12 = arith.index_cast %scan3A_8 : i32 to index
      %get3A_13 = arith.constant 0 : index
      %get3A_14 = tpu.vector_load %arg6[%get3A_12, %get3A_13] {strides = array<i32>} : memref<80x128xi32, #tpu.memory_space<vmem>>, vector<1x16xi32>,
      %get3A_15 = vector.shape_cast %get3A_14 : vector<1x16xi32> to vector<16xi32>
      %eq3A = arith.constant 0 : i32
      %eq3A_16 = vector.broadcast %eq3A : i32 to vector<16xi32>
      %eq3A_17 = arith.cmpi eq, %get3A_15, %eq3A_16 : vector<16xi32>
      %eq3A_18 = arith.constant 2 : i32
      %eq3A_19 = vector.broadcast %eq3A_18 : i32 to vector<16xi32>
      %eq3A_20 = arith.cmpi eq, %get3A_15, %eq3A_19 : vector<16xi32>
      %or3A = arith.ori %eq3A_17, %eq3A_20 : vector<16xi1>
      %eq3A_21 = arith.constant 4 : i32
      %eq3A_22 = vector.broadcast %eq3A_21 : i32 to vector<16xi32>
      %eq3A_23 = arith.cmpi eq, %get3A_15, %eq3A_22 : vector<16xi32>
      %or3A_24 = arith.ori %or3A, %eq3A_23 : vector<16xi1>
      %eq3A_25 = arith.constant 6 : i32
      %eq3A_26 = vector.broadcast %eq3A_25 : i32 to vector<16xi32>
      %eq3A_27 = arith.cmpi eq, %get3A_15, %eq3A_26 : vector<16xi32>
      %or3A_28 = arith.ori %or3A_24, %eq3A_27 : vector<16xi1>
      %jit3A = arith.constant 10000 : i32
      %broadcast_in_dim3A = vector.broadcast %jit3A : i32 to vector<16xi32>
      %select_n3A = arith.select %or3A_28, %get3A_11, %broadcast_in_dim3A : vector<16xi1>, vector<16xi32>
      %swap3A = arith.index_cast %scan3A_8 : i32 to index
      %swap3A_29 = arith.constant 0 : index
      %swap3A_30 = tpu.vector_load %arg6[%swap3A, %swap3A_29] {strides = array<i32>} : memref<80x128xi32, #tpu.memory_space<vmem>>, vector<1x16xi32>,
      %swap3A_31 = vector.shape_cast %swap3A_30 : vector<1x16xi32> to vector<16xi32>
      %swap3A_32 = vector.shape_cast %select_n3A : vector<16xi32> to vector<1x16xi32>
      tpu.vector_store %arg6[%swap3A, %swap3A_29], %swap3A_32 {strides = array<i32>} : memref<80x128xi32, #tpu.memory_space<vmem>>, vector<1x16xi32>,
      %get3A_33 = arith.index_cast %scan3A_8 : i32 to index
      %get3A_34 = arith.constant 16 : index
      %get3A_35 = tpu.vector_load %arg5[%get3A_33, %get3A_34] {strides = array<i32>} : memref<80x128xi32, #tpu.memory_space<vmem>>, vector<1x16xi32>,
      %get3A_36 = vector.shape_cast %get3A_35 : vector<1x16xi32> to vector<16xi32>
      %get3A_37 = arith.index_cast %scan3A_8 : i32 to index
      %get3A_38 = arith.constant 16 : index
      %get3A_39 = tpu.vector_load %arg6[%get3A_37, %get3A_38] {strides = array<i32>} : memref<80x128xi32, #tpu.memory_space<vmem>>, vector<1x16xi32>,
      %get3A_40 = vector.shape_cast %get3A_39 : vector<1x16xi32> to vector<16xi32>
      %eq3A_41 = arith.constant 0 : i32
      %eq3A_42 = vector.broadcast %eq3A_41 : i32 to vector<16xi32>
      %eq3A_43 = arith.cmpi eq, %get3A_40, %eq3A_42 : vector<16xi32>
      %eq3A_44 = arith.constant 2 : i32
      %eq3A_45 = vector.broadcast %eq3A_44 : i32 to vector<16xi32>
      %eq3A_46 = arith.cmpi eq, %get3A_40, %eq3A_45 : vector<16xi32>
      %or3A_47 = arith.ori %eq3A_43, %eq3A_46 : vector<16xi1>
      %eq3A_48 = arith.constant 4 : i32
      %eq3A_49 = vector.broadcast %eq3A_48 : i32 to vector<16xi32>
      %eq3A_50 = arith.cmpi eq, %get3A_40, %eq3A_49 : vector<16xi32>
      %or3A_51 = arith.ori %or3A_47, %eq3A_50 : vector<16xi1>
      %eq3A_52 = arith.constant 6 : i32
      %eq3A_53 = vector.broadcast %eq3A_52 : i32 to vector<16xi32>
      %eq3A_54 = arith.cmpi eq, %get3A_40, %eq3A_53 : vector<16xi32>
      %or3A_55 = arith.ori %or3A_51, %eq3A_54 : vector<16xi1>
      %jit3A_56 = arith.constant 10000 : i32
      %broadcast_in_dim3A_57 = vector.broadcast %jit3A_56 : i32 to vector<16xi32>
      %select_n3A_58 = arith.select %or3A_55, %get3A_36, %broadcast_in_dim3A_57 : vector<16xi1>, vector<16xi32>
      %swap3A_59 = arith.index_cast %scan3A_8 : i32 to index
      %swap3A_60 = arith.constant 16 : index
      %swap3A_61 = tpu.vector_load %arg6[%swap3A_59, %swap3A_60] {strides = array<i32>} : memref<80x128xi32, #tpu.memory_space<vmem>>, vector<1x16xi32>,
      %swap3A_62 = vector.shape_cast %swap3A_61 : vector<1x16xi32> to vector<16xi32>
      %swap3A_63 = vector.shape_cast %select_n3A_58 : vector<16xi32> to vector<1x16xi32>
      tpu.vector_store %arg6[%swap3A_59, %swap3A_60], %swap3A_63 {strides = array<i32>} : memref<80x128xi32, #tpu.memory_space<vmem>>, vector<1x16xi32>,
      %get3A_64 = arith.index_cast %scan3A_8 : i32 to index
      %get3A_65 = arith.constant 32 : index
      %get3A_66 = tpu.vector_load %arg5[%get3A_64, %get3A_65] {strides = array<i32>} : memref<80x128xi32, #tpu.memory_space<vmem>>, vector<1x16xi32>,
      %get3A_67 = vector.shape_cast %get3A_66 : vector<1x16xi32> to vector<16xi32>
      %get3A_68 = arith.index_cast %scan3A_8 : i32 to index
      %get3A_69 = arith.constant 32 : index
      %get3A_70 = tpu.vector_load %arg6[%get3A_68, %get3A_69] {strides = array<i32>} : memref<80x128xi32, #tpu.memory_space<vmem>>, vector<1x16xi32>,
      %get3A_71 = vector.shape_cast %get3A_70 : vector<1x16xi32> to vector<16xi32>
      %eq3A_72 = arith.constant 0 : i32
      %eq3A_73 = vector.broadcast %eq3A_72 : i32 to vector<16xi32>
      %eq3A_74 = arith.cmpi eq, %get3A_71, %eq3A_73 : vector<16xi32>
      %eq3A_75 = arith.constant 2 : i32
      %eq3A_76 = vector.broadcast %eq3A_75 : i32 to vector<16xi32>
      %eq3A_77 = arith.cmpi eq, %get3A_71, %eq3A_76 : vector<16xi32>
      %or3A_78 = arith.ori %eq3A_74, %eq3A_77 : vector<16xi1>
      %eq3A_79 = arith.constant 4 : i32
      %eq3A_80 = vector.broadcast %eq3A_79 : i32 to vector<16xi32>
      %eq3A_81 = arith.cmpi eq, %get3A_71, %eq3A_80 : vector<16xi32>
      %or3A_82 = arith.ori %or3A_78, %eq3A_81 : vector<16xi1>
      %eq3A_83 = arith.constant 6 : i32
      %eq3A_84 = vector.broadcast %eq3A_83 : i32 to vector<16xi32>
      %eq3A_85 = arith.cmpi eq, %get3A_71, %eq3A_84 : vector<16xi32>
      %or3A_86 = arith.ori %or3A_82, %eq3A_85 : vector<16xi1>
      %jit3A_87 = arith.constant 10000 : i32
      %broadcast_in_dim3A_88 = vector.broadcast %jit3A_87 : i32 to vector<16xi32>
      %select_n3A_89 = arith.select %or3A_86, %get3A_67, %broadcast_in_dim3A_88 : vector<16xi1>, vector<16xi32>
      %swap3A_90 = arith.index_cast %scan3A_8 : i32 to index
      %swap3A_91 = arith.constant 32 : index
      %swap3A_92 = tpu.vector_load %arg6[%swap3A_90, %swap3A_91] {strides = array<i32>} : memref<80x128xi32, #tpu.memory_space<vmem>>, vector<1x16xi32>,
      %swap3A_93 = vector.shape_cast %swap3A_92 : vector<1x16xi32> to vector<16xi32>
      %swap3A_94 = vector.shape_cast %select_n3A_89 : vector<16xi32> to vector<1x16xi32>
      tpu.vector_store %arg6[%swap3A_90, %swap3A_91], %swap3A_94 {strides = array<i32>} : memref<80x128xi32, #tpu.memory_space<vmem>>, vector<1x16xi32>,
      %get3A_95 = arith.index_cast %scan3A_8 : i32 to index
      %get3A_96 = arith.constant 48 : index
      %get3A_97 = tpu.vector_load %arg5[%get3A_95, %get3A_96] {strides = array<i32>} : memref<80x128xi32, #tpu.memory_space<vmem>>, vector<1x16xi32>,
      %get3A_98 = vector.shape_cast %get3A_97 : vector<1x16xi32> to vector<16xi32>
      %get3A_99 = arith.index_cast %scan3A_8 : i32 to index
      %get3A_100 = arith.constant 48 : index
      %get3A_101 = tpu.vector_load %arg6[%get3A_99, %get3A_100] {strides = array<i32>} : memref<80x128xi32, #tpu.memory_space<vmem>>, vector<1x16xi32>,
      %get3A_102 = vector.shape_cast %get3A_101 : vector<1x16xi32> to vector<16xi32>
      %eq3A_103 = arith.constant 0 : i32
      %eq3A_104 = vector.broadcast %eq3A_103 : i32 to vector<16xi32>
      %eq3A_105 = arith.cmpi eq, %get3A_102, %eq3A_104 : vector<16xi32>
      %eq3A_106 = arith.constant 2 : i32
      %eq3A_107 = vector.broadcast %eq3A_106 : i32 to vector<16xi32>
      %eq3A_108 = arith.cmpi eq, %get3A_102, %eq3A_107 : vector<16xi32>
      %or3A_109 = arith.ori %eq3A_105, %eq3A_108 : vector<16xi1>
      %eq3A_110 = arith.constant 4 : i32
      %eq3A_111 = vector.broadcast %eq3A_110 : i32 to vector<16xi32>
      %eq3A_112 = arith.cmpi eq, %get3A_102, %eq3A_111 : vector<16xi32>
      %or3A_113 = arith.ori %or3A_109, %eq3A_112 : vector<16xi1>
      %eq3A_114 = arith.constant 6 : i32
      %eq3A_115 = vector.broadcast %eq3A_114 : i32 to vector<16xi32>
      %eq3A_116 = arith.cmpi eq, %get3A_102, %eq3A_115 : vector<16xi32>
      %or3A_117 = arith.ori %or3A_113, %eq3A_116 : vector<16xi1>
      %jit3A_118 = arith.constant 10000 : i32
      %broadcast_in_dim3A_119 = vector.broadcast %jit3A_118 : i32 to vector<16xi32>
      %select_n3A_120 = arith.select %or3A_117, %get3A_98, %broadcast_in_dim3A_119 : vector<16xi1>, vector<16xi32>
      %swap3A_121 = arith.index_cast %scan3A_8 : i32 to index
      %swap3A_122 = arith.constant 48 : index
      %swap3A_123 = tpu.vector_load %arg6[%swap3A_121, %swap3A_122] {strides = array<i32>} : memref<80x128xi32, #tpu.memory_space<vmem>>, vector<1x16xi32>,
      %swap3A_124 = vector.shape_cast %swap3A_123 : vector<1x16xi32> to vector<16xi32>
      %swap3A_125 = vector.shape_cast %select_n3A_120 : vector<16xi32> to vector<1x16xi32>
      tpu.vector_store %arg6[%swap3A_121, %swap3A_122], %swap3A_125 {strides = array<i32>} : memref<80x128xi32, #tpu.memory_space<vmem>>, vector<1x16xi32>,
      %get3A_126 = arith.index_cast %scan3A_8 : i32 to index
      %get3A_127 = arith.constant 64 : index
      %get3A_128 = tpu.vector_load %arg5[%get3A_126, %get3A_127] {strides = array<i32>} : memref<80x128xi32, #tpu.memory_space<vmem>>, vector<1x16xi32>,
      %get3A_129 = vector.shape_cast %get3A_128 : vector<1x16xi32> to vector<16xi32>
      %get3A_130 = arith.index_cast %scan3A_8 : i32 to index
      %get3A_131 = arith.constant 64 : index
      %get3A_132 = tpu.vector_load %arg6[%get3A_130, %get3A_131] {strides = array<i32>} : memref<80x128xi32, #tpu.memory_space<vmem>>, vector<1x16xi32>,
      %get3A_133 = vector.shape_cast %get3A_132 : vector<1x16xi32> to vector<16xi32>
      %eq3A_134 = arith.constant 0 : i32
      %eq3A_135 = vector.broadcast %eq3A_134 : i32 to vector<16xi32>
      %eq3A_136 = arith.cmpi eq, %get3A_133, %eq3A_135 : vector<16xi32>
      %eq3A_137 = arith.constant 2 : i32
      %eq3A_138 = vector.broadcast %eq3A_137 : i32 to vector<16xi32>
      %eq3A_139 = arith.cmpi eq, %get3A_133, %eq3A_138 : vector<16xi32>
      %or3A_140 = arith.ori %eq3A_136, %eq3A_139 : vector<16xi1>
      %eq3A_141 = arith.constant 4 : i32
      %eq3A_142 = vector.broadcast %eq3A_141 : i32 to vector<16xi32>
      %eq3A_143 = arith.cmpi eq, %get3A_133, %eq3A_142 : vector<16xi32>
      %or3A_144 = arith.ori %or3A_140, %eq3A_143 : vector<16xi1>
      %eq3A_145 = arith.constant 6 : i32
      %eq3A_146 = vector.broadcast %eq3A_145 : i32 to vector<16xi32>
      %eq3A_147 = arith.cmpi eq, %get3A_133, %eq3A_146 : vector<16xi32>
      %or3A_148 = arith.ori %or3A_144, %eq3A_147 : vector<16xi1>
      %jit3A_149 = arith.constant 10000 : i32
      %broadcast_in_dim3A_150 = vector.broadcast %jit3A_149 : i32 to vector<16xi32>
      %select_n3A_151 = arith.select %or3A_148, %get3A_129, %broadcast_in_dim3A_150 : vector<16xi1>, vector<16xi32>
      %swap3A_152 = arith.index_cast %scan3A_8 : i32 to index
      %swap3A_153 = arith.constant 64 : index
      %swap3A_154 = tpu.vector_load %arg6[%swap3A_152, %swap3A_153] {strides = array<i32>} : memref<80x128xi32, #tpu.memory_space<vmem>>, vector<1x16xi32>,
      %swap3A_155 = vector.shape_cast %swap3A_154 : vector<1x16xi32> to vector<16xi32>
      %swap3A_156 = vector.shape_cast %select_n3A_151 : vector<16xi32> to vector<1x16xi32>
      tpu.vector_store %arg6[%swap3A_152, %swap3A_153], %swap3A_156 {strides = array<i32>} : memref<80x128xi32, #tpu.memory_space<vmem>>, vector<1x16xi32>,
      %get3A_157 = arith.index_cast %scan3A_8 : i32 to index
      %get3A_158 = arith.constant 80 : index
      %get3A_159 = tpu.vector_load %arg5[%get3A_157, %get3A_158] {strides = array<i32>} : memref<80x128xi32, #tpu.memory_space<vmem>>, vector<1x16xi32>,
      %get3A_160 = vector.shape_cast %get3A_159 : vector<1x16xi32> to vector<16xi32>
      %get3A_161 = arith.index_cast %scan3A_8 : i32 to index
      %get3A_162 = arith.constant 80 : index
      %get3A_163 = tpu.vector_load %arg6[%get3A_161, %get3A_162] {strides = array<i32>} : memref<80x128xi32, #tpu.memory_space<vmem>>, vector<1x16xi32>,
      %get3A_164 = vector.shape_cast %get3A_163 : vector<1x16xi32> to vector<16xi32>
      %eq3A_165 = arith.constant 0 : i32
      %eq3A_166 = vector.broadcast %eq3A_165 : i32 to vector<16xi32>
      %eq3A_167 = arith.cmpi eq, %get3A_164, %eq3A_166 : vector<16xi32>
      %eq3A_168 = arith.constant 2 : i32
      %eq3A_169 = vector.broadcast %eq3A_168 : i32 to vector<16xi32>
      %eq3A_170 = arith.cmpi eq, %get3A_164, %eq3A_169 : vector<16xi32>
      %or3A_171 = arith.ori %eq3A_167, %eq3A_170 : vector<16xi1>
      %eq3A_172 = arith.constant 4 : i32
      %eq3A_173 = vector.broadcast %eq3A_172 : i32 to vector<16xi32>
      %eq3A_174 = arith.cmpi eq, %get3A_164, %eq3A_173 : vector<16xi32>
      %or3A_175 = arith.ori %or3A_171, %eq3A_174 : vector<16xi1>
      %eq3A_176 = arith.constant 6 : i32
      %eq3A_177 = vector.broadcast %eq3A_176 : i32 to vector<16xi32>
      %eq3A_178 = arith.cmpi eq, %get3A_164, %eq3A_177 : vector<16xi32>
      %or3A_179 = arith.ori %or3A_175, %eq3A_178 : vector<16xi1>
      %jit3A_180 = arith.constant 10000 : i32
      %broadcast_in_dim3A_181 = vector.broadcast %jit3A_180 : i32 to vector<16xi32>
      %select_n3A_182 = arith.select %or3A_179, %get3A_160, %broadcast_in_dim3A_181 : vector<16xi1>, vector<16xi32>
      %swap3A_183 = arith.index_cast %scan3A_8 : i32 to index
      %swap3A_184 = arith.constant 80 : index
      %swap3A_185 = tpu.vector_load %arg6[%swap3A_183, %swap3A_184] {strides = array<i32>} : memref<80x128xi32, #tpu.memory_space<vmem>>, vector<1x16xi32>,
      %swap3A_186 = vector.shape_cast %swap3A_185 : vector<1x16xi32> to vector<16xi32>
      %swap3A_187 = vector.shape_cast %select_n3A_182 : vector<16xi32> to vector<1x16xi32>
      tpu.vector_store %arg6[%swap3A_183, %swap3A_184], %swap3A_187 {strides = array<i32>} : memref<80x128xi32, #tpu.memory_space<vmem>>, vector<1x16xi32>,
      %get3A_188 = arith.index_cast %scan3A_8 : i32 to index
      %get3A_189 = arith.constant 96 : index
      %get3A_190 = tpu.vector_load %arg5[%get3A_188, %get3A_189] {strides = array<i32>} : memref<80x128xi32, #tpu.memory_space<vmem>>, vector<1x16xi32>,
      %get3A_191 = vector.shape_cast %get3A_190 : vector<1x16xi32> to vector<16xi32>
      %get3A_192 = arith.index_cast %scan3A_8 : i32 to index
      %get3A_193 = arith.constant 96 : index
      %get3A_194 = tpu.vector_load %arg6[%get3A_192, %get3A_193] {strides = array<i32>} : memref<80x128xi32, #tpu.memory_space<vmem>>, vector<1x16xi32>,
      %get3A_195 = vector.shape_cast %get3A_194 : vector<1x16xi32> to vector<16xi32>
      %eq3A_196 = arith.constant 0 : i32
      %eq3A_197 = vector.broadcast %eq3A_196 : i32 to vector<16xi32>
      %eq3A_198 = arith.cmpi eq, %get3A_195, %eq3A_197 : vector<16xi32>
      %eq3A_199 = arith.constant 2 : i32
      %eq3A_200 = vector.broadcast %eq3A_199 : i32 to vector<16xi32>
      %eq3A_201 = arith.cmpi eq, %get3A_195, %eq3A_200 : vector<16xi32>
      %or3A_202 = arith.ori %eq3A_198, %eq3A_201 : vector<16xi1>
      %eq3A_203 = arith.constant 4 : i32
      %eq3A_204 = vector.broadcast %eq3A_203 : i32 to vector<16xi32>
      %eq3A_205 = arith.cmpi eq, %get3A_195, %eq3A_204 : vector<16xi32>
      %or3A_206 = arith.ori %or3A_202, %eq3A_205 : vector<16xi1>
      %eq3A_207 = arith.constant 6 : i32
      %eq3A_208 = vector.broadcast %eq3A_207 : i32 to vector<16xi32>
      %eq3A_209 = arith.cmpi eq, %get3A_195, %eq3A_208 : vector<16xi32>
      %or3A_210 = arith.ori %or3A_206, %eq3A_209 : vector<16xi1>
      %jit3A_211 = arith.constant 10000 : i32
      %broadcast_in_dim3A_212 = vector.broadcast %jit3A_211 : i32 to vector<16xi32>
      %select_n3A_213 = arith.select %or3A_210, %get3A_191, %broadcast_in_dim3A_212 : vector<16xi1>, vector<16xi32>
      %swap3A_214 = arith.index_cast %scan3A_8 : i32 to index
      %swap3A_215 = arith.constant 96 : index
      %swap3A_216 = tpu.vector_load %arg6[%swap3A_214, %swap3A_215] {strides = array<i32>} : memref<80x128xi32, #tpu.memory_space<vmem>>, vector<1x16xi32>,
      %swap3A_217 = vector.shape_cast %swap3A_216 : vector<1x16xi32> to vector<16xi32>
      %swap3A_218 = vector.shape_cast %select_n3A_213 : vector<16xi32> to vector<1x16xi32>
      tpu.vector_store %arg6[%swap3A_214, %swap3A_215], %swap3A_218 {strides = array<i32>} : memref<80x128xi32, #tpu.memory_space<vmem>>, vector<1x16xi32>,
      %get3A_219 = arith.index_cast %scan3A_8 : i32 to index
      %get3A_220 = arith.constant 112 : index
      %get3A_221 = tpu.vector_load %arg5[%get3A_219, %get3A_220] {strides = array<i32>} : memref<80x128xi32, #tpu.memory_space<vmem>>, vector<1x16xi32>,
      %get3A_222 = vector.shape_cast %get3A_221 : vector<1x16xi32> to vector<16xi32>
      %get3A_223 = arith.index_cast %scan3A_8 : i32 to index
      %get3A_224 = arith.constant 112 : index
      %get3A_225 = tpu.vector_load %arg6[%get3A_223, %get3A_224] {strides = array<i32>} : memref<80x128xi32, #tpu.memory_space<vmem>>, vector<1x16xi32>,
      %get3A_226 = vector.shape_cast %get3A_225 : vector<1x16xi32> to vector<16xi32>
      %eq3A_227 = arith.constant 0 : i32
      %eq3A_228 = vector.broadcast %eq3A_227 : i32 to vector<16xi32>
      %eq3A_229 = arith.cmpi eq, %get3A_226, %eq3A_228 : vector<16xi32>
      %eq3A_230 = arith.constant 2 : i32
      %eq3A_231 = vector.broadcast %eq3A_230 : i32 to vector<16xi32>
      %eq3A_232 = arith.cmpi eq, %get3A_226, %eq3A_231 : vector<16xi32>
      %or3A_233 = arith.ori %eq3A_229, %eq3A_232 : vector<16xi1>
      %eq3A_234 = arith.constant 4 : i32
      %eq3A_235 = vector.broadcast %eq3A_234 : i32 to vector<16xi32>
      %eq3A_236 = arith.cmpi eq, %get3A_226, %eq3A_235 : vector<16xi32>
      %or3A_237 = arith.ori %or3A_233, %eq3A_236 : vector<16xi1>
      %eq3A_238 = arith.constant 6 : i32
      %eq3A_239 = vector.broadcast %eq3A_238 : i32 to vector<16xi32>
      %eq3A_240 = arith.cmpi eq, %get3A_226, %eq3A_239 : vector<16xi32>
      %or3A_241 = arith.ori %or3A_237, %eq3A_240 : vector<16xi1>
      %jit3A_242 = arith.constant 10000 : i32
      %broadcast_in_dim3A_243 = vector.broadcast %jit3A_242 : i32 to vector<16xi32>
      %select_n3A_244 = arith.select %or3A_241, %get3A_222, %broadcast_in_dim3A_243 : vector<16xi1>, vector<16xi32>
      %swap3A_245 = arith.index_cast %scan3A_8 : i32 to index
      %swap3A_246 = arith.constant 112 : index
      %swap3A_247 = tpu.vector_load %arg6[%swap3A_245, %swap3A_246] {strides = array<i32>} : memref<80x128xi32, #tpu.memory_space<vmem>>, vector<1x16xi32>,
      %swap3A_248 = vector.shape_cast %swap3A_247 : vector<1x16xi32> to vector<16xi32>
      %swap3A_249 = vector.shape_cast %select_n3A_244 : vector<16xi32> to vector<1x16xi32>
      tpu.vector_store %arg6[%swap3A_245, %swap3A_246], %swap3A_249 {strides = array<i32>} : memref<80x128xi32, #tpu.memory_space<vmem>>, vector<1x16xi32>,
    }
    %scan3A_7 = arith.constant 80 : i32
    "tpu.region"() ({
      %run_scoped3A = tpu.sem_alloc : memref<!tpu.dma_semaphore, #tpu.memory_space<semaphore_mem>>
      %dma_start3A = arith.constant 0 : i32
      %dma_start3A_8 = tpu.memref_slice %arg4[%mul3A_2, %dma_start3A] : memref<2560x128xi32, #tpu.memory_space<hbm>> -> memref<80x128xi32, #tpu.memory_space<hbm>>
      %dma_start3A_9 = arith.constant 0 : i32
      %dma_start3A_10 = tpu.memref_slice %arg4[%mul3A_2, %dma_start3A_9] : memref<2560x128xi32, #tpu.memory_space<hbm>> -> memref<80x128xi32, #tpu.memory_space<hbm>>
      tpu.enqueue_dma source(%arg6 : memref<80x128xi32, #tpu.memory_space<vmem>>) target(%dma_start3A_10 : memref<80x128xi32, #tpu.memory_space<hbm>>) target_semaphore(%run_scoped3A : memref<!tpu.dma_semaphore, #tpu.memory_space<semaphore_mem>>)
      %dma_wait3A = arith.constant 0 : i32
      %dma_wait3A_11 = tpu.memref_slice %arg4[%mul3A_2, %dma_wait3A] : memref<2560x128xi32, #tpu.memory_space<hbm>> -> memref<80x128xi32, #tpu.memory_space<hbm>>
      %dma_wait3A_12 = arith.constant 0 : i32
      %dma_wait3A_13 = tpu.memref_slice %arg4[%mul3A_2, %dma_wait3A_12] : memref<2560x128xi32, #tpu.memory_space<hbm>> -> memref<80x128xi32, #tpu.memory_space<hbm>>
      tpu.wait_dma2 semaphore(%run_scoped3A : memref<!tpu.dma_semaphore, #tpu.memory_space<semaphore_mem>>) src(%arg6 : memref<80x128xi32, #tpu.memory_space<vmem>>) dst(%dma_wait3A_13 : memref<80x128xi32, #tpu.memory_space<hbm>>)
      tpu.yield
    }) : () -> ()
    return
  }
}

#map = affine_map<(d0, d1) -> (0, 0)>
#map1 = affine_map<(d0, d1) -> (0, 0, 0)>
module attributes {stable_mosaic.version = 14 : i64} {
  func.func @_edge_body(%arg0: i32, %arg1: i32, %arg2: memref<10112x128xf32, #tpu.memory_space<hbm>>, %arg3: memref<2560x128xi32, #tpu.memory_space<hbm>>, %arg4: memref<2560x128xi32, #tpu.memory_space<hbm>>, %arg5: memref<2560x128xi32, #tpu.memory_space<hbm>>, %arg6: memref<10112x128xf32, #tpu.memory_space<hbm>>, %arg7: memref<2x10112x128xf32, #tpu.memory_space<hbm>>, %arg8: memref<40x128xi32, #tpu.memory_space<vmem>>, %arg9: memref<40x128xi32, #tpu.memory_space<vmem>>, %arg10: memref<40x128xi32, #tpu.memory_space<vmem>>, %arg11: memref<128x128xf32, #tpu.memory_space<vmem>>, %arg12: memref<128x128xf32, #tpu.memory_space<vmem>>, %arg13: memref<10112x128xf32, #tpu.memory_space<vmem_shared>>, %arg14: memref<!tpu.dma_semaphore, #tpu.memory_space<semaphore_mem>>, %arg15: memref<!tpu.dma_semaphore, #tpu.memory_space<semaphore_mem>>, %arg16: memref<!tpu.dma_semaphore, #tpu.memory_space<semaphore_mem>>, %arg17: memref<!tpu.dma_semaphore, #tpu.memory_space<semaphore_mem>>, %arg18: memref<!tpu.dma_semaphore, #tpu.memory_space<semaphore_mem>>, %arg19: memref<!tpu.dma_semaphore, #tpu.memory_space<semaphore_mem>>) attributes {dimension_semantics = [#tpu.dimension_semantics<core_parallel>, #tpu.dimension_semantics<subcore_parallel>], iteration_bounds = array<i64: 2, 16>, scalar_prefetch = 0 : i64, scratch_operands = 12 : i64, tpu.core_type = #tpu.core_type<sc_vector_subcore>, window_params = [{transform_indices = #map}, {transform_indices = #map}, {transform_indices = #map}, {transform_indices = #map}, {transform_indices = #map}, {transform_indices = #map1}]} {
    %mul3A = arith.constant 16 : i32
    %mul3A_0 = arith.muli %arg0, %mul3A : i32
    %add3A = arith.addi %mul3A_0, %arg1 : i32
    %mul3A_1 = arith.constant 80 : i32
    %mul3A_2 = arith.muli %add3A, %mul3A_1 : i32
    %mul3A_3 = arith.constant 632 : i32
    %mul3A_4 = arith.muli %arg1, %mul3A_3 : i32
    %mul3A_5 = arith.constant 632 : i32
    %mul3A_6 = arith.muli %arg1, %mul3A_5 : i32
    "tpu.region"() ({
      %run_scoped3A = tpu.sem_alloc : memref<!tpu.dma_semaphore, #tpu.memory_space<semaphore_mem>>
      %dma_start3A_95 = arith.constant 0 : i32
      %dma_start3A_96 = tpu.memref_slice %arg13[%mul3A_6, %dma_start3A_95] : memref<10112x128xf32, #tpu.memory_space<vmem_shared>> -> memref<632x128xf32, #tpu.memory_space<vmem_shared>>
      %dma_start3A_97 = arith.constant 0 : i32
      %dma_start3A_98 = tpu.memref_slice %arg6[%mul3A_4, %dma_start3A_97] : memref<10112x128xf32, #tpu.memory_space<hbm>> -> memref<632x128xf32, #tpu.memory_space<hbm>>
      tpu.enqueue_dma source(%dma_start3A_98 : memref<632x128xf32, #tpu.memory_space<hbm>>) target(%dma_start3A_96 : memref<632x128xf32, #tpu.memory_space<vmem_shared>>) target_semaphore(%run_scoped3A : memref<!tpu.dma_semaphore, #tpu.memory_space<semaphore_mem>>)
      %dma_wait3A_99 = arith.constant 0 : i32
      %dma_wait3A_100 = tpu.memref_slice %arg13[%mul3A_6, %dma_wait3A_99] : memref<10112x128xf32, #tpu.memory_space<vmem_shared>> -> memref<632x128xf32, #tpu.memory_space<vmem_shared>>
      %dma_wait3A_101 = arith.constant 0 : i32
      %dma_wait3A_102 = tpu.memref_slice %arg6[%mul3A_4, %dma_wait3A_101] : memref<10112x128xf32, #tpu.memory_space<hbm>> -> memref<632x128xf32, #tpu.memory_space<hbm>>
      tpu.wait_dma2 semaphore(%run_scoped3A : memref<!tpu.dma_semaphore, #tpu.memory_space<semaphore_mem>>) src(%dma_wait3A_102 : memref<632x128xf32, #tpu.memory_space<hbm>>) dst(%dma_wait3A_100 : memref<632x128xf32, #tpu.memory_space<vmem_shared>>)
      tpu.yield
    }) : () -> ()
    %barrier3A = arith.constant 0 : index
    tpu.barrier barrier_id(%barrier3A)
    %add3A_7 = arith.constant 0 : i32
    %add3A_8 = arith.addi %mul3A_2, %add3A_7 : i32
    "tpu.region"() ({
      %run_scoped3A = tpu.sem_alloc : memref<!tpu.dma_semaphore, #tpu.memory_space<semaphore_mem>>
      %dma_start3A_95 = arith.constant 0 : i32
      %dma_start3A_96 = tpu.memref_slice %arg3[%add3A_8, %dma_start3A_95] : memref<2560x128xi32, #tpu.memory_space<hbm>> -> memref<40x128xi32, #tpu.memory_space<hbm>>
      %dma_start3A_97 = arith.constant 0 : i32
      %dma_start3A_98 = tpu.memref_slice %arg3[%add3A_8, %dma_start3A_97] : memref<2560x128xi32, #tpu.memory_space<hbm>> -> memref<40x128xi32, #tpu.memory_space<hbm>>
      tpu.enqueue_dma source(%dma_start3A_98 : memref<40x128xi32, #tpu.memory_space<hbm>>) target(%arg8 : memref<40x128xi32, #tpu.memory_space<vmem>>) target_semaphore(%run_scoped3A : memref<!tpu.dma_semaphore, #tpu.memory_space<semaphore_mem>>)
      %dma_wait3A_99 = arith.constant 0 : i32
      %dma_wait3A_100 = tpu.memref_slice %arg3[%add3A_8, %dma_wait3A_99] : memref<2560x128xi32, #tpu.memory_space<hbm>> -> memref<40x128xi32, #tpu.memory_space<hbm>>
      %dma_wait3A_101 = arith.constant 0 : i32
      %dma_wait3A_102 = tpu.memref_slice %arg3[%add3A_8, %dma_wait3A_101] : memref<2560x128xi32, #tpu.memory_space<hbm>> -> memref<40x128xi32, #tpu.memory_space<hbm>>
      tpu.wait_dma2 semaphore(%run_scoped3A : memref<!tpu.dma_semaphore, #tpu.memory_space<semaphore_mem>>) src(%dma_wait3A_102 : memref<40x128xi32, #tpu.memory_space<hbm>>) dst(%arg8 : memref<40x128xi32, #tpu.memory_space<vmem>>)
      tpu.yield
    }) : () -> ()
    "tpu.region"() ({
      %run_scoped3A = tpu.sem_alloc : memref<!tpu.dma_semaphore, #tpu.memory_space<semaphore_mem>>
      %dma_start3A_95 = arith.constant 0 : i32
      %dma_start3A_96 = tpu.memref_slice %arg4[%add3A_8, %dma_start3A_95] : memref<2560x128xi32, #tpu.memory_space<hbm>> -> memref<40x128xi32, #tpu.memory_space<hbm>>
      %dma_start3A_97 = arith.constant 0 : i32
      %dma_start3A_98 = tpu.memref_slice %arg4[%add3A_8, %dma_start3A_97] : memref<2560x128xi32, #tpu.memory_space<hbm>> -> memref<40x128xi32, #tpu.memory_space<hbm>>
      tpu.enqueue_dma source(%dma_start3A_98 : memref<40x128xi32, #tpu.memory_space<hbm>>) target(%arg9 : memref<40x128xi32, #tpu.memory_space<vmem>>) target_semaphore(%run_scoped3A : memref<!tpu.dma_semaphore, #tpu.memory_space<semaphore_mem>>)
      %dma_wait3A_99 = arith.constant 0 : i32
      %dma_wait3A_100 = tpu.memref_slice %arg4[%add3A_8, %dma_wait3A_99] : memref<2560x128xi32, #tpu.memory_space<hbm>> -> memref<40x128xi32, #tpu.memory_space<hbm>>
      %dma_wait3A_101 = arith.constant 0 : i32
      %dma_wait3A_102 = tpu.memref_slice %arg4[%add3A_8, %dma_wait3A_101] : memref<2560x128xi32, #tpu.memory_space<hbm>> -> memref<40x128xi32, #tpu.memory_space<hbm>>
      tpu.wait_dma2 semaphore(%run_scoped3A : memref<!tpu.dma_semaphore, #tpu.memory_space<semaphore_mem>>) src(%dma_wait3A_102 : memref<40x128xi32, #tpu.memory_space<hbm>>) dst(%arg9 : memref<40x128xi32, #tpu.memory_space<vmem>>)
      tpu.yield
    }) : () -> ()
    "tpu.region"() ({
      %run_scoped3A = tpu.sem_alloc : memref<!tpu.dma_semaphore, #tpu.memory_space<semaphore_mem>>
      %dma_start3A_95 = arith.constant 0 : i32
      %dma_start3A_96 = tpu.memref_slice %arg5[%add3A_8, %dma_start3A_95] : memref<2560x128xi32, #tpu.memory_space<hbm>> -> memref<40x128xi32, #tpu.memory_space<hbm>>
      %dma_start3A_97 = arith.constant 0 : i32
      %dma_start3A_98 = tpu.memref_slice %arg5[%add3A_8, %dma_start3A_97] : memref<2560x128xi32, #tpu.memory_space<hbm>> -> memref<40x128xi32, #tpu.memory_space<hbm>>
      tpu.enqueue_dma source(%dma_start3A_98 : memref<40x128xi32, #tpu.memory_space<hbm>>) target(%arg10 : memref<40x128xi32, #tpu.memory_space<vmem>>) target_semaphore(%run_scoped3A : memref<!tpu.dma_semaphore, #tpu.memory_space<semaphore_mem>>)
      %dma_wait3A_99 = arith.constant 0 : i32
      %dma_wait3A_100 = tpu.memref_slice %arg5[%add3A_8, %dma_wait3A_99] : memref<2560x128xi32, #tpu.memory_space<hbm>> -> memref<40x128xi32, #tpu.memory_space<hbm>>
      %dma_wait3A_101 = arith.constant 0 : i32
      %dma_wait3A_102 = tpu.memref_slice %arg5[%add3A_8, %dma_wait3A_101] : memref<2560x128xi32, #tpu.memory_space<hbm>> -> memref<40x128xi32, #tpu.memory_space<hbm>>
      tpu.wait_dma2 semaphore(%run_scoped3A : memref<!tpu.dma_semaphore, #tpu.memory_space<semaphore_mem>>) src(%dma_wait3A_102 : memref<40x128xi32, #tpu.memory_space<hbm>>) dst(%arg10 : memref<40x128xi32, #tpu.memory_space<vmem>>)
      tpu.yield
    }) : () -> ()
    %dma_start3A = arith.constant 0 : i32
    %dma_start3A_9 = arith.constant 0 : i32
    %dma_start3A_10 = tpu.memref_slice %arg8[%dma_start3A, %dma_start3A_9] : memref<40x128xi32, #tpu.memory_space<vmem>> -> memref<1x128xi32, #tpu.memory_space<vmem>>
    %dma_start3A_11 = tpu.memref_squeeze %dma_start3A_10 : memref<1x128xi32, #tpu.memory_space<vmem>> -> memref<128xi32, #tpu.memory_space<vmem>>
    %dma_start3A_12 = arith.constant 0 : i32
    %dma_start3A_13 = arith.constant 0 : i32
    %dma_start3A_14 = tpu.memref_slice %arg2[%dma_start3A_12, %dma_start3A_13] : memref<10112x128xf32, #tpu.memory_space<hbm>> -> memref<10112x128xf32, #tpu.memory_space<hbm>>
    tpu.enqueue_indirect_dma source(%dma_start3A_14 : memref<10112x128xf32, #tpu.memory_space<hbm>>) target(%arg11 : memref<128x128xf32, #tpu.memory_space<vmem>>) offsets(%dma_start3A_11 : memref<128xi32, #tpu.memory_space<vmem>>) semaphore(%arg14 : memref<!tpu.dma_semaphore, #tpu.memory_space<semaphore_mem>>)
    %scan3A = arith.constant 0 : i32
    %scan3A_15 = arith.constant 0 : i32
    %scan3A_16 = arith.constant 20 : i32
    %scan3A_17 = arith.addi %scan3A_15, %scan3A_16 : i32
    %scan3A_18 = arith.constant 1 : i32
    scf.for %scan3A_95 = %scan3A_15 to %scan3A_17 step %scan3A_18  : i32 {
      %mul3A_96 = arith.constant 2 : i32
      %mul3A_97 = arith.muli %mul3A_96, %scan3A_95 : i32
      %add3A_98 = arith.constant 0 : i32
      %add3A_99 = arith.addi %mul3A_97, %add3A_98 : i32
      %dma_wait3A_100 = arith.constant 0 : i32
      %dma_wait3A_101 = tpu.memref_slice %arg8[%add3A_99, %dma_wait3A_100] : memref<40x128xi32, #tpu.memory_space<vmem>> -> memref<1x128xi32, #tpu.memory_space<vmem>>
      %dma_wait3A_102 = tpu.memref_squeeze %dma_wait3A_101 : memref<1x128xi32, #tpu.memory_space<vmem>> -> memref<128xi32, #tpu.memory_space<vmem>>
      %dma_wait3A_103 = arith.constant 0 : i32
      %dma_wait3A_104 = arith.constant 0 : i32
      %dma_wait3A_105 = tpu.memref_slice %arg2[%dma_wait3A_103, %dma_wait3A_104] : memref<10112x128xf32, #tpu.memory_space<hbm>> -> memref<10112x128xf32, #tpu.memory_space<hbm>>
      tpu.wait_indirect_dma semaphore(%arg14 : memref<!tpu.dma_semaphore, #tpu.memory_space<semaphore_mem>>) src(%dma_wait3A_105 : memref<10112x128xf32, #tpu.memory_space<hbm>>) dst(%arg11 : memref<128x128xf32, #tpu.memory_space<vmem>>)
      %dma_start3A_106 = arith.constant 0 : i32
      %dma_start3A_107 = tpu.memref_slice %arg9[%add3A_99, %dma_start3A_106] : memref<40x128xi32, #tpu.memory_space<vmem>> -> memref<1x128xi32, #tpu.memory_space<vmem>>
      %dma_start3A_108 = tpu.memref_squeeze %dma_start3A_107 : memref<1x128xi32, #tpu.memory_space<vmem>> -> memref<128xi32, #tpu.memory_space<vmem>>
      %dma_start3A_109 = arith.constant 0 : i32
      %dma_start3A_110 = arith.constant 0 : i32
      %dma_start3A_111 = tpu.memref_slice %arg13[%dma_start3A_109, %dma_start3A_110] : memref<10112x128xf32, #tpu.memory_space<vmem_shared>> -> memref<10112x128xf32, #tpu.memory_space<vmem_shared>>
      tpu.enqueue_indirect_dma source(%arg11 : memref<128x128xf32, #tpu.memory_space<vmem>>) target(%dma_start3A_111 : memref<10112x128xf32, #tpu.memory_space<vmem_shared>>) offsets(%dma_start3A_108 : memref<128xi32, #tpu.memory_space<vmem>>) semaphore(%arg16 : memref<!tpu.dma_semaphore, #tpu.memory_space<semaphore_mem>>) {add = true}
      %dma_start3A_112 = arith.constant 0 : i32
      %dma_start3A_113 = tpu.memref_slice %arg10[%add3A_99, %dma_start3A_112] : memref<40x128xi32, #tpu.memory_space<vmem>> -> memref<1x128xi32, #tpu.memory_space<vmem>>
      %dma_start3A_114 = tpu.memref_squeeze %dma_start3A_113 : memref<1x128xi32, #tpu.memory_space<vmem>> -> memref<128xi32, #tpu.memory_space<vmem>>
      %dma_start3A_115 = arith.constant 0 : i32
      %dma_start3A_116 = arith.constant 0 : i32
      %dma_start3A_117 = tpu.memref_slice %arg13[%dma_start3A_115, %dma_start3A_116] : memref<10112x128xf32, #tpu.memory_space<vmem_shared>> -> memref<10112x128xf32, #tpu.memory_space<vmem_shared>>
      tpu.enqueue_indirect_dma source(%arg11 : memref<128x128xf32, #tpu.memory_space<vmem>>) target(%dma_start3A_117 : memref<10112x128xf32, #tpu.memory_space<vmem_shared>>) offsets(%dma_start3A_114 : memref<128xi32, #tpu.memory_space<vmem>>) semaphore(%arg18 : memref<!tpu.dma_semaphore, #tpu.memory_space<semaphore_mem>>) {add = true}
      %add3A_118 = arith.constant 1 : i32
      %add3A_119 = arith.addi %add3A_99, %add3A_118 : i32
      %ge3A = arith.constant 2 : i32
      %ge3A_120 = arith.cmpi sge, %add3A_119, %ge3A : i32
      %lt3A = arith.constant 40 : i32
      %lt3A_121 = arith.cmpi slt, %add3A_119, %lt3A : i32
      %and3A = arith.andi %ge3A_120, %lt3A_121 : i1
      %convert_element_type3A = arith.extui %and3A : i1 to i32
      %cond3A = arith.constant 0 : i32
      %cond3A_122 = arith.cmpi ne, %convert_element_type3A, %cond3A : i32
      scf.if %cond3A_122 {
        %sub3A = arith.constant 2 : i32
        %sub3A_165 = arith.subi %add3A_119, %sub3A : i32
        %dma_wait3A_166 = arith.constant 0 : i32
        %dma_wait3A_167 = tpu.memref_slice %arg9[%sub3A_165, %dma_wait3A_166] : memref<40x128xi32, #tpu.memory_space<vmem>> -> memref<1x128xi32, #tpu.memory_space<vmem>>
        %dma_wait3A_168 = tpu.memref_squeeze %dma_wait3A_167 : memref<1x128xi32, #tpu.memory_space<vmem>> -> memref<128xi32, #tpu.memory_space<vmem>>
        %dma_wait3A_169 = arith.constant 0 : i32
        %dma_wait3A_170 = arith.constant 0 : i32
        %dma_wait3A_171 = tpu.memref_slice %arg13[%dma_wait3A_169, %dma_wait3A_170] : memref<10112x128xf32, #tpu.memory_space<vmem_shared>> -> memref<10112x128xf32, #tpu.memory_space<vmem_shared>>
        tpu.wait_indirect_dma semaphore(%arg17 : memref<!tpu.dma_semaphore, #tpu.memory_space<semaphore_mem>>) src(%arg12 : memref<128x128xf32, #tpu.memory_space<vmem>>) dst(%dma_wait3A_171 : memref<10112x128xf32, #tpu.memory_space<vmem_shared>>)
        %sub3A_172 = arith.constant 2 : i32
        %sub3A_173 = arith.subi %add3A_119, %sub3A_172 : i32
        %dma_wait3A_174 = arith.constant 0 : i32
        %dma_wait3A_175 = tpu.memref_slice %arg10[%sub3A_173, %dma_wait3A_174] : memref<40x128xi32, #tpu.memory_space<vmem>> -> memref<1x128xi32, #tpu.memory_space<vmem>>
        %dma_wait3A_176 = tpu.memref_squeeze %dma_wait3A_175 : memref<1x128xi32, #tpu.memory_space<vmem>> -> memref<128xi32, #tpu.memory_space<vmem>>
        %dma_wait3A_177 = arith.constant 0 : i32
        %dma_wait3A_178 = arith.constant 0 : i32
        %dma_wait3A_179 = tpu.memref_slice %arg13[%dma_wait3A_177, %dma_wait3A_178] : memref<10112x128xf32, #tpu.memory_space<vmem_shared>> -> memref<10112x128xf32, #tpu.memory_space<vmem_shared>>
        tpu.wait_indirect_dma semaphore(%arg19 : memref<!tpu.dma_semaphore, #tpu.memory_space<semaphore_mem>>) src(%arg12 : memref<128x128xf32, #tpu.memory_space<vmem>>) dst(%dma_wait3A_179 : memref<10112x128xf32, #tpu.memory_space<vmem_shared>>)
      } else {
      }
      %lt3A_123 = arith.constant 40 : i32
      %lt3A_124 = arith.cmpi slt, %add3A_119, %lt3A_123 : i32
      %convert_element_type3A_125 = arith.extui %lt3A_124 : i1 to i32
      %cond3A_126 = arith.constant 0 : i32
      %cond3A_127 = arith.cmpi ne, %convert_element_type3A_125, %cond3A_126 : i32
      scf.if %cond3A_127 {
        %dma_start3A_165 = arith.constant 0 : i32
        %dma_start3A_166 = tpu.memref_slice %arg8[%add3A_119, %dma_start3A_165] : memref<40x128xi32, #tpu.memory_space<vmem>> -> memref<1x128xi32, #tpu.memory_space<vmem>>
        %dma_start3A_167 = tpu.memref_squeeze %dma_start3A_166 : memref<1x128xi32, #tpu.memory_space<vmem>> -> memref<128xi32, #tpu.memory_space<vmem>>
        %dma_start3A_168 = arith.constant 0 : i32
        %dma_start3A_169 = arith.constant 0 : i32
        %dma_start3A_170 = tpu.memref_slice %arg2[%dma_start3A_168, %dma_start3A_169] : memref<10112x128xf32, #tpu.memory_space<hbm>> -> memref<10112x128xf32, #tpu.memory_space<hbm>>
        tpu.enqueue_indirect_dma source(%dma_start3A_170 : memref<10112x128xf32, #tpu.memory_space<hbm>>) target(%arg12 : memref<128x128xf32, #tpu.memory_space<vmem>>) offsets(%dma_start3A_167 : memref<128xi32, #tpu.memory_space<vmem>>) semaphore(%arg15 : memref<!tpu.dma_semaphore, #tpu.memory_space<semaphore_mem>>)
      } else {
      }
      %mul3A_128 = arith.constant 2 : i32
      %mul3A_129 = arith.muli %mul3A_128, %scan3A_95 : i32
      %add3A_130 = arith.constant 1 : i32
      %add3A_131 = arith.addi %mul3A_129, %add3A_130 : i32
      %dma_wait3A_132 = arith.constant 0 : i32
      %dma_wait3A_133 = tpu.memref_slice %arg8[%add3A_131, %dma_wait3A_132] : memref<40x128xi32, #tpu.memory_space<vmem>> -> memref<1x128xi32, #tpu.memory_space<vmem>>
      %dma_wait3A_134 = tpu.memref_squeeze %dma_wait3A_133 : memref<1x128xi32, #tpu.memory_space<vmem>> -> memref<128xi32, #tpu.memory_space<vmem>>
      %dma_wait3A_135 = arith.constant 0 : i32
      %dma_wait3A_136 = arith.constant 0 : i32
      %dma_wait3A_137 = tpu.memref_slice %arg2[%dma_wait3A_135, %dma_wait3A_136] : memref<10112x128xf32, #tpu.memory_space<hbm>> -> memref<10112x128xf32, #tpu.memory_space<hbm>>
      tpu.wait_indirect_dma semaphore(%arg15 : memref<!tpu.dma_semaphore, #tpu.memory_space<semaphore_mem>>) src(%dma_wait3A_137 : memref<10112x128xf32, #tpu.memory_space<hbm>>) dst(%arg12 : memref<128x128xf32, #tpu.memory_space<vmem>>)
      %dma_start3A_138 = arith.constant 0 : i32
      %dma_start3A_139 = tpu.memref_slice %arg9[%add3A_131, %dma_start3A_138] : memref<40x128xi32, #tpu.memory_space<vmem>> -> memref<1x128xi32, #tpu.memory_space<vmem>>
      %dma_start3A_140 = tpu.memref_squeeze %dma_start3A_139 : memref<1x128xi32, #tpu.memory_space<vmem>> -> memref<128xi32, #tpu.memory_space<vmem>>
      %dma_start3A_141 = arith.constant 0 : i32
      %dma_start3A_142 = arith.constant 0 : i32
      %dma_start3A_143 = tpu.memref_slice %arg13[%dma_start3A_141, %dma_start3A_142] : memref<10112x128xf32, #tpu.memory_space<vmem_shared>> -> memref<10112x128xf32, #tpu.memory_space<vmem_shared>>
      tpu.enqueue_indirect_dma source(%arg12 : memref<128x128xf32, #tpu.memory_space<vmem>>) target(%dma_start3A_143 : memref<10112x128xf32, #tpu.memory_space<vmem_shared>>) offsets(%dma_start3A_140 : memref<128xi32, #tpu.memory_space<vmem>>) semaphore(%arg17 : memref<!tpu.dma_semaphore, #tpu.memory_space<semaphore_mem>>) {add = true}
      %dma_start3A_144 = arith.constant 0 : i32
      %dma_start3A_145 = tpu.memref_slice %arg10[%add3A_131, %dma_start3A_144] : memref<40x128xi32, #tpu.memory_space<vmem>> -> memref<1x128xi32, #tpu.memory_space<vmem>>
      %dma_start3A_146 = tpu.memref_squeeze %dma_start3A_145 : memref<1x128xi32, #tpu.memory_space<vmem>> -> memref<128xi32, #tpu.memory_space<vmem>>
      %dma_start3A_147 = arith.constant 0 : i32
      %dma_start3A_148 = arith.constant 0 : i32
      %dma_start3A_149 = tpu.memref_slice %arg13[%dma_start3A_147, %dma_start3A_148] : memref<10112x128xf32, #tpu.memory_space<vmem_shared>> -> memref<10112x128xf32, #tpu.memory_space<vmem_shared>>
      tpu.enqueue_indirect_dma source(%arg12 : memref<128x128xf32, #tpu.memory_space<vmem>>) target(%dma_start3A_149 : memref<10112x128xf32, #tpu.memory_space<vmem_shared>>) offsets(%dma_start3A_146 : memref<128xi32, #tpu.memory_space<vmem>>) semaphore(%arg19 : memref<!tpu.dma_semaphore, #tpu.memory_space<semaphore_mem>>) {add = true}
      %add3A_150 = arith.constant 1 : i32
      %add3A_151 = arith.addi %add3A_131, %add3A_150 : i32
      %ge3A_152 = arith.constant 2 : i32
      %ge3A_153 = arith.cmpi sge, %add3A_151, %ge3A_152 : i32
      %lt3A_154 = arith.constant 40 : i32
      %lt3A_155 = arith.cmpi slt, %add3A_151, %lt3A_154 : i32
      %and3A_156 = arith.andi %ge3A_153, %lt3A_155 : i1
      %convert_element_type3A_157 = arith.extui %and3A_156 : i1 to i32
      %cond3A_158 = arith.constant 0 : i32
      %cond3A_159 = arith.cmpi ne, %convert_element_type3A_157, %cond3A_158 : i32
      scf.if %cond3A_159 {
        %sub3A = arith.constant 2 : i32
        %sub3A_165 = arith.subi %add3A_151, %sub3A : i32
        %dma_wait3A_166 = arith.constant 0 : i32
        %dma_wait3A_167 = tpu.memref_slice %arg9[%sub3A_165, %dma_wait3A_166] : memref<40x128xi32, #tpu.memory_space<vmem>> -> memref<1x128xi32, #tpu.memory_space<vmem>>
        %dma_wait3A_168 = tpu.memref_squeeze %dma_wait3A_167 : memref<1x128xi32, #tpu.memory_space<vmem>> -> memref<128xi32, #tpu.memory_space<vmem>>
        %dma_wait3A_169 = arith.constant 0 : i32
        %dma_wait3A_170 = arith.constant 0 : i32
        %dma_wait3A_171 = tpu.memref_slice %arg13[%dma_wait3A_169, %dma_wait3A_170] : memref<10112x128xf32, #tpu.memory_space<vmem_shared>> -> memref<10112x128xf32, #tpu.memory_space<vmem_shared>>
        tpu.wait_indirect_dma semaphore(%arg16 : memref<!tpu.dma_semaphore, #tpu.memory_space<semaphore_mem>>) src(%arg11 : memref<128x128xf32, #tpu.memory_space<vmem>>) dst(%dma_wait3A_171 : memref<10112x128xf32, #tpu.memory_space<vmem_shared>>)
        %sub3A_172 = arith.constant 2 : i32
        %sub3A_173 = arith.subi %add3A_151, %sub3A_172 : i32
        %dma_wait3A_174 = arith.constant 0 : i32
        %dma_wait3A_175 = tpu.memref_slice %arg10[%sub3A_173, %dma_wait3A_174] : memref<40x128xi32, #tpu.memory_space<vmem>> -> memref<1x128xi32, #tpu.memory_space<vmem>>
        %dma_wait3A_176 = tpu.memref_squeeze %dma_wait3A_175 : memref<1x128xi32, #tpu.memory_space<vmem>> -> memref<128xi32, #tpu.memory_space<vmem>>
        %dma_wait3A_177 = arith.constant 0 : i32
        %dma_wait3A_178 = arith.constant 0 : i32
        %dma_wait3A_179 = tpu.memref_slice %arg13[%dma_wait3A_177, %dma_wait3A_178] : memref<10112x128xf32, #tpu.memory_space<vmem_shared>> -> memref<10112x128xf32, #tpu.memory_space<vmem_shared>>
        tpu.wait_indirect_dma semaphore(%arg18 : memref<!tpu.dma_semaphore, #tpu.memory_space<semaphore_mem>>) src(%arg11 : memref<128x128xf32, #tpu.memory_space<vmem>>) dst(%dma_wait3A_179 : memref<10112x128xf32, #tpu.memory_space<vmem_shared>>)
      } else {
      }
      %lt3A_160 = arith.constant 40 : i32
      %lt3A_161 = arith.cmpi slt, %add3A_151, %lt3A_160 : i32
      %convert_element_type3A_162 = arith.extui %lt3A_161 : i1 to i32
      %cond3A_163 = arith.constant 0 : i32
      %cond3A_164 = arith.cmpi ne, %convert_element_type3A_162, %cond3A_163 : i32
      scf.if %cond3A_164 {
        %dma_start3A_165 = arith.constant 0 : i32
        %dma_start3A_166 = tpu.memref_slice %arg8[%add3A_151, %dma_start3A_165] : memref<40x128xi32, #tpu.memory_space<vmem>> -> memref<1x128xi32, #tpu.memory_space<vmem>>
        %dma_start3A_167 = tpu.memref_squeeze %dma_start3A_166 : memref<1x128xi32, #tpu.memory_space<vmem>> -> memref<128xi32, #tpu.memory_space<vmem>>
        %dma_start3A_168 = arith.constant 0 : i32
        %dma_start3A_169 = arith.constant 0 : i32
        %dma_start3A_170 = tpu.memref_slice %arg2[%dma_start3A_168, %dma_start3A_169] : memref<10112x128xf32, #tpu.memory_space<hbm>> -> memref<10112x128xf32, #tpu.memory_space<hbm>>
        tpu.enqueue_indirect_dma source(%dma_start3A_170 : memref<10112x128xf32, #tpu.memory_space<hbm>>) target(%arg11 : memref<128x128xf32, #tpu.memory_space<vmem>>) offsets(%dma_start3A_167 : memref<128xi32, #tpu.memory_space<vmem>>) semaphore(%arg14 : memref<!tpu.dma_semaphore, #tpu.memory_space<semaphore_mem>>)
      } else {
      }
    }
    %scan3A_19 = arith.constant 20 : i32
    %dma_wait3A = arith.constant 38 : i32
    %dma_wait3A_20 = arith.constant 0 : i32
    %dma_wait3A_21 = tpu.memref_slice %arg9[%dma_wait3A, %dma_wait3A_20] : memref<40x128xi32, #tpu.memory_space<vmem>> -> memref<1x128xi32, #tpu.memory_space<vmem>>
    %dma_wait3A_22 = tpu.memref_squeeze %dma_wait3A_21 : memref<1x128xi32, #tpu.memory_space<vmem>> -> memref<128xi32, #tpu.memory_space<vmem>>
    %dma_wait3A_23 = arith.constant 0 : i32
    %dma_wait3A_24 = arith.constant 0 : i32
    %dma_wait3A_25 = tpu.memref_slice %arg13[%dma_wait3A_23, %dma_wait3A_24] : memref<10112x128xf32, #tpu.memory_space<vmem_shared>> -> memref<10112x128xf32, #tpu.memory_space<vmem_shared>>
    tpu.wait_indirect_dma semaphore(%arg16 : memref<!tpu.dma_semaphore, #tpu.memory_space<semaphore_mem>>) src(%arg11 : memref<128x128xf32, #tpu.memory_space<vmem>>) dst(%dma_wait3A_25 : memref<10112x128xf32, #tpu.memory_space<vmem_shared>>)
    %dma_wait3A_26 = arith.constant 39 : i32
    %dma_wait3A_27 = arith.constant 0 : i32
    %dma_wait3A_28 = tpu.memref_slice %arg9[%dma_wait3A_26, %dma_wait3A_27] : memref<40x128xi32, #tpu.memory_space<vmem>> -> memref<1x128xi32, #tpu.memory_space<vmem>>
    %dma_wait3A_29 = tpu.memref_squeeze %dma_wait3A_28 : memref<1x128xi32, #tpu.memory_space<vmem>> -> memref<128xi32, #tpu.memory_space<vmem>>
    %dma_wait3A_30 = arith.constant 0 : i32
    %dma_wait3A_31 = arith.constant 0 : i32
    %dma_wait3A_32 = tpu.memref_slice %arg13[%dma_wait3A_30, %dma_wait3A_31] : memref<10112x128xf32, #tpu.memory_space<vmem_shared>> -> memref<10112x128xf32, #tpu.memory_space<vmem_shared>>
    tpu.wait_indirect_dma semaphore(%arg17 : memref<!tpu.dma_semaphore, #tpu.memory_space<semaphore_mem>>) src(%arg12 : memref<128x128xf32, #tpu.memory_space<vmem>>) dst(%dma_wait3A_32 : memref<10112x128xf32, #tpu.memory_space<vmem_shared>>)
    %dma_wait3A_33 = arith.constant 38 : i32
    %dma_wait3A_34 = arith.constant 0 : i32
    %dma_wait3A_35 = tpu.memref_slice %arg10[%dma_wait3A_33, %dma_wait3A_34] : memref<40x128xi32, #tpu.memory_space<vmem>> -> memref<1x128xi32, #tpu.memory_space<vmem>>
    %dma_wait3A_36 = tpu.memref_squeeze %dma_wait3A_35 : memref<1x128xi32, #tpu.memory_space<vmem>> -> memref<128xi32, #tpu.memory_space<vmem>>
    %dma_wait3A_37 = arith.constant 0 : i32
    %dma_wait3A_38 = arith.constant 0 : i32
    %dma_wait3A_39 = tpu.memref_slice %arg13[%dma_wait3A_37, %dma_wait3A_38] : memref<10112x128xf32, #tpu.memory_space<vmem_shared>> -> memref<10112x128xf32, #tpu.memory_space<vmem_shared>>
    tpu.wait_indirect_dma semaphore(%arg18 : memref<!tpu.dma_semaphore, #tpu.memory_space<semaphore_mem>>) src(%arg11 : memref<128x128xf32, #tpu.memory_space<vmem>>) dst(%dma_wait3A_39 : memref<10112x128xf32, #tpu.memory_space<vmem_shared>>)
    %dma_wait3A_40 = arith.constant 39 : i32
    %dma_wait3A_41 = arith.constant 0 : i32
    %dma_wait3A_42 = tpu.memref_slice %arg10[%dma_wait3A_40, %dma_wait3A_41] : memref<40x128xi32, #tpu.memory_space<vmem>> -> memref<1x128xi32, #tpu.memory_space<vmem>>
    %dma_wait3A_43 = tpu.memref_squeeze %dma_wait3A_42 : memref<1x128xi32, #tpu.memory_space<vmem>> -> memref<128xi32, #tpu.memory_space<vmem>>
    %dma_wait3A_44 = arith.constant 0 : i32
    %dma_wait3A_45 = arith.constant 0 : i32
    %dma_wait3A_46 = tpu.memref_slice %arg13[%dma_wait3A_44, %dma_wait3A_45] : memref<10112x128xf32, #tpu.memory_space<vmem_shared>> -> memref<10112x128xf32, #tpu.memory_space<vmem_shared>>
    tpu.wait_indirect_dma semaphore(%arg19 : memref<!tpu.dma_semaphore, #tpu.memory_space<semaphore_mem>>) src(%arg12 : memref<128x128xf32, #tpu.memory_space<vmem>>) dst(%dma_wait3A_46 : memref<10112x128xf32, #tpu.memory_space<vmem_shared>>)
    %add3A_47 = arith.constant 40 : i32
    %add3A_48 = arith.addi %mul3A_2, %add3A_47 : i32
    "tpu.region"() ({
      %run_scoped3A = tpu.sem_alloc : memref<!tpu.dma_semaphore, #tpu.memory_space<semaphore_mem>>
      %dma_start3A_95 = arith.constant 0 : i32
      %dma_start3A_96 = tpu.memref_slice %arg3[%add3A_48, %dma_start3A_95] : memref<2560x128xi32, #tpu.memory_space<hbm>> -> memref<40x128xi32, #tpu.memory_space<hbm>>
      %dma_start3A_97 = arith.constant 0 : i32
      %dma_start3A_98 = tpu.memref_slice %arg3[%add3A_48, %dma_start3A_97] : memref<2560x128xi32, #tpu.memory_space<hbm>> -> memref<40x128xi32, #tpu.memory_space<hbm>>
      tpu.enqueue_dma source(%dma_start3A_98 : memref<40x128xi32, #tpu.memory_space<hbm>>) target(%arg8 : memref<40x128xi32, #tpu.memory_space<vmem>>) target_semaphore(%run_scoped3A : memref<!tpu.dma_semaphore, #tpu.memory_space<semaphore_mem>>)
      %dma_wait3A_99 = arith.constant 0 : i32
      %dma_wait3A_100 = tpu.memref_slice %arg3[%add3A_48, %dma_wait3A_99] : memref<2560x128xi32, #tpu.memory_space<hbm>> -> memref<40x128xi32, #tpu.memory_space<hbm>>
      %dma_wait3A_101 = arith.constant 0 : i32
      %dma_wait3A_102 = tpu.memref_slice %arg3[%add3A_48, %dma_wait3A_101] : memref<2560x128xi32, #tpu.memory_space<hbm>> -> memref<40x128xi32, #tpu.memory_space<hbm>>
      tpu.wait_dma2 semaphore(%run_scoped3A : memref<!tpu.dma_semaphore, #tpu.memory_space<semaphore_mem>>) src(%dma_wait3A_102 : memref<40x128xi32, #tpu.memory_space<hbm>>) dst(%arg8 : memref<40x128xi32, #tpu.memory_space<vmem>>)
      tpu.yield
    }) : () -> ()
    "tpu.region"() ({
      %run_scoped3A = tpu.sem_alloc : memref<!tpu.dma_semaphore, #tpu.memory_space<semaphore_mem>>
      %dma_start3A_95 = arith.constant 0 : i32
      %dma_start3A_96 = tpu.memref_slice %arg4[%add3A_48, %dma_start3A_95] : memref<2560x128xi32, #tpu.memory_space<hbm>> -> memref<40x128xi32, #tpu.memory_space<hbm>>
      %dma_start3A_97 = arith.constant 0 : i32
      %dma_start3A_98 = tpu.memref_slice %arg4[%add3A_48, %dma_start3A_97] : memref<2560x128xi32, #tpu.memory_space<hbm>> -> memref<40x128xi32, #tpu.memory_space<hbm>>
      tpu.enqueue_dma source(%dma_start3A_98 : memref<40x128xi32, #tpu.memory_space<hbm>>) target(%arg9 : memref<40x128xi32, #tpu.memory_space<vmem>>) target_semaphore(%run_scoped3A : memref<!tpu.dma_semaphore, #tpu.memory_space<semaphore_mem>>)
      %dma_wait3A_99 = arith.constant 0 : i32
      %dma_wait3A_100 = tpu.memref_slice %arg4[%add3A_48, %dma_wait3A_99] : memref<2560x128xi32, #tpu.memory_space<hbm>> -> memref<40x128xi32, #tpu.memory_space<hbm>>
      %dma_wait3A_101 = arith.constant 0 : i32
      %dma_wait3A_102 = tpu.memref_slice %arg4[%add3A_48, %dma_wait3A_101] : memref<2560x128xi32, #tpu.memory_space<hbm>> -> memref<40x128xi32, #tpu.memory_space<hbm>>
      tpu.wait_dma2 semaphore(%run_scoped3A : memref<!tpu.dma_semaphore, #tpu.memory_space<semaphore_mem>>) src(%dma_wait3A_102 : memref<40x128xi32, #tpu.memory_space<hbm>>) dst(%arg9 : memref<40x128xi32, #tpu.memory_space<vmem>>)
      tpu.yield
    }) : () -> ()
    "tpu.region"() ({
      %run_scoped3A = tpu.sem_alloc : memref<!tpu.dma_semaphore, #tpu.memory_space<semaphore_mem>>
      %dma_start3A_95 = arith.constant 0 : i32
      %dma_start3A_96 = tpu.memref_slice %arg5[%add3A_48, %dma_start3A_95] : memref<2560x128xi32, #tpu.memory_space<hbm>> -> memref<40x128xi32, #tpu.memory_space<hbm>>
      %dma_start3A_97 = arith.constant 0 : i32
      %dma_start3A_98 = tpu.memref_slice %arg5[%add3A_48, %dma_start3A_97] : memref<2560x128xi32, #tpu.memory_space<hbm>> -> memref<40x128xi32, #tpu.memory_space<hbm>>
      tpu.enqueue_dma source(%dma_start3A_98 : memref<40x128xi32, #tpu.memory_space<hbm>>) target(%arg10 : memref<40x128xi32, #tpu.memory_space<vmem>>) target_semaphore(%run_scoped3A : memref<!tpu.dma_semaphore, #tpu.memory_space<semaphore_mem>>)
      %dma_wait3A_99 = arith.constant 0 : i32
      %dma_wait3A_100 = tpu.memref_slice %arg5[%add3A_48, %dma_wait3A_99] : memref<2560x128xi32, #tpu.memory_space<hbm>> -> memref<40x128xi32, #tpu.memory_space<hbm>>
      %dma_wait3A_101 = arith.constant 0 : i32
      %dma_wait3A_102 = tpu.memref_slice %arg5[%add3A_48, %dma_wait3A_101] : memref<2560x128xi32, #tpu.memory_space<hbm>> -> memref<40x128xi32, #tpu.memory_space<hbm>>
      tpu.wait_dma2 semaphore(%run_scoped3A : memref<!tpu.dma_semaphore, #tpu.memory_space<semaphore_mem>>) src(%dma_wait3A_102 : memref<40x128xi32, #tpu.memory_space<hbm>>) dst(%arg10 : memref<40x128xi32, #tpu.memory_space<vmem>>)
      tpu.yield
    }) : () -> ()
    %dma_start3A_49 = arith.constant 0 : i32
    %dma_start3A_50 = arith.constant 0 : i32
    %dma_start3A_51 = tpu.memref_slice %arg8[%dma_start3A_49, %dma_start3A_50] : memref<40x128xi32, #tpu.memory_space<vmem>> -> memref<1x128xi32, #tpu.memory_space<vmem>>
    %dma_start3A_52 = tpu.memref_squeeze %dma_start3A_51 : memref<1x128xi32, #tpu.memory_space<vmem>> -> memref<128xi32, #tpu.memory_space<vmem>>
    %dma_start3A_53 = arith.constant 0 : i32
    %dma_start3A_54 = arith.constant 0 : i32
    %dma_start3A_55 = tpu.memref_slice %arg2[%dma_start3A_53, %dma_start3A_54] : memref<10112x128xf32, #tpu.memory_space<hbm>> -> memref<10112x128xf32, #tpu.memory_space<hbm>>
    tpu.enqueue_indirect_dma source(%dma_start3A_55 : memref<10112x128xf32, #tpu.memory_space<hbm>>) target(%arg11 : memref<128x128xf32, #tpu.memory_space<vmem>>) offsets(%dma_start3A_52 : memref<128xi32, #tpu.memory_space<vmem>>) semaphore(%arg14 : memref<!tpu.dma_semaphore, #tpu.memory_space<semaphore_mem>>)
    %scan3A_56 = arith.constant 0 : i32
    %scan3A_57 = arith.constant 0 : i32
    %scan3A_58 = arith.constant 20 : i32
    %scan3A_59 = arith.addi %scan3A_57, %scan3A_58 : i32
    %scan3A_60 = arith.constant 1 : i32
    scf.for %scan3A_95 = %scan3A_57 to %scan3A_59 step %scan3A_60  : i32 {
      %mul3A_96 = arith.constant 2 : i32
      %mul3A_97 = arith.muli %mul3A_96, %scan3A_95 : i32
      %add3A_98 = arith.constant 0 : i32
      %add3A_99 = arith.addi %mul3A_97, %add3A_98 : i32
      %dma_wait3A_100 = arith.constant 0 : i32
      %dma_wait3A_101 = tpu.memref_slice %arg8[%add3A_99, %dma_wait3A_100] : memref<40x128xi32, #tpu.memory_space<vmem>> -> memref<1x128xi32, #tpu.memory_space<vmem>>
      %dma_wait3A_102 = tpu.memref_squeeze %dma_wait3A_101 : memref<1x128xi32, #tpu.memory_space<vmem>> -> memref<128xi32, #tpu.memory_space<vmem>>
      %dma_wait3A_103 = arith.constant 0 : i32
      %dma_wait3A_104 = arith.constant 0 : i32
      %dma_wait3A_105 = tpu.memref_slice %arg2[%dma_wait3A_103, %dma_wait3A_104] : memref<10112x128xf32, #tpu.memory_space<hbm>> -> memref<10112x128xf32, #tpu.memory_space<hbm>>
      tpu.wait_indirect_dma semaphore(%arg14 : memref<!tpu.dma_semaphore, #tpu.memory_space<semaphore_mem>>) src(%dma_wait3A_105 : memref<10112x128xf32, #tpu.memory_space<hbm>>) dst(%arg11 : memref<128x128xf32, #tpu.memory_space<vmem>>)
      %dma_start3A_106 = arith.constant 0 : i32
      %dma_start3A_107 = tpu.memref_slice %arg9[%add3A_99, %dma_start3A_106] : memref<40x128xi32, #tpu.memory_space<vmem>> -> memref<1x128xi32, #tpu.memory_space<vmem>>
      %dma_start3A_108 = tpu.memref_squeeze %dma_start3A_107 : memref<1x128xi32, #tpu.memory_space<vmem>> -> memref<128xi32, #tpu.memory_space<vmem>>
      %dma_start3A_109 = arith.constant 0 : i32
      %dma_start3A_110 = arith.constant 0 : i32
      %dma_start3A_111 = tpu.memref_slice %arg13[%dma_start3A_109, %dma_start3A_110] : memref<10112x128xf32, #tpu.memory_space<vmem_shared>> -> memref<10112x128xf32, #tpu.memory_space<vmem_shared>>
      tpu.enqueue_indirect_dma source(%arg11 : memref<128x128xf32, #tpu.memory_space<vmem>>) target(%dma_start3A_111 : memref<10112x128xf32, #tpu.memory_space<vmem_shared>>) offsets(%dma_start3A_108 : memref<128xi32, #tpu.memory_space<vmem>>) semaphore(%arg16 : memref<!tpu.dma_semaphore, #tpu.memory_space<semaphore_mem>>) {add = true}
      %dma_start3A_112 = arith.constant 0 : i32
      %dma_start3A_113 = tpu.memref_slice %arg10[%add3A_99, %dma_start3A_112] : memref<40x128xi32, #tpu.memory_space<vmem>> -> memref<1x128xi32, #tpu.memory_space<vmem>>
      %dma_start3A_114 = tpu.memref_squeeze %dma_start3A_113 : memref<1x128xi32, #tpu.memory_space<vmem>> -> memref<128xi32, #tpu.memory_space<vmem>>
      %dma_start3A_115 = arith.constant 0 : i32
      %dma_start3A_116 = arith.constant 0 : i32
      %dma_start3A_117 = tpu.memref_slice %arg13[%dma_start3A_115, %dma_start3A_116] : memref<10112x128xf32, #tpu.memory_space<vmem_shared>> -> memref<10112x128xf32, #tpu.memory_space<vmem_shared>>
      tpu.enqueue_indirect_dma source(%arg11 : memref<128x128xf32, #tpu.memory_space<vmem>>) target(%dma_start3A_117 : memref<10112x128xf32, #tpu.memory_space<vmem_shared>>) offsets(%dma_start3A_114 : memref<128xi32, #tpu.memory_space<vmem>>) semaphore(%arg18 : memref<!tpu.dma_semaphore, #tpu.memory_space<semaphore_mem>>) {add = true}
      %add3A_118 = arith.constant 1 : i32
      %add3A_119 = arith.addi %add3A_99, %add3A_118 : i32
      %ge3A = arith.constant 2 : i32
      %ge3A_120 = arith.cmpi sge, %add3A_119, %ge3A : i32
      %lt3A = arith.constant 40 : i32
      %lt3A_121 = arith.cmpi slt, %add3A_119, %lt3A : i32
      %and3A = arith.andi %ge3A_120, %lt3A_121 : i1
      %convert_element_type3A = arith.extui %and3A : i1 to i32
      %cond3A = arith.constant 0 : i32
      %cond3A_122 = arith.cmpi ne, %convert_element_type3A, %cond3A : i32
      scf.if %cond3A_122 {
        %sub3A = arith.constant 2 : i32
        %sub3A_165 = arith.subi %add3A_119, %sub3A : i32
        %dma_wait3A_166 = arith.constant 0 : i32
        %dma_wait3A_167 = tpu.memref_slice %arg9[%sub3A_165, %dma_wait3A_166] : memref<40x128xi32, #tpu.memory_space<vmem>> -> memref<1x128xi32, #tpu.memory_space<vmem>>
        %dma_wait3A_168 = tpu.memref_squeeze %dma_wait3A_167 : memref<1x128xi32, #tpu.memory_space<vmem>> -> memref<128xi32, #tpu.memory_space<vmem>>
        %dma_wait3A_169 = arith.constant 0 : i32
        %dma_wait3A_170 = arith.constant 0 : i32
        %dma_wait3A_171 = tpu.memref_slice %arg13[%dma_wait3A_169, %dma_wait3A_170] : memref<10112x128xf32, #tpu.memory_space<vmem_shared>> -> memref<10112x128xf32, #tpu.memory_space<vmem_shared>>
        tpu.wait_indirect_dma semaphore(%arg17 : memref<!tpu.dma_semaphore, #tpu.memory_space<semaphore_mem>>) src(%arg12 : memref<128x128xf32, #tpu.memory_space<vmem>>) dst(%dma_wait3A_171 : memref<10112x128xf32, #tpu.memory_space<vmem_shared>>)
        %sub3A_172 = arith.constant 2 : i32
        %sub3A_173 = arith.subi %add3A_119, %sub3A_172 : i32
        %dma_wait3A_174 = arith.constant 0 : i32
        %dma_wait3A_175 = tpu.memref_slice %arg10[%sub3A_173, %dma_wait3A_174] : memref<40x128xi32, #tpu.memory_space<vmem>> -> memref<1x128xi32, #tpu.memory_space<vmem>>
        %dma_wait3A_176 = tpu.memref_squeeze %dma_wait3A_175 : memref<1x128xi32, #tpu.memory_space<vmem>> -> memref<128xi32, #tpu.memory_space<vmem>>
        %dma_wait3A_177 = arith.constant 0 : i32
        %dma_wait3A_178 = arith.constant 0 : i32
        %dma_wait3A_179 = tpu.memref_slice %arg13[%dma_wait3A_177, %dma_wait3A_178] : memref<10112x128xf32, #tpu.memory_space<vmem_shared>> -> memref<10112x128xf32, #tpu.memory_space<vmem_shared>>
        tpu.wait_indirect_dma semaphore(%arg19 : memref<!tpu.dma_semaphore, #tpu.memory_space<semaphore_mem>>) src(%arg12 : memref<128x128xf32, #tpu.memory_space<vmem>>) dst(%dma_wait3A_179 : memref<10112x128xf32, #tpu.memory_space<vmem_shared>>)
      } else {
      }
      %lt3A_123 = arith.constant 40 : i32
      %lt3A_124 = arith.cmpi slt, %add3A_119, %lt3A_123 : i32
      %convert_element_type3A_125 = arith.extui %lt3A_124 : i1 to i32
      %cond3A_126 = arith.constant 0 : i32
      %cond3A_127 = arith.cmpi ne, %convert_element_type3A_125, %cond3A_126 : i32
      scf.if %cond3A_127 {
        %dma_start3A_165 = arith.constant 0 : i32
        %dma_start3A_166 = tpu.memref_slice %arg8[%add3A_119, %dma_start3A_165] : memref<40x128xi32, #tpu.memory_space<vmem>> -> memref<1x128xi32, #tpu.memory_space<vmem>>
        %dma_start3A_167 = tpu.memref_squeeze %dma_start3A_166 : memref<1x128xi32, #tpu.memory_space<vmem>> -> memref<128xi32, #tpu.memory_space<vmem>>
        %dma_start3A_168 = arith.constant 0 : i32
        %dma_start3A_169 = arith.constant 0 : i32
        %dma_start3A_170 = tpu.memref_slice %arg2[%dma_start3A_168, %dma_start3A_169] : memref<10112x128xf32, #tpu.memory_space<hbm>> -> memref<10112x128xf32, #tpu.memory_space<hbm>>
        tpu.enqueue_indirect_dma source(%dma_start3A_170 : memref<10112x128xf32, #tpu.memory_space<hbm>>) target(%arg12 : memref<128x128xf32, #tpu.memory_space<vmem>>) offsets(%dma_start3A_167 : memref<128xi32, #tpu.memory_space<vmem>>) semaphore(%arg15 : memref<!tpu.dma_semaphore, #tpu.memory_space<semaphore_mem>>)
      } else {
      }
      %mul3A_128 = arith.constant 2 : i32
      %mul3A_129 = arith.muli %mul3A_128, %scan3A_95 : i32
      %add3A_130 = arith.constant 1 : i32
      %add3A_131 = arith.addi %mul3A_129, %add3A_130 : i32
      %dma_wait3A_132 = arith.constant 0 : i32
      %dma_wait3A_133 = tpu.memref_slice %arg8[%add3A_131, %dma_wait3A_132] : memref<40x128xi32, #tpu.memory_space<vmem>> -> memref<1x128xi32, #tpu.memory_space<vmem>>
      %dma_wait3A_134 = tpu.memref_squeeze %dma_wait3A_133 : memref<1x128xi32, #tpu.memory_space<vmem>> -> memref<128xi32, #tpu.memory_space<vmem>>
      %dma_wait3A_135 = arith.constant 0 : i32
      %dma_wait3A_136 = arith.constant 0 : i32
      %dma_wait3A_137 = tpu.memref_slice %arg2[%dma_wait3A_135, %dma_wait3A_136] : memref<10112x128xf32, #tpu.memory_space<hbm>> -> memref<10112x128xf32, #tpu.memory_space<hbm>>
      tpu.wait_indirect_dma semaphore(%arg15 : memref<!tpu.dma_semaphore, #tpu.memory_space<semaphore_mem>>) src(%dma_wait3A_137 : memref<10112x128xf32, #tpu.memory_space<hbm>>) dst(%arg12 : memref<128x128xf32, #tpu.memory_space<vmem>>)
      %dma_start3A_138 = arith.constant 0 : i32
      %dma_start3A_139 = tpu.memref_slice %arg9[%add3A_131, %dma_start3A_138] : memref<40x128xi32, #tpu.memory_space<vmem>> -> memref<1x128xi32, #tpu.memory_space<vmem>>
      %dma_start3A_140 = tpu.memref_squeeze %dma_start3A_139 : memref<1x128xi32, #tpu.memory_space<vmem>> -> memref<128xi32, #tpu.memory_space<vmem>>
      %dma_start3A_141 = arith.constant 0 : i32
      %dma_start3A_142 = arith.constant 0 : i32
      %dma_start3A_143 = tpu.memref_slice %arg13[%dma_start3A_141, %dma_start3A_142] : memref<10112x128xf32, #tpu.memory_space<vmem_shared>> -> memref<10112x128xf32, #tpu.memory_space<vmem_shared>>
      tpu.enqueue_indirect_dma source(%arg12 : memref<128x128xf32, #tpu.memory_space<vmem>>) target(%dma_start3A_143 : memref<10112x128xf32, #tpu.memory_space<vmem_shared>>) offsets(%dma_start3A_140 : memref<128xi32, #tpu.memory_space<vmem>>) semaphore(%arg17 : memref<!tpu.dma_semaphore, #tpu.memory_space<semaphore_mem>>) {add = true}
      %dma_start3A_144 = arith.constant 0 : i32
      %dma_start3A_145 = tpu.memref_slice %arg10[%add3A_131, %dma_start3A_144] : memref<40x128xi32, #tpu.memory_space<vmem>> -> memref<1x128xi32, #tpu.memory_space<vmem>>
      %dma_start3A_146 = tpu.memref_squeeze %dma_start3A_145 : memref<1x128xi32, #tpu.memory_space<vmem>> -> memref<128xi32, #tpu.memory_space<vmem>>
      %dma_start3A_147 = arith.constant 0 : i32
      %dma_start3A_148 = arith.constant 0 : i32
      %dma_start3A_149 = tpu.memref_slice %arg13[%dma_start3A_147, %dma_start3A_148] : memref<10112x128xf32, #tpu.memory_space<vmem_shared>> -> memref<10112x128xf32, #tpu.memory_space<vmem_shared>>
      tpu.enqueue_indirect_dma source(%arg12 : memref<128x128xf32, #tpu.memory_space<vmem>>) target(%dma_start3A_149 : memref<10112x128xf32, #tpu.memory_space<vmem_shared>>) offsets(%dma_start3A_146 : memref<128xi32, #tpu.memory_space<vmem>>) semaphore(%arg19 : memref<!tpu.dma_semaphore, #tpu.memory_space<semaphore_mem>>) {add = true}
      %add3A_150 = arith.constant 1 : i32
      %add3A_151 = arith.addi %add3A_131, %add3A_150 : i32
      %ge3A_152 = arith.constant 2 : i32
      %ge3A_153 = arith.cmpi sge, %add3A_151, %ge3A_152 : i32
      %lt3A_154 = arith.constant 40 : i32
      %lt3A_155 = arith.cmpi slt, %add3A_151, %lt3A_154 : i32
      %and3A_156 = arith.andi %ge3A_153, %lt3A_155 : i1
      %convert_element_type3A_157 = arith.extui %and3A_156 : i1 to i32
      %cond3A_158 = arith.constant 0 : i32
      %cond3A_159 = arith.cmpi ne, %convert_element_type3A_157, %cond3A_158 : i32
      scf.if %cond3A_159 {
        %sub3A = arith.constant 2 : i32
        %sub3A_165 = arith.subi %add3A_151, %sub3A : i32
        %dma_wait3A_166 = arith.constant 0 : i32
        %dma_wait3A_167 = tpu.memref_slice %arg9[%sub3A_165, %dma_wait3A_166] : memref<40x128xi32, #tpu.memory_space<vmem>> -> memref<1x128xi32, #tpu.memory_space<vmem>>
        %dma_wait3A_168 = tpu.memref_squeeze %dma_wait3A_167 : memref<1x128xi32, #tpu.memory_space<vmem>> -> memref<128xi32, #tpu.memory_space<vmem>>
        %dma_wait3A_169 = arith.constant 0 : i32
        %dma_wait3A_170 = arith.constant 0 : i32
        %dma_wait3A_171 = tpu.memref_slice %arg13[%dma_wait3A_169, %dma_wait3A_170] : memref<10112x128xf32, #tpu.memory_space<vmem_shared>> -> memref<10112x128xf32, #tpu.memory_space<vmem_shared>>
        tpu.wait_indirect_dma semaphore(%arg16 : memref<!tpu.dma_semaphore, #tpu.memory_space<semaphore_mem>>) src(%arg11 : memref<128x128xf32, #tpu.memory_space<vmem>>) dst(%dma_wait3A_171 : memref<10112x128xf32, #tpu.memory_space<vmem_shared>>)
        %sub3A_172 = arith.constant 2 : i32
        %sub3A_173 = arith.subi %add3A_151, %sub3A_172 : i32
        %dma_wait3A_174 = arith.constant 0 : i32
        %dma_wait3A_175 = tpu.memref_slice %arg10[%sub3A_173, %dma_wait3A_174] : memref<40x128xi32, #tpu.memory_space<vmem>> -> memref<1x128xi32, #tpu.memory_space<vmem>>
        %dma_wait3A_176 = tpu.memref_squeeze %dma_wait3A_175 : memref<1x128xi32, #tpu.memory_space<vmem>> -> memref<128xi32, #tpu.memory_space<vmem>>
        %dma_wait3A_177 = arith.constant 0 : i32
        %dma_wait3A_178 = arith.constant 0 : i32
        %dma_wait3A_179 = tpu.memref_slice %arg13[%dma_wait3A_177, %dma_wait3A_178] : memref<10112x128xf32, #tpu.memory_space<vmem_shared>> -> memref<10112x128xf32, #tpu.memory_space<vmem_shared>>
        tpu.wait_indirect_dma semaphore(%arg18 : memref<!tpu.dma_semaphore, #tpu.memory_space<semaphore_mem>>) src(%arg11 : memref<128x128xf32, #tpu.memory_space<vmem>>) dst(%dma_wait3A_179 : memref<10112x128xf32, #tpu.memory_space<vmem_shared>>)
      } else {
      }
      %lt3A_160 = arith.constant 40 : i32
      %lt3A_161 = arith.cmpi slt, %add3A_151, %lt3A_160 : i32
      %convert_element_type3A_162 = arith.extui %lt3A_161 : i1 to i32
      %cond3A_163 = arith.constant 0 : i32
      %cond3A_164 = arith.cmpi ne, %convert_element_type3A_162, %cond3A_163 : i32
      scf.if %cond3A_164 {
        %dma_start3A_165 = arith.constant 0 : i32
        %dma_start3A_166 = tpu.memref_slice %arg8[%add3A_151, %dma_start3A_165] : memref<40x128xi32, #tpu.memory_space<vmem>> -> memref<1x128xi32, #tpu.memory_space<vmem>>
        %dma_start3A_167 = tpu.memref_squeeze %dma_start3A_166 : memref<1x128xi32, #tpu.memory_space<vmem>> -> memref<128xi32, #tpu.memory_space<vmem>>
        %dma_start3A_168 = arith.constant 0 : i32
        %dma_start3A_169 = arith.constant 0 : i32
        %dma_start3A_170 = tpu.memref_slice %arg2[%dma_start3A_168, %dma_start3A_169] : memref<10112x128xf32, #tpu.memory_space<hbm>> -> memref<10112x128xf32, #tpu.memory_space<hbm>>
        tpu.enqueue_indirect_dma source(%dma_start3A_170 : memref<10112x128xf32, #tpu.memory_space<hbm>>) target(%arg11 : memref<128x128xf32, #tpu.memory_space<vmem>>) offsets(%dma_start3A_167 : memref<128xi32, #tpu.memory_space<vmem>>) semaphore(%arg14 : memref<!tpu.dma_semaphore, #tpu.memory_space<semaphore_mem>>)
      } else {
      }
    }
    %scan3A_61 = arith.constant 20 : i32
    %dma_wait3A_62 = arith.constant 38 : i32
    %dma_wait3A_63 = arith.constant 0 : i32
    %dma_wait3A_64 = tpu.memref_slice %arg9[%dma_wait3A_62, %dma_wait3A_63] : memref<40x128xi32, #tpu.memory_space<vmem>> -> memref<1x128xi32, #tpu.memory_space<vmem>>
    %dma_wait3A_65 = tpu.memref_squeeze %dma_wait3A_64 : memref<1x128xi32, #tpu.memory_space<vmem>> -> memref<128xi32, #tpu.memory_space<vmem>>
    %dma_wait3A_66 = arith.constant 0 : i32
    %dma_wait3A_67 = arith.constant 0 : i32
    %dma_wait3A_68 = tpu.memref_slice %arg13[%dma_wait3A_66, %dma_wait3A_67] : memref<10112x128xf32, #tpu.memory_space<vmem_shared>> -> memref<10112x128xf32, #tpu.memory_space<vmem_shared>>
    tpu.wait_indirect_dma semaphore(%arg16 : memref<!tpu.dma_semaphore, #tpu.memory_space<semaphore_mem>>) src(%arg11 : memref<128x128xf32, #tpu.memory_space<vmem>>) dst(%dma_wait3A_68 : memref<10112x128xf32, #tpu.memory_space<vmem_shared>>)
    %dma_wait3A_69 = arith.constant 39 : i32
    %dma_wait3A_70 = arith.constant 0 : i32
    %dma_wait3A_71 = tpu.memref_slice %arg9[%dma_wait3A_69, %dma_wait3A_70] : memref<40x128xi32, #tpu.memory_space<vmem>> -> memref<1x128xi32, #tpu.memory_space<vmem>>
    %dma_wait3A_72 = tpu.memref_squeeze %dma_wait3A_71 : memref<1x128xi32, #tpu.memory_space<vmem>> -> memref<128xi32, #tpu.memory_space<vmem>>
    %dma_wait3A_73 = arith.constant 0 : i32
    %dma_wait3A_74 = arith.constant 0 : i32
    %dma_wait3A_75 = tpu.memref_slice %arg13[%dma_wait3A_73, %dma_wait3A_74] : memref<10112x128xf32, #tpu.memory_space<vmem_shared>> -> memref<10112x128xf32, #tpu.memory_space<vmem_shared>>
    tpu.wait_indirect_dma semaphore(%arg17 : memref<!tpu.dma_semaphore, #tpu.memory_space<semaphore_mem>>) src(%arg12 : memref<128x128xf32, #tpu.memory_space<vmem>>) dst(%dma_wait3A_75 : memref<10112x128xf32, #tpu.memory_space<vmem_shared>>)
    %dma_wait3A_76 = arith.constant 38 : i32
    %dma_wait3A_77 = arith.constant 0 : i32
    %dma_wait3A_78 = tpu.memref_slice %arg10[%dma_wait3A_76, %dma_wait3A_77] : memref<40x128xi32, #tpu.memory_space<vmem>> -> memref<1x128xi32, #tpu.memory_space<vmem>>
    %dma_wait3A_79 = tpu.memref_squeeze %dma_wait3A_78 : memref<1x128xi32, #tpu.memory_space<vmem>> -> memref<128xi32, #tpu.memory_space<vmem>>
    %dma_wait3A_80 = arith.constant 0 : i32
    %dma_wait3A_81 = arith.constant 0 : i32
    %dma_wait3A_82 = tpu.memref_slice %arg13[%dma_wait3A_80, %dma_wait3A_81] : memref<10112x128xf32, #tpu.memory_space<vmem_shared>> -> memref<10112x128xf32, #tpu.memory_space<vmem_shared>>
    tpu.wait_indirect_dma semaphore(%arg18 : memref<!tpu.dma_semaphore, #tpu.memory_space<semaphore_mem>>) src(%arg11 : memref<128x128xf32, #tpu.memory_space<vmem>>) dst(%dma_wait3A_82 : memref<10112x128xf32, #tpu.memory_space<vmem_shared>>)
    %dma_wait3A_83 = arith.constant 39 : i32
    %dma_wait3A_84 = arith.constant 0 : i32
    %dma_wait3A_85 = tpu.memref_slice %arg10[%dma_wait3A_83, %dma_wait3A_84] : memref<40x128xi32, #tpu.memory_space<vmem>> -> memref<1x128xi32, #tpu.memory_space<vmem>>
    %dma_wait3A_86 = tpu.memref_squeeze %dma_wait3A_85 : memref<1x128xi32, #tpu.memory_space<vmem>> -> memref<128xi32, #tpu.memory_space<vmem>>
    %dma_wait3A_87 = arith.constant 0 : i32
    %dma_wait3A_88 = arith.constant 0 : i32
    %dma_wait3A_89 = tpu.memref_slice %arg13[%dma_wait3A_87, %dma_wait3A_88] : memref<10112x128xf32, #tpu.memory_space<vmem_shared>> -> memref<10112x128xf32, #tpu.memory_space<vmem_shared>>
    tpu.wait_indirect_dma semaphore(%arg19 : memref<!tpu.dma_semaphore, #tpu.memory_space<semaphore_mem>>) src(%arg12 : memref<128x128xf32, #tpu.memory_space<vmem>>) dst(%dma_wait3A_89 : memref<10112x128xf32, #tpu.memory_space<vmem_shared>>)
    %barrier3A_90 = arith.constant 0 : index
    tpu.barrier barrier_id(%barrier3A_90)
    %mul3A_91 = arith.constant 632 : i32
    %mul3A_92 = arith.muli %arg1, %mul3A_91 : i32
    %mul3A_93 = arith.constant 632 : i32
    %mul3A_94 = arith.muli %arg1, %mul3A_93 : i32
    "tpu.region"() ({
      %run_scoped3A = tpu.sem_alloc : memref<!tpu.dma_semaphore, #tpu.memory_space<semaphore_mem>>
      %dma_start3A_95 = arith.constant 0 : i32
      %dma_start3A_96 = tpu.memref_slice %arg7[%arg0, %mul3A_94, %dma_start3A_95] : memref<2x10112x128xf32, #tpu.memory_space<hbm>> -> memref<1x632x128xf32, #tpu.memory_space<hbm>>
      %dma_start3A_97 = tpu.memref_squeeze %dma_start3A_96 : memref<1x632x128xf32, #tpu.memory_space<hbm>> -> memref<632x128xf32, #tpu.memory_space<hbm>>
      %dma_start3A_98 = arith.constant 0 : i32
      %dma_start3A_99 = tpu.memref_slice %arg13[%mul3A_92, %dma_start3A_98] : memref<10112x128xf32, #tpu.memory_space<vmem_shared>> -> memref<632x128xf32, #tpu.memory_space<vmem_shared>>
      tpu.enqueue_dma source(%dma_start3A_99 : memref<632x128xf32, #tpu.memory_space<vmem_shared>>) target(%dma_start3A_97 : memref<632x128xf32, #tpu.memory_space<hbm>>) target_semaphore(%run_scoped3A : memref<!tpu.dma_semaphore, #tpu.memory_space<semaphore_mem>>)
      %dma_wait3A_100 = arith.constant 0 : i32
      %dma_wait3A_101 = tpu.memref_slice %arg7[%arg0, %mul3A_94, %dma_wait3A_100] : memref<2x10112x128xf32, #tpu.memory_space<hbm>> -> memref<1x632x128xf32, #tpu.memory_space<hbm>>
      %dma_wait3A_102 = tpu.memref_squeeze %dma_wait3A_101 : memref<1x632x128xf32, #tpu.memory_space<hbm>> -> memref<632x128xf32, #tpu.memory_space<hbm>>
      %dma_wait3A_103 = arith.constant 0 : i32
      %dma_wait3A_104 = tpu.memref_slice %arg13[%mul3A_92, %dma_wait3A_103] : memref<10112x128xf32, #tpu.memory_space<vmem_shared>> -> memref<632x128xf32, #tpu.memory_space<vmem_shared>>
      tpu.wait_dma2 semaphore(%run_scoped3A : memref<!tpu.dma_semaphore, #tpu.memory_space<semaphore_mem>>) src(%dma_wait3A_104 : memref<632x128xf32, #tpu.memory_space<vmem_shared>>) dst(%dma_wait3A_102 : memref<632x128xf32, #tpu.memory_space<hbm>>)
      tpu.yield
    }) : () -> ()
    return
  }
}

module attributes {stable_mosaic.version = 14 : i64} {
  func.func @_tc_inproj_body(%arg0: memref<5000x128xf32, #tpu.memory_space<vmem>>, %arg1: memref<5000x128xf32, #tpu.memory_space<vmem>>, %arg2: memref<128x128xf32, #tpu.memory_space<vmem>>, %arg3: memref<128x128xf32, #tpu.memory_space<vmem>>, %arg4: memref<128xf32, #tpu.memory_space<vmem>>, %arg5: memref<128xf32, #tpu.memory_space<vmem>>, %arg6: memref<2x10112x128xf32, #tpu.memory_space<vmem>>, %arg7: memref<10112x128xf32, #tpu.memory_space<vmem>>) attributes {dimension_semantics = [], scalar_prefetch = 0 : i64, scratch_operands = 0 : i64, tpu.core_type = #tpu.core_type<tc>} {
    %get3A = arith.constant 0 : index
    %get3A_0 = arith.constant 0 : index
    %get3A_1 = arith.constant 0 : index
    %get3A_2 = vector.load %arg6[%get3A, %get3A_0, %get3A_1] : memref<2x10112x128xf32, #tpu.memory_space<vmem>>, vector<2x10112x128xf32>
    %slice3A = vector.extract_strided_slice %get3A_2 {offsets = [0, 0, 0], sizes = [1, 10112, 1], strides = [1, 1, 1]} : vector<2x10112x128xf32> to vector<1x10112x1xf32>
    %squeeze3A = vector.shape_cast %slice3A : vector<1x10112x1xf32> to vector<10112x1xf32>
    %slice3A_3 = vector.extract_strided_slice %get3A_2 {offsets = [1, 0, 0], sizes = [1, 10112, 1], strides = [1, 1, 1]} : vector<2x10112x128xf32> to vector<1x10112x1xf32>
    %squeeze3A_4 = vector.shape_cast %slice3A_3 : vector<1x10112x1xf32> to vector<10112x1xf32>
    %add3A = arith.addf %squeeze3A, %squeeze3A_4 : vector<10112x1xf32>
    %max3A = arith.constant 1.000000e+00 : f32
    %max3A_5 = vector.broadcast %max3A : f32 to vector<10112x1xf32>
    %max3A_6 = arith.maximumf %add3A, %max3A_5 : vector<10112x1xf32>
    %rsqrt3A = math.rsqrt %max3A_6 : vector<10112x1xf32>
    %get3A_7 = arith.constant 0 : index
    %get3A_8 = arith.constant 0 : index
    %get3A_9 = vector.load %arg0[%get3A_7, %get3A_8] : memref<5000x128xf32, #tpu.memory_space<vmem>>, vector<5000x128xf32>
    %get3A_10 = arith.constant 0 : index
    %get3A_11 = arith.constant 0 : index
    %get3A_12 = vector.load %arg2[%get3A_10, %get3A_11] : memref<128x128xf32, #tpu.memory_space<vmem>>, vector<128x128xf32>
    %dot_general3A = arith.constant dense<0.000000e+00> : vector<5000x128xf32>
    %dot_general3A_13 = tpu.matmul %get3A_9, %get3A_12, %dot_general3A {dimension_numbers = #tpu.dot_dimension_numbers<[1], [0], [0], [1], [0, 0, 1, 1], [], []>, transpose_lhs_hint = false} : vector<5000x128xf32>, vector<128x128xf32>, vector<5000x128xf32> -> vector<5000x128xf32>
    %get3A_14 = arith.constant 0 : index
    %get3A_15 = vector.load %arg4[%get3A_14] : memref<128xf32, #tpu.memory_space<vmem>>, vector<128xf32>
    %broadcast_in_dim3A = vector.shape_cast %get3A_15 : vector<128xf32> to vector<1x128xf32>
    %add3A_16 = vector.broadcast %broadcast_in_dim3A : vector<1x128xf32> to vector<5000x128xf32>
    %add3A_17 = arith.addf %dot_general3A_13, %add3A_16 : vector<5000x128xf32>
    %get3A_18 = arith.constant 0 : index
    %get3A_19 = arith.constant 0 : index
    %get3A_20 = vector.load %arg1[%get3A_18, %get3A_19] : memref<5000x128xf32, #tpu.memory_space<vmem>>, vector<5000x128xf32>
    %get3A_21 = arith.constant 0 : index
    %get3A_22 = arith.constant 0 : index
    %get3A_23 = vector.load %arg3[%get3A_21, %get3A_22] : memref<128x128xf32, #tpu.memory_space<vmem>>, vector<128x128xf32>
    %dot_general3A_24 = arith.constant dense<0.000000e+00> : vector<5000x128xf32>
    %dot_general3A_25 = tpu.matmul %get3A_20, %get3A_23, %dot_general3A_24 {dimension_numbers = #tpu.dot_dimension_numbers<[1], [0], [0], [1], [0, 0, 1, 1], [], []>, transpose_lhs_hint = false} : vector<5000x128xf32>, vector<128x128xf32>, vector<5000x128xf32> -> vector<5000x128xf32>
    %get3A_26 = arith.constant 0 : index
    %get3A_27 = vector.load %arg5[%get3A_26] : memref<128xf32, #tpu.memory_space<vmem>>, vector<128xf32>
    %broadcast_in_dim3A_28 = vector.shape_cast %get3A_27 : vector<128xf32> to vector<1x128xf32>
    %add3A_29 = vector.broadcast %broadcast_in_dim3A_28 : vector<1x128xf32> to vector<5000x128xf32>
    %add3A_30 = arith.addf %dot_general3A_25, %add3A_29 : vector<5000x128xf32>
    %slice3A_31 = vector.extract_strided_slice %rsqrt3A {offsets = [0, 0], sizes = [5000, 1], strides = [1, 1]} : vector<10112x1xf32> to vector<5000x1xf32>
    %mul3A = vector.broadcast %slice3A_31 : vector<5000x1xf32> to vector<5000x128xf32>
    %mul3A_32 = arith.mulf %add3A_17, %mul3A : vector<5000x128xf32>
    %swap3A = arith.constant 0 : index
    %swap3A_33 = arith.constant 0 : index
    %swap3A_34 = vector.load %arg7[%swap3A, %swap3A_33] : memref<10112x128xf32, #tpu.memory_space<vmem>>, vector<5000x128xf32>
    tpu.vector_store %arg7[%swap3A, %swap3A_33], %mul3A_32 {strides = array<i32>} : memref<10112x128xf32, #tpu.memory_space<vmem>>, vector<5000x128xf32>,
    %slice3A_35 = vector.extract_strided_slice %rsqrt3A {offsets = [5000, 0], sizes = [5000, 1], strides = [1, 1]} : vector<10112x1xf32> to vector<5000x1xf32>
    %mul3A_36 = vector.broadcast %slice3A_35 : vector<5000x1xf32> to vector<5000x128xf32>
    %mul3A_37 = arith.mulf %add3A_30, %mul3A_36 : vector<5000x128xf32>
    %swap3A_38 = arith.constant 5000 : index
    %swap3A_39 = arith.constant 0 : index
    %swap3A_40 = vector.load %arg7[%swap3A_38, %swap3A_39] : memref<10112x128xf32, #tpu.memory_space<vmem>>, vector<5000x128xf32>
    tpu.vector_store %arg7[%swap3A_38, %swap3A_39], %mul3A_37 {strides = array<i32>} : memref<10112x128xf32, #tpu.memory_space<vmem>>, vector<5000x128xf32>,
    %broadcast_in_dim3A_41 = arith.constant 0.000000e+00 : f32
    %broadcast_in_dim3A_42 = vector.broadcast %broadcast_in_dim3A_41 : f32 to vector<112x128xf32>
    %swap3A_43 = arith.constant 10000 : index
    %swap3A_44 = arith.constant 0 : index
    %swap3A_45 = vector.load %arg7[%swap3A_43, %swap3A_44] : memref<10112x128xf32, #tpu.memory_space<vmem>>, vector<112x128xf32>
    tpu.vector_store %arg7[%swap3A_43, %swap3A_44], %broadcast_in_dim3A_42 {strides = array<i32>} : memref<10112x128xf32, #tpu.memory_space<vmem>>, vector<112x128xf32>,
    return
  }
}

module attributes {stable_mosaic.version = 14 : i64} {
  func.func @_tc_mid_body(%arg0: memref<2x10112x128xf32, #tpu.memory_space<vmem>>, %arg1: memref<2x10112x128xf32, #tpu.memory_space<vmem>>, %arg2: memref<2x10112x128xf32, #tpu.memory_space<vmem>>, %arg3: memref<128xf32, #tpu.memory_space<vmem>>, %arg4: memref<128x128xf32, #tpu.memory_space<vmem>>, %arg5: memref<10112x128xf32, #tpu.memory_space<vmem>>) attributes {dimension_semantics = [], scalar_prefetch = 0 : i64, scratch_operands = 0 : i64, tpu.core_type = #tpu.core_type<tc>} {
    %get3A = arith.constant 0 : index
    %get3A_0 = arith.constant 0 : index
    %get3A_1 = arith.constant 0 : index
    %get3A_2 = vector.load %arg1[%get3A, %get3A_0, %get3A_1] : memref<2x10112x128xf32, #tpu.memory_space<vmem>>, vector<2x10112x128xf32>
    %slice3A = vector.extract_strided_slice %get3A_2 {offsets = [0, 0, 0], sizes = [1, 10112, 1], strides = [1, 1, 1]} : vector<2x10112x128xf32> to vector<1x10112x1xf32>
    %squeeze3A = vector.shape_cast %slice3A : vector<1x10112x1xf32> to vector<10112x1xf32>
    %slice3A_3 = vector.extract_strided_slice %get3A_2 {offsets = [1, 0, 0], sizes = [1, 10112, 1], strides = [1, 1, 1]} : vector<2x10112x128xf32> to vector<1x10112x1xf32>
    %squeeze3A_4 = vector.shape_cast %slice3A_3 : vector<1x10112x1xf32> to vector<10112x1xf32>
    %add3A = arith.addf %squeeze3A, %squeeze3A_4 : vector<10112x1xf32>
    %max3A = arith.constant 1.000000e+00 : f32
    %max3A_5 = vector.broadcast %max3A : f32 to vector<10112x1xf32>
    %max3A_6 = arith.maximumf %add3A, %max3A_5 : vector<10112x1xf32>
    %rsqrt3A = math.rsqrt %max3A_6 : vector<10112x1xf32>
    %get3A_7 = arith.constant 0 : index
    %get3A_8 = arith.constant 0 : index
    %get3A_9 = arith.constant 0 : index
    %get3A_10 = vector.load %arg2[%get3A_7, %get3A_8, %get3A_9] : memref<2x10112x128xf32, #tpu.memory_space<vmem>>, vector<2x10112x128xf32>
    %slice3A_11 = vector.extract_strided_slice %get3A_10 {offsets = [0, 0, 0], sizes = [1, 10112, 1], strides = [1, 1, 1]} : vector<2x10112x128xf32> to vector<1x10112x1xf32>
    %squeeze3A_12 = vector.shape_cast %slice3A_11 : vector<1x10112x1xf32> to vector<10112x1xf32>
    %slice3A_13 = vector.extract_strided_slice %get3A_10 {offsets = [1, 0, 0], sizes = [1, 10112, 1], strides = [1, 1, 1]} : vector<2x10112x128xf32> to vector<1x10112x1xf32>
    %squeeze3A_14 = vector.shape_cast %slice3A_13 : vector<1x10112x1xf32> to vector<10112x1xf32>
    %add3A_15 = arith.addf %squeeze3A_12, %squeeze3A_14 : vector<10112x1xf32>
    %max3A_16 = arith.constant 1.000000e+00 : f32
    %max3A_17 = vector.broadcast %max3A_16 : f32 to vector<10112x1xf32>
    %max3A_18 = arith.maximumf %add3A_15, %max3A_17 : vector<10112x1xf32>
    %rsqrt3A_19 = math.rsqrt %max3A_18 : vector<10112x1xf32>
    %get3A_20 = arith.constant 0 : index
    %get3A_21 = arith.constant 0 : index
    %get3A_22 = arith.constant 0 : index
    %get3A_23 = vector.load %arg0[%get3A_20, %get3A_21, %get3A_22] : memref<2x10112x128xf32, #tpu.memory_space<vmem>>, vector<1x10112x128xf32>
    %get3A_24 = vector.shape_cast %get3A_23 : vector<1x10112x128xf32> to vector<10112x128xf32>
    %get3A_25 = arith.constant 1 : index
    %get3A_26 = arith.constant 0 : index
    %get3A_27 = arith.constant 0 : index
    %get3A_28 = vector.load %arg0[%get3A_25, %get3A_26, %get3A_27] : memref<2x10112x128xf32, #tpu.memory_space<vmem>>, vector<1x10112x128xf32>
    %get3A_29 = vector.shape_cast %get3A_28 : vector<1x10112x128xf32> to vector<10112x128xf32>
    %add3A_30 = arith.addf %get3A_24, %get3A_29 : vector<10112x128xf32>
    %slice3A_31 = vector.extract_strided_slice %add3A_30 {offsets = [0, 0], sizes = [10000, 128], strides = [1, 1]} : vector<10112x128xf32> to vector<10000x128xf32>
    %slice3A_32 = vector.extract_strided_slice %rsqrt3A_19 {offsets = [0, 0], sizes = [10000, 1], strides = [1, 1]} : vector<10112x1xf32> to vector<10000x1xf32>
    %mul3A = vector.broadcast %slice3A_32 : vector<10000x1xf32> to vector<10000x128xf32>
    %mul3A_33 = arith.mulf %slice3A_31, %mul3A : vector<10000x128xf32>
    %get3A_34 = arith.constant 0 : index
    %get3A_35 = vector.load %arg3[%get3A_34] : memref<128xf32, #tpu.memory_space<vmem>>, vector<128xf32>
    %broadcast_in_dim3A = vector.shape_cast %get3A_35 : vector<128xf32> to vector<1x128xf32>
    %add3A_36 = vector.broadcast %broadcast_in_dim3A : vector<1x128xf32> to vector<10000x128xf32>
    %add3A_37 = arith.addf %mul3A_33, %add3A_36 : vector<10000x128xf32>
    %max3A_38 = arith.constant 0.000000e+00 : f32
    %max3A_39 = vector.broadcast %max3A_38 : f32 to vector<10000x128xf32>
    %max3A_40 = arith.maximumf %add3A_37, %max3A_39 : vector<10000x128xf32>
    %get3A_41 = arith.constant 0 : index
    %get3A_42 = arith.constant 0 : index
    %get3A_43 = vector.load %arg4[%get3A_41, %get3A_42] : memref<128x128xf32, #tpu.memory_space<vmem>>, vector<128x128xf32>
    %dot_general3A = arith.constant dense<0.000000e+00> : vector<10000x128xf32>
    %dot_general3A_44 = tpu.matmul %max3A_40, %get3A_43, %dot_general3A {dimension_numbers = #tpu.dot_dimension_numbers<[1], [0], [0], [1], [0, 0, 1, 1], [], []>, transpose_lhs_hint = false} : vector<10000x128xf32>, vector<128x128xf32>, vector<10000x128xf32> -> vector<10000x128xf32>
    %slice3A_45 = vector.extract_strided_slice %rsqrt3A {offsets = [0, 0], sizes = [10000, 1], strides = [1, 1]} : vector<10112x1xf32> to vector<10000x1xf32>
    %mul3A_46 = vector.broadcast %slice3A_45 : vector<10000x1xf32> to vector<10000x128xf32>
    %mul3A_47 = arith.mulf %dot_general3A_44, %mul3A_46 : vector<10000x128xf32>
    %swap3A = arith.constant 0 : index
    %swap3A_48 = arith.constant 0 : index
    %swap3A_49 = vector.load %arg5[%swap3A, %swap3A_48] : memref<10112x128xf32, #tpu.memory_space<vmem>>, vector<10000x128xf32>
    tpu.vector_store %arg5[%swap3A, %swap3A_48], %mul3A_47 {strides = array<i32>} : memref<10112x128xf32, #tpu.memory_space<vmem>>, vector<10000x128xf32>,
    %broadcast_in_dim3A_50 = arith.constant 0.000000e+00 : f32
    %broadcast_in_dim3A_51 = vector.broadcast %broadcast_in_dim3A_50 : f32 to vector<112x128xf32>
    %swap3A_52 = arith.constant 10000 : index
    %swap3A_53 = arith.constant 0 : index
    %swap3A_54 = vector.load %arg5[%swap3A_52, %swap3A_53] : memref<10112x128xf32, #tpu.memory_space<vmem>>, vector<112x128xf32>
    tpu.vector_store %arg5[%swap3A_52, %swap3A_53], %broadcast_in_dim3A_51 {strides = array<i32>} : memref<10112x128xf32, #tpu.memory_space<vmem>>, vector<112x128xf32>,
    return
  }
}

module attributes {stable_mosaic.version = 14 : i64} {
  func.func @_tc_last_body(%arg0: memref<2x10112x128xf32, #tpu.memory_space<vmem>>, %arg1: memref<2x10112x128xf32, #tpu.memory_space<vmem>>, %arg2: memref<128xf32, #tpu.memory_space<vmem>>, %arg3: memref<10112x128xf32, #tpu.memory_space<vmem>>) attributes {dimension_semantics = [], scalar_prefetch = 0 : i64, scratch_operands = 0 : i64, tpu.core_type = #tpu.core_type<tc>} {
    %get3A = arith.constant 0 : index
    %get3A_0 = arith.constant 0 : index
    %get3A_1 = arith.constant 0 : index
    %get3A_2 = vector.load %arg1[%get3A, %get3A_0, %get3A_1] : memref<2x10112x128xf32, #tpu.memory_space<vmem>>, vector<2x10112x128xf32>
    %slice3A = vector.extract_strided_slice %get3A_2 {offsets = [0, 0, 0], sizes = [1, 10112, 1], strides = [1, 1, 1]} : vector<2x10112x128xf32> to vector<1x10112x1xf32>
    %squeeze3A = vector.shape_cast %slice3A : vector<1x10112x1xf32> to vector<10112x1xf32>
    %slice3A_3 = vector.extract_strided_slice %get3A_2 {offsets = [1, 0, 0], sizes = [1, 10112, 1], strides = [1, 1, 1]} : vector<2x10112x128xf32> to vector<1x10112x1xf32>
    %squeeze3A_4 = vector.shape_cast %slice3A_3 : vector<1x10112x1xf32> to vector<10112x1xf32>
    %add3A = arith.addf %squeeze3A, %squeeze3A_4 : vector<10112x1xf32>
    %max3A = arith.constant 1.000000e+00 : f32
    %max3A_5 = vector.broadcast %max3A : f32 to vector<10112x1xf32>
    %max3A_6 = arith.maximumf %add3A, %max3A_5 : vector<10112x1xf32>
    %rsqrt3A = math.rsqrt %max3A_6 : vector<10112x1xf32>
    %get3A_7 = arith.constant 0 : index
    %get3A_8 = arith.constant 0 : index
    %get3A_9 = arith.constant 0 : index
    %get3A_10 = vector.load %arg0[%get3A_7, %get3A_8, %get3A_9] : memref<2x10112x128xf32, #tpu.memory_space<vmem>>, vector<1x10112x128xf32>
    %get3A_11 = vector.shape_cast %get3A_10 : vector<1x10112x128xf32> to vector<10112x128xf32>
    %get3A_12 = arith.constant 1 : index
    %get3A_13 = arith.constant 0 : index
    %get3A_14 = arith.constant 0 : index
    %get3A_15 = vector.load %arg0[%get3A_12, %get3A_13, %get3A_14] : memref<2x10112x128xf32, #tpu.memory_space<vmem>>, vector<1x10112x128xf32>
    %get3A_16 = vector.shape_cast %get3A_15 : vector<1x10112x128xf32> to vector<10112x128xf32>
    %add3A_17 = arith.addf %get3A_11, %get3A_16 : vector<10112x128xf32>
    %slice3A_18 = vector.extract_strided_slice %add3A_17 {offsets = [0, 0], sizes = [10000, 128], strides = [1, 1]} : vector<10112x128xf32> to vector<10000x128xf32>
    %slice3A_19 = vector.extract_strided_slice %rsqrt3A {offsets = [0, 0], sizes = [10000, 1], strides = [1, 1]} : vector<10112x1xf32> to vector<10000x1xf32>
    %mul3A = vector.broadcast %slice3A_19 : vector<10000x1xf32> to vector<10000x128xf32>
    %mul3A_20 = arith.mulf %slice3A_18, %mul3A : vector<10000x128xf32>
    %get3A_21 = arith.constant 0 : index
    %get3A_22 = vector.load %arg2[%get3A_21] : memref<128xf32, #tpu.memory_space<vmem>>, vector<128xf32>
    %broadcast_in_dim3A = vector.shape_cast %get3A_22 : vector<128xf32> to vector<1x128xf32>
    %add3A_23 = vector.broadcast %broadcast_in_dim3A : vector<1x128xf32> to vector<10000x128xf32>
    %add3A_24 = arith.addf %mul3A_20, %add3A_23 : vector<10000x128xf32>
    %max3A_25 = arith.constant 0.000000e+00 : f32
    %max3A_26 = vector.broadcast %max3A_25 : f32 to vector<10000x128xf32>
    %max3A_27 = arith.maximumf %add3A_24, %max3A_26 : vector<10000x128xf32>
    %swap3A = arith.constant 0 : index
    %swap3A_28 = arith.constant 0 : index
    %swap3A_29 = vector.load %arg3[%swap3A, %swap3A_28] : memref<10112x128xf32, #tpu.memory_space<vmem>>, vector<10000x128xf32>
    tpu.vector_store %arg3[%swap3A, %swap3A_28], %max3A_27 {strides = array<i32>} : memref<10112x128xf32, #tpu.memory_space<vmem>>, vector<10000x128xf32>,
    %broadcast_in_dim3A_30 = arith.constant 0.000000e+00 : f32
    %broadcast_in_dim3A_31 = vector.broadcast %broadcast_in_dim3A_30 : f32 to vector<112x128xf32>
    %swap3A_32 = arith.constant 10000 : index
    %swap3A_33 = arith.constant 0 : index
    %swap3A_34 = vector.load %arg3[%swap3A_32, %swap3A_33] : memref<10112x128xf32, #tpu.memory_space<vmem>>, vector<112x128xf32>
    tpu.vector_store %arg3[%swap3A_32, %swap3A_33], %broadcast_in_dim3A_31 {strides = array<i32>} : memref<10112x128xf32, #tpu.memory_space<vmem>>, vector<112x128xf32>,
    return
  }
}

module attributes {stable_mosaic.version = 14 : i64} {
  func.func @_tc_final_body(%arg0: memref<2x10112x128xf32, #tpu.memory_space<vmem>>, %arg1: memref<10000x128xf32, #tpu.memory_space<vmem>>) attributes {dimension_semantics = [], scalar_prefetch = 0 : i64, scratch_operands = 0 : i64, tpu.core_type = #tpu.core_type<tc>} {
    %get3A = arith.constant 0 : index
    %get3A_0 = arith.constant 0 : index
    %get3A_1 = arith.constant 0 : index
    %get3A_2 = vector.load %arg0[%get3A, %get3A_0, %get3A_1] : memref<2x10112x128xf32, #tpu.memory_space<vmem>>, vector<1x10000x128xf32>
    %get3A_3 = vector.shape_cast %get3A_2 : vector<1x10000x128xf32> to vector<10000x128xf32>
    %get3A_4 = arith.constant 1 : index
    %get3A_5 = arith.constant 0 : index
    %get3A_6 = arith.constant 0 : index
    %get3A_7 = vector.load %arg0[%get3A_4, %get3A_5, %get3A_6] : memref<2x10112x128xf32, #tpu.memory_space<vmem>>, vector<1x10000x128xf32>
    %get3A_8 = vector.shape_cast %get3A_7 : vector<1x10000x128xf32> to vector<10000x128xf32>
    %add3A = arith.addf %get3A_3, %get3A_8 : vector<10000x128xf32>
    %swap3A = arith.constant 0 : index
    %swap3A_9 = arith.constant 0 : index
    %swap3A_10 = vector.load %arg1[%swap3A, %swap3A_9] : memref<10000x128xf32, #tpu.memory_space<vmem>>, vector<10000x128xf32>
    tpu.vector_store %arg1[%swap3A, %swap3A_9], %add3A {strides = array<i32>} : memref<10000x128xf32, #tpu.memory_space<vmem>>, vector<10000x128xf32>,
    return
  }
}

</mosaic_0001>

<sc_bundles>
// kernel: kernel.11.cloned.1.call-start
scs
__scs_entry_jumppad:
0x0: {  	(pc) =	sbr.rel $0x88, $3  }
0x1: {  	(tag) =	ssettag $0x0;
	lr =	simm.s32 $0x1  }
0x2: {  	[smem:$0x3F96] =	sst lr;
	_ =	strace $0xD0000000  }
0x3: {  	_ = 	snop  }
0x4: {  	_ = 	snop  }
0x5: {  	_ = 	snop  }
0x6: {  	_ = 	snop  }
0x7: {  	_ = 	snop  }
__scs_overlays_trampoline_lowered:
0x8: {  	[smem:$0x3FA5] =	sst s0  }
0x9: {  	[smem:$0x3FA6] =	sst s1  }
0xa: {  	[smem:$0x3FA7] =	sst s2  }
0xb: {  	[smem:$0x3FA8] =	sst s3  }
0xc: {  	[smem:$0x3FA9] =	sst s4  }
0xd: {  	[smem:$0x3FAA] =	sst s5  }
0xe: {  	[smem:$0x3FAB] =	sst s6  }
0xf: {  	[smem:$0x3FAC] =	sst s7  }
0x10: {  	[smem:$0x3FAD] =	sst s8  }
0x11: {  	[smem:$0x3FAE] =	sst s9;
	s0 =	simm.s32 @!p0 $0x0  }
0x12: {  	s1 =	sld [smem:$0x3F94];
	s0 =	simm.s32 @p0 $0x1  }
0x13: {  	[smem:$0x3FAF] =	sst s0;
	s0 =	simm.s32 @!p1 $0x0  }
0x14: {  	s2 =	sld [smem:$0x3F93];
	s0 =	simm.s32 @p1 $0x1  }
0x15: {  	[smem:$0x3FB0] =	sst s0;
	s0 =	simm.s32 @!p2 $0x0  }
0x16: {  	s3 =	sld [smem:$0x3FDB];
	s0 =	simm.s32 @p2 $0x1  }
0x17: {  	s4 =	simm.s32 $0x1BF5;
	[smem:$0x3FB2] =	sst s0  }
0x18: {  	s0 =	sld [smem:$0x3F95];
	_ =	swait.ge [sflag:s4], $0x0  }
0x19: {  	s7 =	sld [smem:$0x3F96]  }
0x1a: {  	s8 =	sadd.s32 $0xFFFFE003, lr  }
0x1b: {  	s9 =	sadd.s32 $0xFFFFFEF7, lr;
	s5 =	simm.s32 $0xFFFFFFFF;
	p2 =	slt.u32 s8, $0xFFFFF086  }
0x1c: {  	p1 =	slt.u32 s9, $0xF7A;
	s5 =	simm.s32 @!p2 $0x0  }
0x1d: {  	s5 =	simm.s32 @p1 $0x1;
	p0 =	seq.s32 s7, s2  }
0x1e: {  	s7 =	smul.u32 @!p0 $0xF7A, s2;
	p2 =	seq.s32 @!p0 s5, $0x0  }
0x1f: {  	s9 =	smul.u32 $0xF7A, s1;
	s8 =	simm.s32 @!p0 $0x1BF5;
	p2 =	por !p2, p0  }
0x20: {  	[sflag:s8] =	ssyncset.s32 @!p0 $0xFFFFF086;
	s6 =	sadd.s32 @!p0 s3, s7;
	s7 =	simm.s32 @!p0 $0x108  }
0x21: {  	s3 =	sadd.s32 s3, s9;
	s6 =	sadd.s32 @!p0 $0x88, s6;
	s7 =	simm.s32 @p2 $0x1082  }
0x22: {  	[simem:s7], [sflag:s8] =	dma.local @!p0 [hbm:s6], $0xF7A  }
0x23: {  	s9 =	sor.u32 $0xD0000000, s2;
	s6 =	simm.s32 $0x108;
	_ =	swait.ge @!p0 [sflag:s8], $0x0  }
0x24: {  	s3 =	sadd.s32 $0x88, s3;
	s6 =	simm.s32 @!p1 $0x1082;
	[sflag:s4] =	ssyncset.s32 $0xFFFFF086  }
0x25: {  	[simem:s6], [sflag:s4] =	dma.local [hbm:s3], $0xF7A  }
0x26: {  	[smem:$0x3F96] =	sst s1;
	(tag) =	ssettag s2;
	_ =	strace s9  }
0x27: {  	s1 =	sld [smem:$0x3FA6]  }
0x28: {  	s2 =	sld [smem:$0x3FA7]  }
0x29: {  	s4 =	sld [smem:$0x3FA9]  }
0x2a: {  	p0 =	seq.s32 s5, $0x0;
	s5 =	sld [smem:$0x3FAA]  }
0x2b: {  	s6 =	sld [smem:$0x3FAB]  }
0x2c: {  	s7 =	sld [smem:$0x3FAC]  }
0x2d: {  	s3 =	simm.s32 $0x108;
	s8 =	sld [smem:$0x3FAD]  }
0x2e: {  	s3 =	simm.s32 @!p0 $0x1082;
	s9 =	sld [smem:$0x3FAE]  }
0x2f: {  	lr =	sadd.s32 s0, s3;
	s0 =	sld [smem:$0x3FA5]  }
0x30: {  	s3 =	sld [smem:$0x3FA8]  }
0x31: {  	[smem:$0x3FB1] =	sst s10  }
0x32: {  	s10 =	sld [smem:$0x3FAF];
	_ =	sdelay $0x3  }
0x33: {  	p0 =	seq.s32 s10, $0x1;
	s10 =	sld [smem:$0x3FB1];
	_ =	sdelay $0x3  }
0x34: {  	[smem:$0x3FB1] =	sst s10  }
0x35: {  	s10 =	sld [smem:$0x3FB0];
	_ =	sdelay $0x3  }
0x36: {  	p1 =	seq.s32 s10, $0x1;
	s10 =	sld [smem:$0x3FB1];
	_ =	sdelay $0x3  }
0x37: {  	[smem:$0x3FB1] =	sst s10  }
0x38: {  	s10 =	sld [smem:$0x3FB2]  }
0x39: {  	_ = 	snop;
	(pc) =	sbr.ind lr, $3  }
0x3a: {  	_ = 	snop  }
0x3b: {  	_ = 	snop  }
0x3c: {  	p2 =	seq.s32 s10, $0x1;
	s10 =	sld [smem:$0x3FB1]  }
0x3d: {  	_ =	shalt  }
0x3e: {  	_ =	shalt  }
0x3f: {  	_ =	shalt  }
0x40: {  	_ =	shalt  }
0x41: {  	_ =	shalt  }
0x42: {  	_ =	shalt  }
0x43: {  	_ =	shalt  }
0x44: {  	_ =	shalt  }
0x45: {  	_ =	shalt  }
0x46: {  	_ =	shalt  }
0x47: {  	_ =	shalt  }
0x48: {  	_ =	shalt  }
0x49: {  	_ =	shalt  }
0x4a: {  	_ =	shalt  }
0x4b: {  	_ =	shalt  }
0x4c: {  	_ =	shalt  }
0x4d: {  	_ =	shalt  }
0x4e: {  	_ =	shalt  }
0x4f: {  	_ =	shalt  }
0x50: {  	_ =	shalt  }
0x51: {  	_ =	shalt  }
0x52: {  	_ =	shalt  }
0x53: {  	_ =	shalt  }
0x54: {  	_ =	shalt  }
0x55: {  	_ =	shalt  }
0x56: {  	_ =	shalt  }
0x57: {  	_ =	shalt  }
0x58: {  	_ =	shalt  }
0x59: {  	_ =	shalt  }
0x5a: {  	_ =	shalt  }
0x5b: {  	_ =	shalt  }
0x5c: {  	_ =	shalt  }
0x5d: {  	_ =	shalt  }
0x5e: {  	_ =	shalt  }
0x5f: {  	_ =	shalt  }
0x60: {  	_ =	shalt  }
0x61: {  	_ =	shalt  }
0x62: {  	_ =	shalt  }
0x63: {  	_ =	shalt  }
0x64: {  	_ =	shalt  }
0x65: {  	_ =	shalt  }
0x66: {  	_ =	shalt  }
0x67: {  	_ =	shalt  }
0x68: {  	_ =	shalt  }
0x69: {  	_ =	shalt  }
0x6a: {  	_ =	shalt  }
0x6b: {  	_ =	shalt  }
0x6c: {  	_ =	shalt  }
0x6d: {  	_ =	shalt  }
0x6e: {  	_ =	shalt  }
0x6f: {  	_ =	shalt  }
0x70: {  	_ =	shalt  }
0x71: {  	_ =	shalt  }
0x72: {  	_ =	shalt  }
0x73: {  	_ =	shalt  }
0x74: {  	_ =	shalt  }
0x75: {  	_ =	shalt  }
0x76: {  	_ =	shalt  }
0x77: {  	_ =	shalt  }
0x78: {  	_ =	shalt  }
0x79: {  	_ =	shalt  }
0x7a: {  	_ =	shalt  }
0x7b: {  	_ =	shalt  }
0x7c: {  	_ =	shalt  }
0x7d: {  	_ =	shalt  }
0x7e: {  	_ =	shalt  }
0x7f: {  	_ =	shalt  }
0x80: {  	_ =	shalt  }
0x81: {  	_ =	shalt  }
0x82: {  	_ =	shalt  }
0x83: {  	_ =	shalt  }
0x84: {  	_ =	shalt  }
0x85: {  	_ =	shalt  }
0x86: {  	_ =	shalt  }
0x87: {  	_ =	shalt  }
.Lfunc_end0:
.L_simem_size_0:
called_computation_lowered:
.L_overlay_start_0:
0x88: {  	s2 =	sld [smem:$0x3FD9]  }
0x89: {  	s3 =	sld [smem:$0x3FFE];
	_ =	sdelay $0x1  }
0x8a: {  	s1 =	srdreg.scid  }
0x8b: {  	s0 =	sand.u32 $0x1, s1  }
0x8c: {  	s17 =	sshll.u32 s0, $0xA;
	s2 =	sadd.s32 s3, s2  }
0x8d: {  	s2 =	sadd.s32 s2, s17  }
0x8e: {  	[smem:$0x3FBD] =	sst s2  }
0x8f: {  	_ = 	snop  }
0x90: {  	s2 =	sld [smem:$0x3FD0];
	(tm) =	ssettm $0x1  }
0x91: {  	s18 =	sld [smem:$0x3FFB];
	_ =	sdelay $0x3  }
0x92: {  	_ =	strace s18  }
0x93: {  	s3 =	sld [smem:$0x3FFC];
	_ =	sdelay $0x3  }
0x94: {  	_ =	strace s3  }
0x95: {  	s3 =	sld [smem:$0x3FFD];
	_ =	sdelay $0x3  }
0x96: {  	_ =	strace s3  }
0x97: {  	_ =	strace $0x8FFFFFFF  }
0x98: {  	s19 =	sld [smem:$0x3FDB];
	_ =	sdelay $0x1  }
0x99: {  	s4 =	simm.s32 $_scs_section_size  }
0x9a: {  	s5 =	simm.s32 $_size__tile_overlayer_lowered;
	s6 =	simm.s32 $_tile_overlayer_lowered  }
0x9b: {  	s22 =	simm.s32 $0x1BFF;
	s21 =	sshll.u32 s6, $0x1;
	s3 =	sadd.s32 s4, s19  }
0x9c: {  	s7 =	simm.s32 $0x0;
	s20 =	sshll.u32 s5, $0x1;
	s5 =	sadd.s32 s21, s3  }
0x9d: {  	[timem:s7], [sflag:s22] =	dma.local [hbm:s5], s20  }
0x9e: {  	_ =	swait.ge [sflag:s22], s20  }
0x9f: {  	s4 =	ssub.s32 $0x0, s20;
	[sflag:s22] =	ssyncset.done $0x0  }
0xa0: {  	[sflag:s22] =	ssyncadd.s32 s4;
	_ =	sdelay $0x1  }
0xa1: {  	s23 =	simm.s32 $0x1B8B  }
0xa2: {  	_ =	swait.ge [sflag:s23], $0x1  }
0xa3: {  	[sflag:s23] =	ssyncset.done $0x0  }
0xa4: {  	s25 =	simm.s32 $0x1B8E;
	s24 =	sld [smem:$0x3FFE];
	[sflag:s23] =	ssyncadd.s32 $0xFFFFFFFF  }
0xa5: {  	s26 =	simm.s32 $execute0_lowered;
	[smem:$0x3FD2] =	sst s25  }
0xa6: {  	s5 =	sshll.u32 s26, $0x1;
	_ =	strace $0x80000046;
	[dreg:$0x1] =	wrdreg $0xFFFFFFFF  }
0xa7: {  	s28 =	simm.s32 $_size_execute0_lowered;
	s3 =	sadd.s32 s3, s5;
	[dreg:$0x0] =	wrdreg $0x0  }
0xa8: {  	s5 =	sshll.u32 s28, $0x1;
	[dreg:$0x2] =	wrdreg s3  }
0xa9: {  	[dreg:$0x3] =	wrdreg s5  }
0xaa: {  	[dreg:$0x4] =	wrdreg $0xC0  }
0xab: {  	_ =	task [dreg:s7], $0x5FFFF  }
0xac: {  	[dreg:$0x1] =	wrdreg $0xFFFFFFFF  }
0xad: {  	[dreg:$0x0] =	wrdreg $0x60  }
0xae: {  	[dreg:$0x2] =	wrdreg s24  }
0xaf: {  	[dreg:$0x3] =	wrdreg s2  }
0xb0: {  	[dreg:$0x4] =	wrdreg $0x90000  }
0xb1: {  	[dreg:$0x5] =	wrdreg $0x9  }
0xb2: {  	_ =	task.clear_ibuf [dreg:s7], $0x6FFFF;
	_ =	strace $0x90000046  }
0xb3: {  	s29 =	simm.s32 $0x9;
	_ =	strace $0x80000048  }
0xb4: {  	_ =	swait.ge [sflag:s29], $0x1  }
0xb5: {  	[sflag:s29] =	ssyncadd.s32 $0xFFFFFFFF  }
0xb6: {  	_ =	strace $0x90000048  }
0xb7: {  	_ =	sfence  }
0xb8: {  	s30 =	sld [smem:$0x0];
	_ =	sdelay $0x2  }
0xb9: {  	s31 =	sshll.u32 s1, $0xD;
	s1 =	sshrl.u32 s1, $0x2  }
0xba: {  	s3 =	sand.u32 $0x4000, s31;
	s1 =	sadd.s32 s1, s30  }
0xbb: {  	s0 =	sor.u32 s3, s0;
	s1 =	sshll.u32 s1, $0x11  }
0xbc: {  	s0 =	sor.u32 s1, s0  }
0xbd: {  	s0 =	sadd.s32 $0x8F2B, s0  }
0xbe: {  	[sflag:s0] =	ssyncadd.remote.s32 $0x1  }
0xbf: {  	_ =	sfence.sel $0xFFFF  }
0xc0: {  	[dreg:$0x0] =	wrdreg $0xFFFFFFFF;
	(pc) =	sbr.abs _section_cstart, $3  }
0xc1: {  	[dreg:$0x1] =	wrdreg $0xFFFFFFFF  }
0xc2: {  	_ =	task.clear_ibuf [dreg:s7], $0x2FFFF;
	_ =	strace $0x9FFFFFFF  }
0xc3: {  	(tm) =	ssettm $0x7FFFFFFF  }
tec
execute0_lowered:
.L_overlay_start_1:
0x0: {  	(tag) =	ssettag $0x1  }
0x1: {  	s5 =	rddreg [dreg:$0x0]  }
0x2: {  	s0 =	srdreg.scid;
	s8 =	rddreg [dreg:$0x1]  }
0x3: {  	s2 =	rddreg [dreg:$0x2];
	s3 =	simm.s32 $0x0;
	s15 =	simm.s32 $0x5000  }
0x4: {  	s16 =	simm.s32 $0x80;
	s4 =	sand.u32 $0x1, s0;
	s0 =	stileid.u32  }
0x5: {  	s17 =	simm.s32 $0x0;
	[smem:$0x7FF] =	sst s3;
	s7 =	smul.u32 $0x13C00, s0  }
0x6: {  	s1 =	sshll.u32 s4, $0x4;
	s10 =	smul.u32 $0x13C000, s4;
	s29 =	ssub.s32 $0x2, s4  }
0x7: {  	s12 =	smul.u32 $0x4F000, s0;
	s4 =	sadd.s32 $0x34C00, s5;
	s31 =	sshll.u32 s0, $0x6  }
0x8: {  	s6 =	sor.u32 s0, s1;
	s1 =	rddreg [dreg:$0x3];
	_ =	strace $0x80000047  }
0x9: {  	s13 =	sshrl.u32 s29, $0x1;
	s9 =	smul.u32 $0x500, s6;
	s28 =	sshrl.u32 s7, $0x3  }
0xa: {  	s7 =	sadd.s32 s7, s10;
	s13 =	ssub.s32 s29, s13;
	s30 =	sshrl.u32 s12, $0x2  }
0xb: {  	s6 =	sadd.s32 s28, s5;
	s7 =	sshrl.u32 s7, $0x3;
	s12 =	sadd.s32 s30, s2  }
0xc: {  	s11 =	sadd.s32 s9, s5;
	s14 =	sadd.s32 s7, s5;
	s5 =	sadd.s32 $0xD400, s6  }
0xd: {  	s6 =	sor.u32 $0x1C01, s31;
	s8 =	sadd.s32 s8, s9;
	s12 =	sshrl.u32 s12, $0x3  }
0xe: {  	s7 =	sadd.s32 $0x3400, s11;
	s9 =	sadd.s32 $0x35400, s14;
	s10 =	sadd.s32 $0x84400, s14  }
0xf: {  	s11 =	smax.u32 s13, $0x1;
	s13 =	simm.s32 $0x1;
	s14 =	simm.s32 $0x2800  }
.LBB2_1:
0x10: {  	[spmem:s12], [sflag:s6] =	dma.local [hbm:s5], $0x2780  }
0x11: {  	_ =	swait.ge [sflag:s13], $0x2780  }
0x12: {  	[sflag:s13] =	ssyncset.done $0x0  }
0x13: {  	[sflag:s13] =	ssyncadd.s32 $0xFFFFD880  }
0x14: {  	[tilespmem:s3], [sflag:$0x1] =	stream.linear.gather [hbm4b:s7+s3], $0x2800, $0x38;
	[tilespmem:$0x1CC00] =	vst v63  }
0x15: {  	_ =	swait.ge [sflag:s13], $0x2800  }
0x16: {  	[sflag:s13] =	ssyncset.done $0x0  }
0x17: {  	[sflag:s13] =	ssyncadd.s32 $0xFFFFD800  }
0x18: {  	[tilespmem:s14], [sflag:$0x1] =	stream.linear.gather [hbm4b:s8+s3], $0x2800, $0x38;
	[tilespmem:$0x1CC00] =	vst v63  }
0x19: {  	_ =	swait.ge [sflag:s13], $0x2800  }
0x1a: {  	[sflag:s13] =	ssyncset.done $0x0  }
0x1b: {  	[sflag:s13] =	ssyncadd.s32 $0xFFFFD800  }
0x1c: {  	[tilespmem:s15], [sflag:$0x1] =	stream.linear.gather [hbm4b:s4+s3], $0x4000, $0x38;
	[tilespmem:$0x1CC00] =	vst v63  }
0x1d: {  	_ =	swait.ge [sflag:s13], $0x4000  }
0x1e: {  	[sflag:s13] =	ssyncset.done $0x0  }
0x1f: {  	[sflag:s13] =	ssyncadd.s32 $0xFFFFC000  }
0x20: {  	s18 =	simm.s32 $0x0;
	[bflag:$0x0] =	sbarrier.arrive $0xFFFF  }
0x21: {  	[spmem:s2] =	stream.indirect.scatter.add.f32 [tilespmem:s15], [sflag:$0x1], $0x80, s18, s16, $0xb8;
	[tilespmem:$0x1CC00] =	vst v63  }
0x22: {  	_ =	swait.ge [sflag:s13], $0x4000  }
0x23: {  	s18 =	simm.s32 $0x200;
	[sflag:s13] =	ssyncset.done $0x0  }
.LBB2_2:
0x24: {  	s19 =	sshra.s32 s18, $0x2;
	[sflag:s13] =	ssyncadd.s32 $0xFFFFC000;
	p0 =	sne.s32 s18, $0x9E00  }
0x25: {  	[spmem:s2] =	stream.indirect.scatter.add.f32 [tilespmem:s15], [sflag:$0x1], $0x80, s19, s16, $0xb8;
	[tilespmem:$0x1CC00] =	vst v63  }
.Ltmp0:
0x26: {  	_ = 	snop;
	(pc) =	sbr.rel @p0 .LBB2_2-.Ltmp0, $4  }
0x27: {  	_ = 	snop  }
0x28: {  	s18 =	sadd.s32 $0x200, s18  }
0x29: {  	_ =	swait.ge [sflag:s13], $0x4000  }
0x2a: {  	[sflag:s13] =	ssyncset.done $0x0  }
0x2b: {  	[sflag:s13] =	ssyncadd.s32 $0xFFFFC000  }
0x2c: {  	[bflag:$0x0] =	sbarrier.arrive $0xFFFF  }
0x2d: {  	[hbm:s9], [sflag:s6] =	dma.local [spmem:s12], $0x2780  }
0x2e: {  	_ =	swait.ge [sflag:s13], $0x2780  }
0x2f: {  	[sflag:s13] =	ssyncset.done $0x0  }
0x30: {  	[sflag:s13] =	ssyncadd.s32 $0xFFFFD880  }
0x31: {  	[spmem:s12], [sflag:s6] =	dma.local [hbm:s5], $0x2780  }
0x32: {  	_ =	swait.ge [sflag:s13], $0x2780  }
0x33: {  	[sflag:s13] =	ssyncset.done $0x0  }
0x34: {  	[sflag:s13] =	ssyncadd.s32 $0xFFFFD880  }
0x35: {  	s18 =	simm.s32 $0x2800;
	[bflag:$0x0] =	sbarrier.arrive $0xFFFF  }
0x36: {  	[spmem:s2] =	stream.indirect.scatter.add.f32 [tilespmem:s15], [sflag:$0x1], $0x80, s18, s16, $0xb8;
	[tilespmem:$0x1CC00] =	vst v63  }
0x37: {  	s18 =	simm.s32 $0x200;
	_ =	swait.ge [sflag:s13], $0x4000  }
.LBB2_4:
0x38: {  	s19 =	sshra.s32 s18, $0x2;
	[sflag:s13] =	ssyncset.done $0x0;
	p0 =	sne.s32 s18, $0x9E00  }
.Ltmp1:
0x39: {  	s19 =	sadd.s32 $0x2800, s19;
	[sflag:s13] =	ssyncadd.s32 $0xFFFFC000;
	(pc) =	sbr.rel @p0 .LBB2_4-.Ltmp1, $3  }
0x3a: {  	[spmem:s2] =	stream.indirect.scatter.add.f32 [tilespmem:s15], [sflag:$0x1], $0x80, s19, s16, $0xb8;
	[tilespmem:$0x1CC00] =	vst v63  }
0x3b: {  	s18 =	sadd.s32 $0x200, s18;
	_ =	sdelay $0x1  }
0x3c: {  	_ =	swait.ge [sflag:s13], $0x4000  }
0x3d: {  	[sflag:s13] =	ssyncset.done $0x0;
	s17 =	sadd.s32 $0x1, s17  }
0x3e: {  	[sflag:s13] =	ssyncadd.s32 $0xFFFFC000;
	p0 =	sne.s32 s17, s11  }
.Ltmp2:
0x3f: {  	[bflag:$0x0] =	sbarrier.arrive $0xFFFF;
	(pc) =	sbr.rel @p0 .LBB2_1-.Ltmp2, $4  }
0x40: {  	[hbm:s10], [sflag:s6] =	dma.local [spmem:s12], $0x2780  }
0x41: {  	_ =	swait.ge [sflag:s13], $0x2780  }
0x42: {  	[sflag:s13] =	ssyncset.done $0x0  }
0x43: {  	[sflag:s13] =	ssyncadd.s32 $0xFFFFD880  }
0x44: {  	_ =	sfence.sel $0x180000  }
0x45: {  	[bflag:$0x0] =	sbarrier.arrive $0xFFFF  }
0x46: {  	p0 =	sne.s32 s0, $0x0;
	_ =	strace $0x90000047  }
0x47: {  	s0 =	sadd.s32 @!p0 $0x100000, s1;
	[bflag:$0x2] =	sbarrier.arrive $0xFFFF  }
0x48: {  	[sflag:s0] =	ssyncadd.tile.s32 @!p0 $0x1;
	_ =	shalt  }
.Lfunc_end2:
_tile_overlayer_lowered:
.L_overlay_start_2:
0x49: {  	(tag) =	ssettag $0x2  }
0x4a: {  	s0 =	rddreg [dreg:$0x0];
	s2 =	stileid.u32  }
0x4b: {  	s1 =	rddreg [dreg:$0x1];
	p0 =	sne.s32 s2, $0x0  }
0x4c: {  	s3 =	rddreg [dreg:$0x2];
	[bflag:$0x3] =	sbarrier.arrive $0xFFFF;
	s2 =	simm.s32 @!p0 $0x1C01  }
0x4d: {  	[timem:s3], [sflag:s2] =	dma.local @!p0 [hbm:s0], s1  }
0x4e: {  	s0 =	simm.s32 @!p0 $0x1  }
0x4f: {  	_ =	swait.ge @!p0 [sflag:s0], s1  }
0x50: {  	s1 =	ssub.s32 @!p0 $0x0, s1;
	[sflag:s0] =	ssyncset.done @!p0 $0x0  }
0x51: {  	[sflag:s0] =	ssyncadd.s32 @!p0 s1  }
0x52: {  	[bflag:$0x3] =	sbarrier.arrive $0xFFFF  }
0x53: {  	_ =	shalt  }

// kernel: kernel.14.cloned.1.call-start
scs
__scs_entry_jumppad:
0x0: {  	(pc) =	sbr.rel $0x88, $3  }
0x1: {  	(tag) =	ssettag $0x0;
	lr =	simm.s32 $0x1  }
0x2: {  	[smem:$0x3F96] =	sst lr;
	_ =	strace $0xD0000000  }
0x3: {  	_ = 	snop  }
0x4: {  	_ = 	snop  }
0x5: {  	_ = 	snop  }
0x6: {  	_ = 	snop  }
0x7: {  	_ = 	snop  }
__scs_overlays_trampoline_lowered:
0x8: {  	[smem:$0x3FA5] =	sst s0  }
0x9: {  	[smem:$0x3FA6] =	sst s1  }
0xa: {  	[smem:$0x3FA7] =	sst s2  }
0xb: {  	[smem:$0x3FA8] =	sst s3  }
0xc: {  	[smem:$0x3FA9] =	sst s4  }
0xd: {  	[smem:$0x3FAA] =	sst s5  }
0xe: {  	[smem:$0x3FAB] =	sst s6  }
0xf: {  	[smem:$0x3FAC] =	sst s7  }
0x10: {  	[smem:$0x3FAD] =	sst s8  }
0x11: {  	[smem:$0x3FAE] =	sst s9;
	s0 =	simm.s32 @!p0 $0x0  }
0x12: {  	s1 =	sld [smem:$0x3F94];
	s0 =	simm.s32 @p0 $0x1  }
0x13: {  	[smem:$0x3FAF] =	sst s0;
	s0 =	simm.s32 @!p1 $0x0  }
0x14: {  	s2 =	sld [smem:$0x3F93];
	s0 =	simm.s32 @p1 $0x1  }
0x15: {  	[smem:$0x3FB0] =	sst s0;
	s0 =	simm.s32 @!p2 $0x0  }
0x16: {  	s3 =	sld [smem:$0x3FDB];
	s0 =	simm.s32 @p2 $0x1  }
0x17: {  	s4 =	simm.s32 $0x1BF5;
	[smem:$0x3FB2] =	sst s0  }
0x18: {  	s0 =	sld [smem:$0x3F95];
	_ =	swait.ge [sflag:s4], $0x0  }
0x19: {  	s7 =	sld [smem:$0x3F96]  }
0x1a: {  	s8 =	sadd.s32 $0xFFFFE003, lr  }
0x1b: {  	s9 =	sadd.s32 $0xFFFFFEF7, lr;
	s5 =	simm.s32 $0xFFFFFFFF;
	p2 =	slt.u32 s8, $0xFFFFF086  }
0x1c: {  	p1 =	slt.u32 s9, $0xF7A;
	s5 =	simm.s32 @!p2 $0x0  }
0x1d: {  	s5 =	simm.s32 @p1 $0x1;
	p0 =	seq.s32 s7, s2  }
0x1e: {  	s7 =	smul.u32 @!p0 $0xF7A, s2;
	p2 =	seq.s32 @!p0 s5, $0x0  }
0x1f: {  	s9 =	smul.u32 $0xF7A, s1;
	s8 =	simm.s32 @!p0 $0x1BF5;
	p2 =	por !p2, p0  }
0x20: {  	[sflag:s8] =	ssyncset.s32 @!p0 $0xFFFFF086;
	s6 =	sadd.s32 @!p0 s3, s7;
	s7 =	simm.s32 @!p0 $0x108  }
0x21: {  	s3 =	sadd.s32 s3, s9;
	s6 =	sadd.s32 @!p0 $0x88, s6;
	s7 =	simm.s32 @p2 $0x1082  }
0x22: {  	[simem:s7], [sflag:s8] =	dma.local @!p0 [hbm:s6], $0xF7A  }
0x23: {  	s9 =	sor.u32 $0xD0000000, s2;
	s6 =	simm.s32 $0x108;
	_ =	swait.ge @!p0 [sflag:s8], $0x0  }
0x24: {  	s3 =	sadd.s32 $0x88, s3;
	s6 =	simm.s32 @!p1 $0x1082;
	[sflag:s4] =	ssyncset.s32 $0xFFFFF086  }
0x25: {  	[simem:s6], [sflag:s4] =	dma.local [hbm:s3], $0xF7A  }
0x26: {  	[smem:$0x3F96] =	sst s1;
	(tag) =	ssettag s2;
	_ =	strace s9  }
0x27: {  	s1 =	sld [smem:$0x3FA6]  }
0x28: {  	s2 =	sld [smem:$0x3FA7]  }
0x29: {  	s4 =	sld [smem:$0x3FA9]  }
0x2a: {  	p0 =	seq.s32 s5, $0x0;
	s5 =	sld [smem:$0x3FAA]  }
0x2b: {  	s6 =	sld [smem:$0x3FAB]  }
0x2c: {  	s7 =	sld [smem:$0x3FAC]  }
0x2d: {  	s3 =	simm.s32 $0x108;
	s8 =	sld [smem:$0x3FAD]  }
0x2e: {  	s3 =	simm.s32 @!p0 $0x1082;
	s9 =	sld [smem:$0x3FAE]  }
0x2f: {  	lr =	sadd.s32 s0, s3;
	s0 =	sld [smem:$0x3FA5]  }
0x30: {  	s3 =	sld [smem:$0x3FA8]  }
0x31: {  	[smem:$0x3FB1] =	sst s10  }
0x32: {  	s10 =	sld [smem:$0x3FAF];
	_ =	sdelay $0x3  }
0x33: {  	p0 =	seq.s32 s10, $0x1;
	s10 =	sld [smem:$0x3FB1];
	_ =	sdelay $0x3  }
0x34: {  	[smem:$0x3FB1] =	sst s10  }
0x35: {  	s10 =	sld [smem:$0x3FB0];
	_ =	sdelay $0x3  }
0x36: {  	p1 =	seq.s32 s10, $0x1;
	s10 =	sld [smem:$0x3FB1];
	_ =	sdelay $0x3  }
0x37: {  	[smem:$0x3FB1] =	sst s10  }
0x38: {  	s10 =	sld [smem:$0x3FB2]  }
0x39: {  	_ = 	snop;
	(pc) =	sbr.ind lr, $3  }
0x3a: {  	_ = 	snop  }
0x3b: {  	_ = 	snop  }
0x3c: {  	p2 =	seq.s32 s10, $0x1;
	s10 =	sld [smem:$0x3FB1]  }
0x3d: {  	_ =	shalt  }
0x3e: {  	_ =	shalt  }
0x3f: {  	_ =	shalt  }
0x40: {  	_ =	shalt  }
0x41: {  	_ =	shalt  }
0x42: {  	_ =	shalt  }
0x43: {  	_ =	shalt  }
0x44: {  	_ =	shalt  }
0x45: {  	_ =	shalt  }
0x46: {  	_ =	shalt  }
0x47: {  	_ =	shalt  }
0x48: {  	_ =	shalt  }
0x49: {  	_ =	shalt  }
0x4a: {  	_ =	shalt  }
0x4b: {  	_ =	shalt  }
0x4c: {  	_ =	shalt  }
0x4d: {  	_ =	shalt  }
0x4e: {  	_ =	shalt  }
0x4f: {  	_ =	shalt  }
0x50: {  	_ =	shalt  }
0x51: {  	_ =	shalt  }
0x52: {  	_ =	shalt  }
0x53: {  	_ =	shalt  }
0x54: {  	_ =	shalt  }
0x55: {  	_ =	shalt  }
0x56: {  	_ =	shalt  }
0x57: {  	_ =	shalt  }
0x58: {  	_ =	shalt  }
0x59: {  	_ =	shalt  }
0x5a: {  	_ =	shalt  }
0x5b: {  	_ =	shalt  }
0x5c: {  	_ =	shalt  }
0x5d: {  	_ =	shalt  }
0x5e: {  	_ =	shalt  }
0x5f: {  	_ =	shalt  }
0x60: {  	_ =	shalt  }
0x61: {  	_ =	shalt  }
0x62: {  	_ =	shalt  }
0x63: {  	_ =	shalt  }
0x64: {  	_ =	shalt  }
0x65: {  	_ =	shalt  }
0x66: {  	_ =	shalt  }
0x67: {  	_ =	shalt  }
0x68: {  	_ =	shalt  }
0x69: {  	_ =	shalt  }
0x6a: {  	_ =	shalt  }
0x6b: {  	_ =	shalt  }
0x6c: {  	_ =	shalt  }
0x6d: {  	_ =	shalt  }
0x6e: {  	_ =	shalt  }
0x6f: {  	_ =	shalt  }
0x70: {  	_ =	shalt  }
0x71: {  	_ =	shalt  }
0x72: {  	_ =	shalt  }
0x73: {  	_ =	shalt  }
0x74: {  	_ =	shalt  }
0x75: {  	_ =	shalt  }
0x76: {  	_ =	shalt  }
0x77: {  	_ =	shalt  }
0x78: {  	_ =	shalt  }
0x79: {  	_ =	shalt  }
0x7a: {  	_ =	shalt  }
0x7b: {  	_ =	shalt  }
0x7c: {  	_ =	shalt  }
0x7d: {  	_ =	shalt  }
0x7e: {  	_ =	shalt  }
0x7f: {  	_ =	shalt  }
0x80: {  	_ =	shalt  }
0x81: {  	_ =	shalt  }
0x82: {  	_ =	shalt  }
0x83: {  	_ =	shalt  }
0x84: {  	_ =	shalt  }
0x85: {  	_ =	shalt  }
0x86: {  	_ =	shalt  }
0x87: {  	_ =	shalt  }
.Lfunc_end0:
.L_simem_size_0:
called_computation.1_lowered:
.L_overlay_start_0:
0x88: {  	s2 =	sld [smem:$0x3FD9]  }
0x89: {  	s3 =	sld [smem:$0x3FFE];
	_ =	sdelay $0x1  }
0x8a: {  	s1 =	srdreg.scid  }
0x8b: {  	s0 =	sand.u32 $0x1, s1  }
0x8c: {  	s17 =	sshll.u32 s0, $0xA;
	s2 =	sadd.s32 s3, s2  }
0x8d: {  	s2 =	sadd.s32 s2, s17  }
0x8e: {  	[smem:$0x3FBD] =	sst s2  }
0x8f: {  	_ = 	snop  }
0x90: {  	s18 =	sld [smem:$0x3FD0];
	(tm) =	ssettm $0x1  }
0x91: {  	s19 =	sld [smem:$0x3FFB];
	_ =	sdelay $0x3  }
0x92: {  	_ =	strace s19  }
0x93: {  	s2 =	sld [smem:$0x3FFC];
	_ =	sdelay $0x3  }
0x94: {  	_ =	strace s2  }
0x95: {  	s2 =	sld [smem:$0x3FFD];
	_ =	sdelay $0x3  }
0x96: {  	_ =	strace s2  }
0x97: {  	_ =	strace $0x8FFFFFFF  }
0x98: {  	s20 =	sld [smem:$0x3FDB];
	_ =	sdelay $0x1  }
0x99: {  	s4 =	simm.s32 $_scs_section_size  }
0x9a: {  	s5 =	simm.s32 $_size__tile_overlayer_lowered;
	s6 =	simm.s32 $_tile_overlayer_lowered  }
0x9b: {  	s7 =	simm.s32 $0x1BFF;
	s21 =	sshll.u32 s6, $0x1;
	s4 =	sadd.s32 s4, s20  }
0x9c: {  	s22 =	simm.s32 $0x0;
	s5 =	sshll.u32 s5, $0x1;
	s6 =	sadd.s32 s21, s4  }
0x9d: {  	[timem:s22], [sflag:s7] =	dma.local [hbm:s6], s5  }
0x9e: {  	_ =	swait.ge [sflag:s7], s5  }
0x9f: {  	s5 =	ssub.s32 $0x0, s5;
	[sflag:s7] =	ssyncset.done $0x0  }
0xa0: {  	[sflag:s7] =	ssyncadd.s32 s5;
	_ =	sdelay $0x1  }
0xa1: {  	s23 =	simm.s32 $0x1B8B  }
0xa2: {  	_ =	swait.ge [sflag:s23], $0x1  }
0xa3: {  	[sflag:s23] =	ssyncset.done $0x0  }
0xa4: {  	[sflag:s23] =	ssyncadd.s32 $0xFFFFFFFF  }
0xa5: {  	s5 =	sld [smem:$0x0]  }
0xa6: {  	s6 =	sand.u32 $0xFFFFFFFE, s1  }
0xa7: {  	p0 =	sne.s32 s1, s6  }
0xa8: {  	s6 =	sshll.u32 @p0 s6, $0xE  }
0xa9: {  	s6 =	sadd.s32 @p0 $0x11B8D, s6;
	s7 =	sshll.u32 @p0 s5, $0x11  }
0xaa: {  	s6 =	sor.u32 @p0 s7, s6  }
0xab: {  	[sflag:s6] =	ssyncadd.remote.s32 @p0 $0x1;
	_ =	sdelay $0x1  }
0xac: {  	s6 =	simm.s32 @p0 $0x1B8D  }
0xad: {  	_ =	swait.eq @p0 [sflag:s6], $0x1  }
0xae: {  	[sflag:s6] =	ssyncadd.s32 @p0 $0xFFFFFFFF  }
0xaf: {  	s7 =	sshll.u32 @!p0 s1, $0xE  }
0xb0: {  	s7 =	sor.u32 @!p0 $0x4000, s7;
	s6 =	simm.s32 @!p0 $0x1B8D  }
0xb1: {  	s5 =	sshll.u32 @!p0 s5, $0x11;
	s7 =	sadd.s32 @!p0 $0x11B8D, s7;
	_ =	swait.eq @!p0 [sflag:s6], $0x1  }
0xb2: {  	s5 =	sor.u32 @!p0 s5, s7;
	[sflag:s6] =	ssyncadd.s32 @!p0 $0xFFFFFFFF  }
0xb3: {  	s25 =	simm.s32 $0x1B8E;
	s24 =	sld [smem:$0x3FFE];
	[sflag:s5] =	ssyncadd.remote.s32 @!p0 $0x1  }
0xb4: {  	s26 =	simm.s32 $execute0_lowered;
	[smem:$0x3FD2] =	sst s25  }
0xb5: {  	s6 =	sshll.u32 s26, $0x1;
	_ =	strace $0x8000004F;
	[dreg:$0x1] =	wrdreg $0xFFFFFFFF  }
0xb6: {  	s28 =	simm.s32 $_size_execute0_lowered;
	s4 =	sadd.s32 s4, s6;
	[dreg:$0x0] =	wrdreg $0x0  }
0xb7: {  	s6 =	sshll.u32 s28, $0x1;
	[dreg:$0x2] =	wrdreg s4  }
0xb8: {  	[dreg:$0x3] =	wrdreg s6  }
0xb9: {  	[dreg:$0x4] =	wrdreg $0xC0  }
0xba: {  	_ =	task [dreg:s22], $0x5FFFF  }
0xbb: {  	[dreg:$0x1] =	wrdreg $0xFFFFFFFF  }
0xbc: {  	[dreg:$0x0] =	wrdreg $0x60  }
0xbd: {  	[dreg:$0x2] =	wrdreg s18  }
0xbe: {  	[dreg:$0x3] =	wrdreg s24  }
0xbf: {  	[dreg:$0x4] =	wrdreg $0x9  }
0xc0: {  	_ =	task.clear_ibuf [dreg:s22], $0x5FFFF;
	_ =	strace $0x9000004F  }
0xc1: {  	s29 =	simm.s32 $0x9;
	_ =	strace $0x80000051  }
0xc2: {  	_ =	swait.ge [sflag:s29], $0x1  }
0xc3: {  	[sflag:s29] =	ssyncadd.s32 $0xFFFFFFFF  }
0xc4: {  	_ =	strace $0x90000051  }
0xc5: {  	_ =	sfence  }
0xc6: {  	s30 =	sld [smem:$0x0];
	_ =	sdelay $0x2  }
0xc7: {  	s31 =	sshll.u32 s1, $0xD;
	s1 =	sshrl.u32 s1, $0x2  }
0xc8: {  	s4 =	sand.u32 $0x4000, s31;
	s1 =	sadd.s32 s1, s30  }
0xc9: {  	s0 =	sor.u32 s4, s0;
	s1 =	sshll.u32 s1, $0x11  }
0xca: {  	s0 =	sor.u32 s1, s0  }
0xcb: {  	s0 =	sadd.s32 $0x8F2B, s0  }
0xcc: {  	[sflag:s0] =	ssyncadd.remote.s32 $0x1  }
0xcd: {  	_ =	sfence.sel $0xFFFF  }
0xce: {  	[dreg:$0x0] =	wrdreg $0xFFFFFFFF;
	(pc) =	sbr.abs _section_cstart, $3  }
0xcf: {  	[dreg:$0x1] =	wrdreg $0xFFFFFFFF  }
0xd0: {  	_ =	task.clear_ibuf [dreg:s22], $0x2FFFF;
	_ =	strace $0x9FFFFFFF  }
0xd1: {  	(tm) =	ssettm $0x7FFFFFFF  }
tec
execute0_lowered:
.L_overlay_start_1:
0x0: {  	(tag) =	ssettag $0x1  }
0x1: {  	s0 =	srdreg.scid;
	s3 =	rddreg [dreg:$0x0]  }
0x2: {  	s5 =	rddreg [dreg:$0x1];
	s1 =	stileid.u32;
	s4 =	sand.u32 $0x1, s0  }
0x3: {  	s2 =	simm.s32 $0x0;
	s8 =	simm.s32 $0x2800;
	s6 =	sshll.u32 s4, $0x4  }
0x4: {  	s9 =	simm.s32 $0x0;
	s4 =	ssub.s32 $0x2, s4;
	s6 =	sor.u32 s1, s6  }
0x5: {  	[smem:$0x7FF] =	sst s2;
	s7 =	sshrl.u32 s4, $0x1;
	s6 =	smul.u32 $0x500, s6  }
0x6: {  	s0 =	rddreg [dreg:$0x2];
	_ =	strace $0x80000050;
	s7 =	ssub.s32 s4, s7  }
0x7: {  	s5 =	sadd.s32 s6, s5;
	s3 =	sadd.s32 s3, s6;
	s6 =	smax.u32 s7, $0x1  }
0x8: {  	s7 =	simm.s32 $0x1;
	s4 =	sadd.s32 $0x5C400, s5;
	s5 =	sadd.s32 $0x66400, s5  }
.LBB2_1:
0x9: {  	[tilespmem:s2], [sflag:$0x1] =	stream.linear.gather [hbm4b:s3+s2], $0x2800, $0x38;
	[tilespmem:$0x5000] =	vst v63  }
0xa: {  	_ =	swait.ge [sflag:s7], $0x2800  }
0xb: {  	[sflag:s7] =	ssyncset.done $0x0  }
0xc: {  	[sflag:s7] =	ssyncadd.s32 $0xFFFFD800  }
0xd: {  	[tilespmem:s8], [sflag:$0x1] =	stream.linear.gather [hbm4b:s4+s2], $0x2800, $0x38;
	[tilespmem:$0x5000] =	vst v63  }
0xe: {  	_ =	swait.ge [sflag:s7], $0x2800  }
0xf: {  	[sflag:s7] =	ssyncset.done $0x0  }
0x10: {  	s10 =	simm.s32 $0x0;
	[sflag:s7] =	ssyncadd.s32 $0xFFFFD800  }
0x11: {  	v5 =	vld [tilespmem:s10+$0x0]  }
0x12: {  	v4 =	vld [tilespmem:s10+$0x10]  }
0x13: {  	v3 =	vld [tilespmem:s10+$0x20]  }
0x14: {  	v2 =	vld [tilespmem:s10+$0x30]  }
0x15: {  	v1 =	vld [tilespmem:s10+$0x40]  }
0x16: {  	v0 =	vld [tilespmem:s10+$0x50]  }
0x17: {  	v6 =	vld [tilespmem:s10+$0x2800]  }
0x18: {  	v11 =	vld [tilespmem:s10+$0x2810]  }
0x19: {  	v10 =	vld [tilespmem:s10+$0x2820]  }
0x1a: {  	v9 =	vld [tilespmem:s10+$0x2830]  }
0x1b: {  	v8 =	vld [tilespmem:s10+$0x2840]  }
0x1c: {  	v7 =	vld [tilespmem:s10+$0x2850];
	v6 =	vand.u32 $0xFFFFFFF9, v6  }
0x1d: {  	s11 =	simm.s32 $0x200;
	v11 =	vand.u32 $0xFFFFFFF9, v11;
	vm0 =	veq.s32 v6, $0x0;
	v6 =	vld [tilespmem:s10+$0x2860]  }
.LBB2_2:
0x1e: {  	p0 =	sne.s32 s11, $0x9E00;
	v5 =	vnsel vm0, $0x2710, v5;
	vm0 =	veq.s32 v11, $0x0;
	v10 =	vand.u32 $0xFFFFFFF9, v10;
	v11 =	vld [tilespmem:s10+$0x2870]  }
0x1f: {  	[tilespmem:s10+$0x2800] =	vst v5;
	v4 =	vnsel vm0, $0x2710, v4;
	vm0 =	veq.s32 v10, $0x0;
	v5 =	vand.u32 $0xFFFFFFF9, v9;
	v9 =	vld [tilespmem:s10+$0x60]  }
0x20: {  	s12 =	sshra.s32 s11, $0x2;
	[tilespmem:s10+$0x2810] =	vst v4;
	v3 =	vnsel vm0, $0x2710, v3;
	vm0 =	veq.s32 v5, $0x0;
	v4 =	vand.u32 $0xFFFFFFF9, v8;
	v8 =	vld [tilespmem:s10+$0x70]  }
0x21: {  	v5 =	vld [tilespmem:s12+$0x0];
	[tilespmem:s10+$0x2820] =	vst v3;
	v2 =	vnsel vm0, $0x2710, v2;
	vm0 =	veq.s32 v4, $0x0;
	v3 =	vand.u32 $0xFFFFFFF9, v7  }
0x22: {  	v4 =	vld [tilespmem:s12+$0x10];
	[tilespmem:s10+$0x2830] =	vst v2;
	v1 =	vnsel vm0, $0x2710, v1;
	vm0 =	veq.s32 v3, $0x0;
	v2 =	vand.u32 $0xFFFFFFF9, v6  }
0x23: {  	v3 =	vld [tilespmem:s12+$0x20];
	[tilespmem:s10+$0x2840] =	vst v1;
	v0 =	vnsel vm0, $0x2710, v0;
	vm0 =	veq.s32 v2, $0x0;
	v1 =	vand.u32 $0xFFFFFFF9, v11  }
0x24: {  	v2 =	vld [tilespmem:s12+$0x30];
	[tilespmem:s10+$0x2850] =	vst v0;
	v0 =	vnsel vm0, $0x2710, v9;
	vm0 =	veq.s32 v1, $0x0  }
0x25: {  	v1 =	vld [tilespmem:s12+$0x40];
	[tilespmem:s10+$0x2860] =	vst v0;
	v6 =	vnsel vm0, $0x2710, v8  }
0x26: {  	v0 =	vld [tilespmem:s12+$0x50];
	[tilespmem:s10+$0x2870] =	vst v6;
	s10 =	smov.u32 s12  }
0x27: {  	v6 =	vld [tilespmem:s10+$0x2800]  }
0x28: {  	v11 =	vld [tilespmem:s10+$0x2810]  }
.Ltmp0:
0x29: {  	v10 =	vld [tilespmem:s10+$0x2820];
	(pc) =	sbr.rel @p0 .LBB2_2-.Ltmp0, $4  }
0x2a: {  	v9 =	vld [tilespmem:s10+$0x2830]  }
0x2b: {  	v8 =	vld [tilespmem:s10+$0x2840]  }
0x2c: {  	v6 =	vand.u32 $0xFFFFFFF9, v6;
	v7 =	vld [tilespmem:s10+$0x2850]  }
0x2d: {  	s11 =	sadd.s32 $0x200, s11;
	vm0 =	veq.s32 v6, $0x0;
	v11 =	vand.u32 $0xFFFFFFF9, v11;
	v6 =	vld [tilespmem:s10+$0x2860]  }
0x2e: {  	v5 =	vnsel vm0, $0x2710, v5;
	v12 =	vld [tilespmem:s10+$0x2870];
	vm9 =	veq.s32 v11, $0x0;
	v54 =	vand.u32 $0xFFFFFFF9, v10  }
0x2f: {  	v55 =	vld [tilespmem:s10+$0x60];
	[tilespmem:s10+$0x2800] =	vst v5;
	v4 =	vnsel vm9, $0x2710, v4;
	vm10 =	veq.s32 v54, $0x0;
	v56 =	vand.u32 $0xFFFFFFF9, v9  }
0x30: {  	v58 =	vld [tilespmem:s10+$0x70];
	[tilespmem:s10+$0x2810] =	vst v4;
	v3 =	vnsel vm10, $0x2710, v3;
	vm11 =	veq.s32 v56, $0x0;
	v57 =	vand.u32 $0xFFFFFFF9, v8  }
0x31: {  	[tilespmem:s10+$0x2820] =	vst v3;
	v2 =	vnsel vm11, $0x2710, v2;
	vm12 =	veq.s32 v57, $0x0;
	v59 =	vand.u32 $0xFFFFFFF9, v7  }
0x32: {  	[tilespmem:s10+$0x2830] =	vst v2;
	v1 =	vnsel vm12, $0x2710, v1;
	vm13 =	veq.s32 v59, $0x0;
	v60 =	vand.u32 $0xFFFFFFF9, v6  }
0x33: {  	[tilespmem:s10+$0x2840] =	vst v1;
	v0 =	vnsel vm13, $0x2710, v0;
	vm14 =	veq.s32 v60, $0x0;
	v61 =	vand.u32 $0xFFFFFFF9, v12  }
0x34: {  	s9 =	sadd.s32 $0x1, s9;
	[tilespmem:s10+$0x2850] =	vst v0;
	v62 =	vnsel vm14, $0x2710, v55;
	vm15 =	veq.s32 v61, $0x0  }
0x35: {  	p0 =	sne.s32 s9, s6;
	[tilespmem:s10+$0x2860] =	vst v62;
	v63 =	vnsel vm15, $0x2710, v58  }
.Ltmp1:
0x36: {  	[tilespmem:s10+$0x2870] =	vst v63;
	(pc) =	sbr.rel @p0 .LBB2_1-.Ltmp1, $4  }
0x37: {  	[hbm4b:s5+s2] =	stream.linear.scatter [tilespmem:s8], [sflag:$0x1], $0x2800, $0x38;
	[tilespmem:$0x5000] =	vst v63  }
0x38: {  	_ =	swait.ge [sflag:s7], $0x2800  }
0x39: {  	[sflag:s7] =	ssyncset.done $0x0  }
0x3a: {  	[sflag:s7] =	ssyncadd.s32 $0xFFFFD800  }
0x3b: {  	_ =	sfence.sel $0x180000  }
0x3c: {  	[bflag:$0x0] =	sbarrier.arrive $0xFFFF  }
0x3d: {  	p0 =	sne.s32 s1, $0x0;
	_ =	strace $0x90000050  }
0x3e: {  	s0 =	sadd.s32 @!p0 $0x100000, s0;
	[bflag:$0x2] =	sbarrier.arrive $0xFFFF  }
0x3f: {  	[sflag:s0] =	ssyncadd.tile.s32 @!p0 $0x1;
	_ =	shalt  }
.Lfunc_end2:
_tile_overlayer_lowered:
.L_overlay_start_2:
0x40: {  	(tag) =	ssettag $0x2  }
0x41: {  	s0 =	rddreg [dreg:$0x0];
	s2 =	stileid.u32  }
0x42: {  	s1 =	rddreg [dreg:$0x1];
	p0 =	sne.s32 s2, $0x0  }
0x43: {  	s3 =	rddreg [dreg:$0x2];
	[bflag:$0x3] =	sbarrier.arrive $0xFFFF;
	s2 =	simm.s32 @!p0 $0x1C01  }
0x44: {  	[timem:s3], [sflag:s2] =	dma.local @!p0 [hbm:s0], s1  }
0x45: {  	s0 =	simm.s32 @!p0 $0x1  }
0x46: {  	_ =	swait.ge @!p0 [sflag:s0], s1  }
0x47: {  	s1 =	ssub.s32 @!p0 $0x0, s1;
	[sflag:s0] =	ssyncset.done @!p0 $0x0  }
0x48: {  	[sflag:s0] =	ssyncadd.s32 @!p0 s1  }
0x49: {  	[bflag:$0x3] =	sbarrier.arrive $0xFFFF  }
0x4a: {  	_ =	shalt  }

// kernel: kernel.17.cloned.1.call-start
scs
__scs_entry_jumppad:
0x0: {  	(pc) =	sbr.rel $0x88, $3  }
0x1: {  	(tag) =	ssettag $0x0;
	lr =	simm.s32 $0x1  }
0x2: {  	[smem:$0x3F96] =	sst lr;
	_ =	strace $0xD0000000  }
0x3: {  	_ = 	snop  }
0x4: {  	_ = 	snop  }
0x5: {  	_ = 	snop  }
0x6: {  	_ = 	snop  }
0x7: {  	_ = 	snop  }
__scs_overlays_trampoline_lowered:
0x8: {  	[smem:$0x3FA5] =	sst s0  }
0x9: {  	[smem:$0x3FA6] =	sst s1  }
0xa: {  	[smem:$0x3FA7] =	sst s2  }
0xb: {  	[smem:$0x3FA8] =	sst s3  }
0xc: {  	[smem:$0x3FA9] =	sst s4  }
0xd: {  	[smem:$0x3FAA] =	sst s5  }
0xe: {  	[smem:$0x3FAB] =	sst s6  }
0xf: {  	[smem:$0x3FAC] =	sst s7  }
0x10: {  	[smem:$0x3FAD] =	sst s8  }
0x11: {  	[smem:$0x3FAE] =	sst s9;
	s0 =	simm.s32 @!p0 $0x0  }
0x12: {  	s1 =	sld [smem:$0x3F94];
	s0 =	simm.s32 @p0 $0x1  }
0x13: {  	[smem:$0x3FAF] =	sst s0;
	s0 =	simm.s32 @!p1 $0x0  }
0x14: {  	s2 =	sld [smem:$0x3F93];
	s0 =	simm.s32 @p1 $0x1  }
0x15: {  	[smem:$0x3FB0] =	sst s0;
	s0 =	simm.s32 @!p2 $0x0  }
0x16: {  	s3 =	sld [smem:$0x3FDB];
	s0 =	simm.s32 @p2 $0x1  }
0x17: {  	s4 =	simm.s32 $0x1BF5;
	[smem:$0x3FB2] =	sst s0  }
0x18: {  	s0 =	sld [smem:$0x3F95];
	_ =	swait.ge [sflag:s4], $0x0  }
0x19: {  	s7 =	sld [smem:$0x3F96]  }
0x1a: {  	s8 =	sadd.s32 $0xFFFFE003, lr  }
0x1b: {  	s9 =	sadd.s32 $0xFFFFFEF7, lr;
	s5 =	simm.s32 $0xFFFFFFFF;
	p2 =	slt.u32 s8, $0xFFFFF086  }
0x1c: {  	p1 =	slt.u32 s9, $0xF7A;
	s5 =	simm.s32 @!p2 $0x0  }
0x1d: {  	s5 =	simm.s32 @p1 $0x1;
	p0 =	seq.s32 s7, s2  }
0x1e: {  	s7 =	smul.u32 @!p0 $0xF7A, s2;
	p2 =	seq.s32 @!p0 s5, $0x0  }
0x1f: {  	s9 =	smul.u32 $0xF7A, s1;
	s8 =	simm.s32 @!p0 $0x1BF5;
	p2 =	por !p2, p0  }
0x20: {  	[sflag:s8] =	ssyncset.s32 @!p0 $0xFFFFF086;
	s6 =	sadd.s32 @!p0 s3, s7;
	s7 =	simm.s32 @!p0 $0x108  }
0x21: {  	s3 =	sadd.s32 s3, s9;
	s6 =	sadd.s32 @!p0 $0x88, s6;
	s7 =	simm.s32 @p2 $0x1082  }
0x22: {  	[simem:s7], [sflag:s8] =	dma.local @!p0 [hbm:s6], $0xF7A  }
0x23: {  	s9 =	sor.u32 $0xD0000000, s2;
	s6 =	simm.s32 $0x108;
	_ =	swait.ge @!p0 [sflag:s8], $0x0  }
0x24: {  	s3 =	sadd.s32 $0x88, s3;
	s6 =	simm.s32 @!p1 $0x1082;
	[sflag:s4] =	ssyncset.s32 $0xFFFFF086  }
0x25: {  	[simem:s6], [sflag:s4] =	dma.local [hbm:s3], $0xF7A  }
0x26: {  	[smem:$0x3F96] =	sst s1;
	(tag) =	ssettag s2;
	_ =	strace s9  }
0x27: {  	s1 =	sld [smem:$0x3FA6]  }
0x28: {  	s2 =	sld [smem:$0x3FA7]  }
0x29: {  	s4 =	sld [smem:$0x3FA9]  }
0x2a: {  	p0 =	seq.s32 s5, $0x0;
	s5 =	sld [smem:$0x3FAA]  }
0x2b: {  	s6 =	sld [smem:$0x3FAB]  }
0x2c: {  	s7 =	sld [smem:$0x3FAC]  }
0x2d: {  	s3 =	simm.s32 $0x108;
	s8 =	sld [smem:$0x3FAD]  }
0x2e: {  	s3 =	simm.s32 @!p0 $0x1082;
	s9 =	sld [smem:$0x3FAE]  }
0x2f: {  	lr =	sadd.s32 s0, s3;
	s0 =	sld [smem:$0x3FA5]  }
0x30: {  	s3 =	sld [smem:$0x3FA8]  }
0x31: {  	[smem:$0x3FB1] =	sst s10  }
0x32: {  	s10 =	sld [smem:$0x3FAF];
	_ =	sdelay $0x3  }
0x33: {  	p0 =	seq.s32 s10, $0x1;
	s10 =	sld [smem:$0x3FB1];
	_ =	sdelay $0x3  }
0x34: {  	[smem:$0x3FB1] =	sst s10  }
0x35: {  	s10 =	sld [smem:$0x3FB0];
	_ =	sdelay $0x3  }
0x36: {  	p1 =	seq.s32 s10, $0x1;
	s10 =	sld [smem:$0x3FB1];
	_ =	sdelay $0x3  }
0x37: {  	[smem:$0x3FB1] =	sst s10  }
0x38: {  	s10 =	sld [smem:$0x3FB2]  }
0x39: {  	_ = 	snop;
	(pc) =	sbr.ind lr, $3  }
0x3a: {  	_ = 	snop  }
0x3b: {  	_ = 	snop  }
0x3c: {  	p2 =	seq.s32 s10, $0x1;
	s10 =	sld [smem:$0x3FB1]  }
0x3d: {  	_ =	shalt  }
0x3e: {  	_ =	shalt  }
0x3f: {  	_ =	shalt  }
0x40: {  	_ =	shalt  }
0x41: {  	_ =	shalt  }
0x42: {  	_ =	shalt  }
0x43: {  	_ =	shalt  }
0x44: {  	_ =	shalt  }
0x45: {  	_ =	shalt  }
0x46: {  	_ =	shalt  }
0x47: {  	_ =	shalt  }
0x48: {  	_ =	shalt  }
0x49: {  	_ =	shalt  }
0x4a: {  	_ =	shalt  }
0x4b: {  	_ =	shalt  }
0x4c: {  	_ =	shalt  }
0x4d: {  	_ =	shalt  }
0x4e: {  	_ =	shalt  }
0x4f: {  	_ =	shalt  }
0x50: {  	_ =	shalt  }
0x51: {  	_ =	shalt  }
0x52: {  	_ =	shalt  }
0x53: {  	_ =	shalt  }
0x54: {  	_ =	shalt  }
0x55: {  	_ =	shalt  }
0x56: {  	_ =	shalt  }
0x57: {  	_ =	shalt  }
0x58: {  	_ =	shalt  }
0x59: {  	_ =	shalt  }
0x5a: {  	_ =	shalt  }
0x5b: {  	_ =	shalt  }
0x5c: {  	_ =	shalt  }
0x5d: {  	_ =	shalt  }
0x5e: {  	_ =	shalt  }
0x5f: {  	_ =	shalt  }
0x60: {  	_ =	shalt  }
0x61: {  	_ =	shalt  }
0x62: {  	_ =	shalt  }
0x63: {  	_ =	shalt  }
0x64: {  	_ =	shalt  }
0x65: {  	_ =	shalt  }
0x66: {  	_ =	shalt  }
0x67: {  	_ =	shalt  }
0x68: {  	_ =	shalt  }
0x69: {  	_ =	shalt  }
0x6a: {  	_ =	shalt  }
0x6b: {  	_ =	shalt  }
0x6c: {  	_ =	shalt  }
0x6d: {  	_ =	shalt  }
0x6e: {  	_ =	shalt  }
0x6f: {  	_ =	shalt  }
0x70: {  	_ =	shalt  }
0x71: {  	_ =	shalt  }
0x72: {  	_ =	shalt  }
0x73: {  	_ =	shalt  }
0x74: {  	_ =	shalt  }
0x75: {  	_ =	shalt  }
0x76: {  	_ =	shalt  }
0x77: {  	_ =	shalt  }
0x78: {  	_ =	shalt  }
0x79: {  	_ =	shalt  }
0x7a: {  	_ =	shalt  }
0x7b: {  	_ =	shalt  }
0x7c: {  	_ =	shalt  }
0x7d: {  	_ =	shalt  }
0x7e: {  	_ =	shalt  }
0x7f: {  	_ =	shalt  }
0x80: {  	_ =	shalt  }
0x81: {  	_ =	shalt  }
0x82: {  	_ =	shalt  }
0x83: {  	_ =	shalt  }
0x84: {  	_ =	shalt  }
0x85: {  	_ =	shalt  }
0x86: {  	_ =	shalt  }
0x87: {  	_ =	shalt  }
.Lfunc_end0:
.L_simem_size_0:
called_computation.2_lowered:
.L_overlay_start_0:
0x88: {  	s2 =	sld [smem:$0x3FD9]  }
0x89: {  	s3 =	sld [smem:$0x3FFE];
	_ =	sdelay $0x1  }
0x8a: {  	s1 =	srdreg.scid  }
0x8b: {  	s0 =	sand.u32 $0x1, s1  }
0x8c: {  	s17 =	sshll.u32 s0, $0xA;
	s2 =	sadd.s32 s3, s2  }
0x8d: {  	s2 =	sadd.s32 s2, s17  }
0x8e: {  	[smem:$0x3FBD] =	sst s2  }
0x8f: {  	_ = 	snop  }
0x90: {  	s2 =	sld [smem:$0x3FD0];
	(tm) =	ssettm $0x1  }
0x91: {  	s18 =	sld [smem:$0x3FFB];
	_ =	sdelay $0x3  }
0x92: {  	_ =	strace s18  }
0x93: {  	s3 =	sld [smem:$0x3FFC];
	_ =	sdelay $0x3  }
0x94: {  	_ =	strace s3  }
0x95: {  	s3 =	sld [smem:$0x3FFD];
	_ =	sdelay $0x3  }
0x96: {  	_ =	strace s3  }
0x97: {  	_ =	strace $0x8FFFFFFF  }
0x98: {  	s19 =	sld [smem:$0x3FDB];
	_ =	sdelay $0x1  }
0x99: {  	s4 =	simm.s32 $_scs_section_size  }
0x9a: {  	s5 =	simm.s32 $_size__tile_overlayer_lowered;
	s6 =	simm.s32 $_tile_overlayer_lowered  }
0x9b: {  	s22 =	simm.s32 $0x1BFF;
	s21 =	sshll.u32 s6, $0x1;
	s3 =	sadd.s32 s4, s19  }
0x9c: {  	s7 =	simm.s32 $0x0;
	s20 =	sshll.u32 s5, $0x1;
	s5 =	sadd.s32 s21, s3  }
0x9d: {  	[timem:s7], [sflag:s22] =	dma.local [hbm:s5], s20  }
0x9e: {  	_ =	swait.ge [sflag:s22], s20  }
0x9f: {  	s4 =	ssub.s32 $0x0, s20;
	[sflag:s22] =	ssyncset.done $0x0  }
0xa0: {  	[sflag:s22] =	ssyncadd.s32 s4;
	_ =	sdelay $0x1  }
0xa1: {  	s23 =	simm.s32 $0x1B8B  }
0xa2: {  	_ =	swait.ge [sflag:s23], $0x1  }
0xa3: {  	[sflag:s23] =	ssyncset.done $0x0  }
0xa4: {  	s25 =	simm.s32 $0x1B8E;
	s24 =	sld [smem:$0x3FFE];
	[sflag:s23] =	ssyncadd.s32 $0xFFFFFFFF  }
0xa5: {  	s26 =	simm.s32 $execute0_lowered;
	[smem:$0x3FD2] =	sst s25  }
0xa6: {  	s5 =	sshll.u32 s26, $0x1;
	_ =	strace $0x80000049;
	[dreg:$0x1] =	wrdreg $0xFFFFFFFF  }
0xa7: {  	s28 =	simm.s32 $_size_execute0_lowered;
	s3 =	sadd.s32 s3, s5;
	[dreg:$0x0] =	wrdreg $0x0  }
0xa8: {  	s5 =	sshll.u32 s28, $0x1;
	[dreg:$0x2] =	wrdreg s3  }
0xa9: {  	[dreg:$0x3] =	wrdreg s5  }
0xaa: {  	[dreg:$0x4] =	wrdreg $0xC0  }
0xab: {  	_ =	task [dreg:s7], $0x5FFFF  }
0xac: {  	[dreg:$0x1] =	wrdreg $0xFFFFFFFF  }
0xad: {  	[dreg:$0x0] =	wrdreg $0x60  }
0xae: {  	[dreg:$0x2] =	wrdreg s24  }
0xaf: {  	[dreg:$0x3] =	wrdreg s2  }
0xb0: {  	[dreg:$0x4] =	wrdreg $0xA8000  }
0xb1: {  	[dreg:$0x5] =	wrdreg $0x9  }
0xb2: {  	_ =	task.clear_ibuf [dreg:s7], $0x6FFFF;
	_ =	strace $0x90000049  }
0xb3: {  	s29 =	simm.s32 $0x9;
	_ =	strace $0x8000004B  }
0xb4: {  	_ =	swait.ge [sflag:s29], $0x1  }
0xb5: {  	[sflag:s29] =	ssyncadd.s32 $0xFFFFFFFF  }
0xb6: {  	_ =	strace $0x9000004B  }
0xb7: {  	_ =	sfence  }
0xb8: {  	s30 =	sld [smem:$0x0];
	_ =	sdelay $0x2  }
0xb9: {  	s31 =	sshll.u32 s1, $0xD;
	s1 =	sshrl.u32 s1, $0x2  }
0xba: {  	s3 =	sand.u32 $0x4000, s31;
	s1 =	sadd.s32 s1, s30  }
0xbb: {  	s0 =	sor.u32 s3, s0;
	s1 =	sshll.u32 s1, $0x11  }
0xbc: {  	s0 =	sor.u32 s1, s0  }
0xbd: {  	s0 =	sadd.s32 $0x8F2B, s0  }
0xbe: {  	[sflag:s0] =	ssyncadd.remote.s32 $0x1  }
0xbf: {  	_ =	sfence.sel $0xFFFF  }
0xc0: {  	[dreg:$0x0] =	wrdreg $0xFFFFFFFF;
	(pc) =	sbr.abs _section_cstart, $3  }
0xc1: {  	[dreg:$0x1] =	wrdreg $0xFFFFFFFF  }
0xc2: {  	_ =	task.clear_ibuf [dreg:s7], $0x2FFFF;
	_ =	strace $0x9FFFFFFF  }
0xc3: {  	(tm) =	ssettm $0x7FFFFFFF  }
tec
execute0_lowered:
.L_overlay_start_1:
0x0: {  	(tag) =	ssettag $0x1  }
0x1: {  	s5 =	rddreg [dreg:$0x0]  }
0x2: {  	s10 =	rddreg [dreg:$0x1]  }
0x3: {  	s2 =	rddreg [dreg:$0x2]  }
0x4: {  	s0 =	rddreg [dreg:$0x3]  }
0x5: {  	s1 =	stileid.u32;
	s4 =	srdreg.scid  }
0x6: {  	s3 =	simm.s32 $0x0;
	s16 =	simm.s32 $0x80;
	s17 =	simm.s32 $0x2800  }
0x7: {  	s18 =	simm.s32 $0x1;
	s19 =	simm.s32 $0x6800;
	s20 =	simm.s32 $0x2  }
0x8: {  	s21 =	simm.s32 $0x1480;
	s22 =	simm.s32 $0x3;
	s6 =	smul.u32 $0x13C00, s1  }
0x9: {  	s7 =	sand.u32 $0x1, s4;
	[smem:$0x7FF] =	sst s3;
	s4 =	sadd.s32 $0xD3400, s5  }
0xa: {  	s11 =	sadd.s32 $0x3400, s5;
	s12 =	smul.u32 $0x4F000, s1;
	s30 =	sshll.u32 s1, $0x6  }
0xb: {  	s8 =	smul.u32 $0x13C000, s7;
	_ =	strace $0x8000004A;
	s23 =	sshll.u32 s7, $0x4  }
0xc: {  	s24 =	ssub.s32 $0x2, s7;
	s9 =	sshrl.u32 s6, $0x3;
	s25 =	sor.u32 s1, s23  }
0xd: {  	s7 =	sshrl.u32 s24, $0x1;
	s26 =	sshrl.u32 s12, $0x2;
	s23 =	simm.s32 $0x100  }
0xe: {  	s9 =	sadd.s32 s9, s5;
	s6 =	sadd.s32 s6, s8;
	s28 =	smul.u32 $0x2800, s25  }
0xf: {  	s14 =	ssub.s32 s24, s7;
	s15 =	sadd.s32 s26, s2;
	s29 =	smul.u32 $0x500, s25  }
0x10: {  	s24 =	simm.s32 $0x4;
	s25 =	simm.s32 $0x0;
	s6 =	sshrl.u32 s6, $0x3  }
.Ltmp0:
0x11: {  	s13 =	sadd.s32 s6, s5;
	s31 =	sshrl.u32 s28, $0x3;
	(pc) =	sbr.rel .LBB2_1-.Ltmp0, $4  }
0x12: {  	s5 =	sadd.s32 $0xD400, s9;
	s6 =	sor.u32 $0x1C05, s30;
	s12 =	sadd.s32 $0x280, s31  }
0x13: {  	s7 =	sadd.s32 s11, s29;
	s8 =	sadd.s32 s10, s29;
	s9 =	sadd.s32 s11, s12  }
0x14: {  	s10 =	sadd.s32 s10, s12;
	s11 =	sadd.s32 $0xFAC00, s13;
	s12 =	smax.u32 s14, $0x1  }
0x15: {  	s13 =	sshrl.u32 s15, $0x3;
	s14 =	simm.s32 $0x5;
	s15 =	simm.s32 $0x1400  }
.LBB2_7:
0x16: {  	_ =	swait.ge [sflag:s24], $0x4000  }
0x17: {  	s25 =	sadd.s32 $0x1, s25;
	[sflag:s24] =	ssyncset.done $0x0  }
0x18: {  	p0 =	sne.s32 s25, s12;
	[sflag:s24] =	ssyncadd.s32 $0xFFFFC000  }
.Ltmp1:
0x19: {  	[bflag:$0x0] =	sbarrier.arrive $0xFFFF;
	(pc) =	sbr.rel @!p0 .LBB2_8-.Ltmp1, $4  }
0x1a: {  	[hbm:s11], [sflag:s6] =	dma.local [spmem:s13], $0x2780  }
0x1b: {  	_ =	swait.ge [sflag:s14], $0x2780  }
0x1c: {  	[sflag:s14] =	ssyncset.done $0x0  }
0x1d: {  	[sflag:s14] =	ssyncadd.s32 $0xFFFFD880  }
.LBB2_1:
0x1e: {  	[spmem:s13], [sflag:s6] =	dma.local [hbm:s5], $0x2780  }
0x1f: {  	_ =	swait.ge [sflag:s14], $0x2780  }
0x20: {  	[sflag:s14] =	ssyncset.done $0x0  }
0x21: {  	[sflag:s14] =	ssyncadd.s32 $0xFFFFD880  }
0x22: {  	[bflag:$0x0] =	sbarrier.arrive $0xFFFF  }
0x23: {  	[tilespmem:s3], [sflag:$0x5] =	stream.linear.gather [hbm4b:s7+s3], $0x1400, $0x38;
	[tilespmem:$0x1E400] =	vst v63  }
0x24: {  	_ =	swait.ge [sflag:s14], $0x1400  }
0x25: {  	[sflag:s14] =	ssyncset.done $0x0  }
0x26: {  	[sflag:s14] =	ssyncadd.s32 $0xFFFFEC00  }
0x27: {  	[tilespmem:s15], [sflag:$0x5] =	stream.linear.gather [hbm4b:s8+s3], $0x1400, $0x38;
	[tilespmem:$0x1E400] =	vst v63  }
0x28: {  	_ =	swait.ge [sflag:s14], $0x1400  }
0x29: {  	[sflag:s14] =	ssyncset.done $0x0  }
0x2a: {  	[sflag:s14] =	ssyncadd.s32 $0xFFFFEC00  }
0x2b: {  	[tilespmem:s17], [sflag:$0x1] =	stream.indirect.gather [hbm4b:s4+s16], $0x80, s3, s16, $0xb8;
	[tilespmem:$0x1E400] =	vst v63  }
0x2c: {  	_ =	swait.ge [sflag:s18], $0x4000  }
0x2d: {  	[sflag:s18] =	ssyncset.done $0x0  }
0x2e: {  	[sflag:s18] =	ssyncadd.s32 $0xFFFFC000  }
0x2f: {  	[spmem:s2] =	stream.indirect.scatter.add.f32 [tilespmem:s17], [sflag:$0x3], $0x80, s15, s16, $0xb8;
	[tilespmem:$0x1E400] =	vst v63  }
0x30: {  	_ = 	snop  }
0x31: {  	[tilespmem:s19], [sflag:$0x2] =	stream.indirect.gather [hbm4b:s4+s16], $0x80, s16, s16, $0xb8;
	[tilespmem:$0x1E400] =	vst v63  }
0x32: {  	_ =	swait.ge [sflag:s20], $0x4000  }
0x33: {  	[sflag:s20] =	ssyncset.done $0x0  }
0x34: {  	[sflag:s20] =	ssyncadd.s32 $0xFFFFC000  }
0x35: {  	[spmem:s2] =	stream.indirect.scatter.add.f32 [tilespmem:s19], [sflag:$0x4], $0x80, s21, s16, $0xb8;
	[tilespmem:$0x1E400] =	vst v63  }
0x36: {  	_ =	swait.ge [sflag:s22], $0x4000  }
0x37: {  	[sflag:s22] =	ssyncset.done $0x0  }
0x38: {  	s26 =	simm.s32 $0xFFFFB800;
	[sflag:s22] =	ssyncadd.s32 $0xFFFFC000  }
0x39: {  	[tilespmem:s17], [sflag:$0x1] =	stream.indirect.gather [hbm4b:s4+s16], $0x80, s23, s16, $0xb8;
	[tilespmem:$0x1E400] =	vst v63  }
.LBB2_2:
0x3a: {  	_ =	swait.ge [sflag:s18], $0x4000  }
0x3b: {  	s28 =	sshra.s32 s26, $0x2;
	[sflag:s18] =	ssyncset.done $0x0  }
0x3c: {  	s29 =	sadd.s32 $0x2700, s28;
	[sflag:s18] =	ssyncadd.s32 $0xFFFFC000  }
0x3d: {  	[spmem:s2] =	stream.indirect.scatter.add.f32 [tilespmem:s17], [sflag:$0x3], $0x80, s29, s16, $0xb8;
	[tilespmem:$0x1E400] =	vst v63  }
0x3e: {  	_ =	swait.ge [sflag:s24], $0x4000  }
0x3f: {  	[sflag:s24] =	ssyncset.done $0x0  }
0x40: {  	s30 =	sadd.s32 $0x1380, s28;
	[sflag:s24] =	ssyncadd.s32 $0xFFFFC000  }
0x41: {  	[tilespmem:s19], [sflag:$0x2] =	stream.indirect.gather [hbm4b:s4+s16], $0x80, s30, s16, $0xb8;
	[tilespmem:$0x1E400] =	vst v63  }
0x42: {  	_ =	swait.ge [sflag:s20], $0x4000  }
0x43: {  	p0 =	seq.s32 s26, $0x0;
	[sflag:s20] =	ssyncset.done $0x0  }
.Ltmp2:
0x44: {  	s31 =	sadd.s32 $0x2780, s28;
	[sflag:s20] =	ssyncadd.s32 $0xFFFFC000;
	(pc) =	sbr.rel @p0 .LBB2_4-.Ltmp2, $4  }
0x45: {  	[spmem:s2] =	stream.indirect.scatter.add.f32 [tilespmem:s19], [sflag:$0x4], $0x80, s31, s16, $0xb8;
	[tilespmem:$0x1E400] =	vst v63  }
0x46: {  	_ =	swait.ge [sflag:s22], $0x4000  }
0x47: {  	[sflag:s22] =	ssyncset.done $0x0  }
0x48: {  	[sflag:s22] =	ssyncadd.s32 $0xFFFFC000  }
.Ltmp3:
0x49: {  	(pc) =	sbr.rel .LBB2_2-.Ltmp3, $3  }
0x4a: {  	_ =	sdelay $0x1  }
0x4b: {  	s28 =	sadd.s32 $0x1400, s28;
	s26 =	sadd.s32 $0x400, s26  }
0x4c: {  	[tilespmem:s17], [sflag:$0x1] =	stream.indirect.gather [hbm4b:s4+s16], $0x80, s28, s16, $0xb8;
	[tilespmem:$0x1E400] =	vst v63  }
.LBB2_4:
0x4d: {  	_ =	swait.ge [sflag:s24], $0x4000  }
0x4e: {  	[sflag:s24] =	ssyncset.done $0x0  }
0x4f: {  	[sflag:s24] =	ssyncadd.s32 $0xFFFFC000  }
0x50: {  	[tilespmem:s3], [sflag:$0x5] =	stream.linear.gather [hbm4b:s9+s3], $0x1400, $0x38;
	[tilespmem:$0x1E400] =	vst v63  }
0x51: {  	_ =	swait.ge [sflag:s14], $0x1400  }
0x52: {  	[sflag:s14] =	ssyncset.done $0x0  }
0x53: {  	[sflag:s14] =	ssyncadd.s32 $0xFFFFEC00  }
0x54: {  	[tilespmem:s15], [sflag:$0x5] =	stream.linear.gather [hbm4b:s10+s3], $0x1400, $0x38;
	[tilespmem:$0x1E400] =	vst v63  }
0x55: {  	_ =	swait.ge [sflag:s14], $0x1400  }
0x56: {  	[sflag:s14] =	ssyncset.done $0x0  }
0x57: {  	[sflag:s14] =	ssyncadd.s32 $0xFFFFEC00  }
0x58: {  	[tilespmem:s17], [sflag:$0x1] =	stream.indirect.gather [hbm4b:s4+s16], $0x80, s3, s16, $0xb8;
	[tilespmem:$0x1E400] =	vst v63  }
0x59: {  	_ =	swait.ge [sflag:s18], $0x4000  }
0x5a: {  	[sflag:s18] =	ssyncset.done $0x0  }
0x5b: {  	[sflag:s18] =	ssyncadd.s32 $0xFFFFC000  }
0x5c: {  	[spmem:s2] =	stream.indirect.scatter.add.f32 [tilespmem:s17], [sflag:$0x3], $0x80, s15, s16, $0xb8;
	[tilespmem:$0x1E400] =	vst v63  }
0x5d: {  	_ = 	snop  }
0x5e: {  	[tilespmem:s19], [sflag:$0x2] =	stream.indirect.gather [hbm4b:s4+s16], $0x80, s16, s16, $0xb8;
	[tilespmem:$0x1E400] =	vst v63  }
0x5f: {  	_ =	swait.ge [sflag:s20], $0x4000  }
0x60: {  	[sflag:s20] =	ssyncset.done $0x0  }
0x61: {  	[sflag:s20] =	ssyncadd.s32 $0xFFFFC000  }
0x62: {  	[spmem:s2] =	stream.indirect.scatter.add.f32 [tilespmem:s19], [sflag:$0x4], $0x80, s21, s16, $0xb8;
	[tilespmem:$0x1E400] =	vst v63  }
0x63: {  	_ =	swait.ge [sflag:s22], $0x4000  }
0x64: {  	[sflag:s22] =	ssyncset.done $0x0  }
0x65: {  	s26 =	simm.s32 $0xFFFFB800;
	[sflag:s22] =	ssyncadd.s32 $0xFFFFC000  }
0x66: {  	[tilespmem:s17], [sflag:$0x1] =	stream.indirect.gather [hbm4b:s4+s16], $0x80, s23, s16, $0xb8;
	[tilespmem:$0x1E400] =	vst v63  }
.LBB2_5:
0x67: {  	_ =	swait.ge [sflag:s18], $0x4000  }
0x68: {  	s28 =	sshra.s32 s26, $0x2;
	[sflag:s18] =	ssyncset.done $0x0  }
0x69: {  	s29 =	sadd.s32 $0x2700, s28;
	[sflag:s18] =	ssyncadd.s32 $0xFFFFC000  }
0x6a: {  	[spmem:s2] =	stream.indirect.scatter.add.f32 [tilespmem:s17], [sflag:$0x3], $0x80, s29, s16, $0xb8;
	[tilespmem:$0x1E400] =	vst v63  }
0x6b: {  	_ =	swait.ge [sflag:s24], $0x4000  }
0x6c: {  	[sflag:s24] =	ssyncset.done $0x0  }
0x6d: {  	s30 =	sadd.s32 $0x1380, s28;
	[sflag:s24] =	ssyncadd.s32 $0xFFFFC000  }
0x6e: {  	[tilespmem:s19], [sflag:$0x2] =	stream.indirect.gather [hbm4b:s4+s16], $0x80, s30, s16, $0xb8;
	[tilespmem:$0x1E400] =	vst v63  }
0x6f: {  	_ =	swait.ge [sflag:s20], $0x4000  }
0x70: {  	p0 =	seq.s32 s26, $0x0;
	[sflag:s20] =	ssyncset.done $0x0  }
.Ltmp4:
0x71: {  	s31 =	sadd.s32 $0x2780, s28;
	[sflag:s20] =	ssyncadd.s32 $0xFFFFC000;
	(pc) =	sbr.rel @p0 .LBB2_7-.Ltmp4, $4  }
0x72: {  	[spmem:s2] =	stream.indirect.scatter.add.f32 [tilespmem:s19], [sflag:$0x4], $0x80, s31, s16, $0xb8;
	[tilespmem:$0x1E400] =	vst v63  }
0x73: {  	_ =	swait.ge [sflag:s22], $0x4000  }
0x74: {  	[sflag:s22] =	ssyncset.done $0x0  }
0x75: {  	[sflag:s22] =	ssyncadd.s32 $0xFFFFC000  }
.Ltmp5:
0x76: {  	(pc) =	sbr.rel .LBB2_5-.Ltmp5, $3  }
0x77: {  	_ =	sdelay $0x1  }
0x78: {  	s28 =	sadd.s32 $0x1400, s28;
	s26 =	sadd.s32 $0x400, s26  }
0x79: {  	[tilespmem:s17], [sflag:$0x1] =	stream.indirect.gather [hbm4b:s4+s16], $0x80, s28, s16, $0xb8;
	[tilespmem:$0x1E400] =	vst v63  }
.LBB2_8:
0x7a: {  	_ =	sfence.sel $0x180000  }
0x7b: {  	[bflag:$0x0] =	sbarrier.arrive $0xFFFF  }
0x7c: {  	p0 =	sne.s32 s1, $0x0;
	_ =	strace $0x9000004A  }
0x7d: {  	s0 =	sadd.s32 @!p0 $0x100000, s0;
	[bflag:$0x2] =	sbarrier.arrive $0xFFFF  }
0x7e: {  	[sflag:s0] =	ssyncadd.tile.s32 @!p0 $0x1;
	_ =	shalt  }
.Lfunc_end2:
_tile_overlayer_lowered:
.L_overlay_start_2:
0x7f: {  	(tag) =	ssettag $0x2  }
0x80: {  	s0 =	rddreg [dreg:$0x0];
	s2 =	stileid.u32  }
0x81: {  	s1 =	rddreg [dreg:$0x1];
	p0 =	sne.s32 s2, $0x0  }
0x82: {  	s3 =	rddreg [dreg:$0x2];
	[bflag:$0x3] =	sbarrier.arrive $0xFFFF;
	s2 =	simm.s32 @!p0 $0x1C05  }
0x83: {  	[timem:s3], [sflag:s2] =	dma.local @!p0 [hbm:s0], s1  }
0x84: {  	s0 =	simm.s32 @!p0 $0x5  }
0x85: {  	_ =	swait.ge @!p0 [sflag:s0], s1  }
0x86: {  	s1 =	ssub.s32 @!p0 $0x0, s1;
	[sflag:s0] =	ssyncset.done @!p0 $0x0  }
0x87: {  	[sflag:s0] =	ssyncadd.s32 @!p0 s1  }
0x88: {  	[bflag:$0x3] =	sbarrier.arrive $0xFFFF  }
0x89: {  	_ =	shalt  }

// kernel: kernel.20.cloned.1.call-start
scs
__scs_entry_jumppad:
0x0: {  	(pc) =	sbr.rel $0x88, $3  }
0x1: {  	(tag) =	ssettag $0x0;
	lr =	simm.s32 $0x1  }
0x2: {  	[smem:$0x3F96] =	sst lr;
	_ =	strace $0xD0000000  }
0x3: {  	_ = 	snop  }
0x4: {  	_ = 	snop  }
0x5: {  	_ = 	snop  }
0x6: {  	_ = 	snop  }
0x7: {  	_ = 	snop  }
__scs_overlays_trampoline_lowered:
0x8: {  	[smem:$0x3FA5] =	sst s0  }
0x9: {  	[smem:$0x3FA6] =	sst s1  }
0xa: {  	[smem:$0x3FA7] =	sst s2  }
0xb: {  	[smem:$0x3FA8] =	sst s3  }
0xc: {  	[smem:$0x3FA9] =	sst s4  }
0xd: {  	[smem:$0x3FAA] =	sst s5  }
0xe: {  	[smem:$0x3FAB] =	sst s6  }
0xf: {  	[smem:$0x3FAC] =	sst s7  }
0x10: {  	[smem:$0x3FAD] =	sst s8  }
0x11: {  	[smem:$0x3FAE] =	sst s9;
	s0 =	simm.s32 @!p0 $0x0  }
0x12: {  	s1 =	sld [smem:$0x3F94];
	s0 =	simm.s32 @p0 $0x1  }
0x13: {  	[smem:$0x3FAF] =	sst s0;
	s0 =	simm.s32 @!p1 $0x0  }
0x14: {  	s2 =	sld [smem:$0x3F93];
	s0 =	simm.s32 @p1 $0x1  }
0x15: {  	[smem:$0x3FB0] =	sst s0;
	s0 =	simm.s32 @!p2 $0x0  }
0x16: {  	s3 =	sld [smem:$0x3FDB];
	s0 =	simm.s32 @p2 $0x1  }
0x17: {  	s4 =	simm.s32 $0x1BF5;
	[smem:$0x3FB2] =	sst s0  }
0x18: {  	s0 =	sld [smem:$0x3F95];
	_ =	swait.ge [sflag:s4], $0x0  }
0x19: {  	s7 =	sld [smem:$0x3F96]  }
0x1a: {  	s8 =	sadd.s32 $0xFFFFE003, lr  }
0x1b: {  	s9 =	sadd.s32 $0xFFFFFEF7, lr;
	s5 =	simm.s32 $0xFFFFFFFF;
	p2 =	slt.u32 s8, $0xFFFFF086  }
0x1c: {  	p1 =	slt.u32 s9, $0xF7A;
	s5 =	simm.s32 @!p2 $0x0  }
0x1d: {  	s5 =	simm.s32 @p1 $0x1;
	p0 =	seq.s32 s7, s2  }
0x1e: {  	s7 =	smul.u32 @!p0 $0xF7A, s2;
	p2 =	seq.s32 @!p0 s5, $0x0  }
0x1f: {  	s9 =	smul.u32 $0xF7A, s1;
	s8 =	simm.s32 @!p0 $0x1BF5;
	p2 =	por !p2, p0  }
0x20: {  	[sflag:s8] =	ssyncset.s32 @!p0 $0xFFFFF086;
	s6 =	sadd.s32 @!p0 s3, s7;
	s7 =	simm.s32 @!p0 $0x108  }
0x21: {  	s3 =	sadd.s32 s3, s9;
	s6 =	sadd.s32 @!p0 $0x88, s6;
	s7 =	simm.s32 @p2 $0x1082  }
0x22: {  	[simem:s7], [sflag:s8] =	dma.local @!p0 [hbm:s6], $0xF7A  }
0x23: {  	s9 =	sor.u32 $0xD0000000, s2;
	s6 =	simm.s32 $0x108;
	_ =	swait.ge @!p0 [sflag:s8], $0x0  }
0x24: {  	s3 =	sadd.s32 $0x88, s3;
	s6 =	simm.s32 @!p1 $0x1082;
	[sflag:s4] =	ssyncset.s32 $0xFFFFF086  }
0x25: {  	[simem:s6], [sflag:s4] =	dma.local [hbm:s3], $0xF7A  }
0x26: {  	[smem:$0x3F96] =	sst s1;
	(tag) =	ssettag s2;
	_ =	strace s9  }
0x27: {  	s1 =	sld [smem:$0x3FA6]  }
0x28: {  	s2 =	sld [smem:$0x3FA7]  }
0x29: {  	s4 =	sld [smem:$0x3FA9]  }
0x2a: {  	p0 =	seq.s32 s5, $0x0;
	s5 =	sld [smem:$0x3FAA]  }
0x2b: {  	s6 =	sld [smem:$0x3FAB]  }
0x2c: {  	s7 =	sld [smem:$0x3FAC]  }
0x2d: {  	s3 =	simm.s32 $0x108;
	s8 =	sld [smem:$0x3FAD]  }
0x2e: {  	s3 =	simm.s32 @!p0 $0x1082;
	s9 =	sld [smem:$0x3FAE]  }
0x2f: {  	lr =	sadd.s32 s0, s3;
	s0 =	sld [smem:$0x3FA5]  }
0x30: {  	s3 =	sld [smem:$0x3FA8]  }
0x31: {  	[smem:$0x3FB1] =	sst s10  }
0x32: {  	s10 =	sld [smem:$0x3FAF];
	_ =	sdelay $0x3  }
0x33: {  	p0 =	seq.s32 s10, $0x1;
	s10 =	sld [smem:$0x3FB1];
	_ =	sdelay $0x3  }
0x34: {  	[smem:$0x3FB1] =	sst s10  }
0x35: {  	s10 =	sld [smem:$0x3FB0];
	_ =	sdelay $0x3  }
0x36: {  	p1 =	seq.s32 s10, $0x1;
	s10 =	sld [smem:$0x3FB1];
	_ =	sdelay $0x3  }
0x37: {  	[smem:$0x3FB1] =	sst s10  }
0x38: {  	s10 =	sld [smem:$0x3FB2]  }
0x39: {  	_ = 	snop;
	(pc) =	sbr.ind lr, $3  }
0x3a: {  	_ = 	snop  }
0x3b: {  	_ = 	snop  }
0x3c: {  	p2 =	seq.s32 s10, $0x1;
	s10 =	sld [smem:$0x3FB1]  }
0x3d: {  	_ =	shalt  }
0x3e: {  	_ =	shalt  }
0x3f: {  	_ =	shalt  }
0x40: {  	_ =	shalt  }
0x41: {  	_ =	shalt  }
0x42: {  	_ =	shalt  }
0x43: {  	_ =	shalt  }
0x44: {  	_ =	shalt  }
0x45: {  	_ =	shalt  }
0x46: {  	_ =	shalt  }
0x47: {  	_ =	shalt  }
0x48: {  	_ =	shalt  }
0x49: {  	_ =	shalt  }
0x4a: {  	_ =	shalt  }
0x4b: {  	_ =	shalt  }
0x4c: {  	_ =	shalt  }
0x4d: {  	_ =	shalt  }
0x4e: {  	_ =	shalt  }
0x4f: {  	_ =	shalt  }
0x50: {  	_ =	shalt  }
0x51: {  	_ =	shalt  }
0x52: {  	_ =	shalt  }
0x53: {  	_ =	shalt  }
0x54: {  	_ =	shalt  }
0x55: {  	_ =	shalt  }
0x56: {  	_ =	shalt  }
0x57: {  	_ =	shalt  }
0x58: {  	_ =	shalt  }
0x59: {  	_ =	shalt  }
0x5a: {  	_ =	shalt  }
0x5b: {  	_ =	shalt  }
0x5c: {  	_ =	shalt  }
0x5d: {  	_ =	shalt  }
0x5e: {  	_ =	shalt  }
0x5f: {  	_ =	shalt  }
0x60: {  	_ =	shalt  }
0x61: {  	_ =	shalt  }
0x62: {  	_ =	shalt  }
0x63: {  	_ =	shalt  }
0x64: {  	_ =	shalt  }
0x65: {  	_ =	shalt  }
0x66: {  	_ =	shalt  }
0x67: {  	_ =	shalt  }
0x68: {  	_ =	shalt  }
0x69: {  	_ =	shalt  }
0x6a: {  	_ =	shalt  }
0x6b: {  	_ =	shalt  }
0x6c: {  	_ =	shalt  }
0x6d: {  	_ =	shalt  }
0x6e: {  	_ =	shalt  }
0x6f: {  	_ =	shalt  }
0x70: {  	_ =	shalt  }
0x71: {  	_ =	shalt  }
0x72: {  	_ =	shalt  }
0x73: {  	_ =	shalt  }
0x74: {  	_ =	shalt  }
0x75: {  	_ =	shalt  }
0x76: {  	_ =	shalt  }
0x77: {  	_ =	shalt  }
0x78: {  	_ =	shalt  }
0x79: {  	_ =	shalt  }
0x7a: {  	_ =	shalt  }
0x7b: {  	_ =	shalt  }
0x7c: {  	_ =	shalt  }
0x7d: {  	_ =	shalt  }
0x7e: {  	_ =	shalt  }
0x7f: {  	_ =	shalt  }
0x80: {  	_ =	shalt  }
0x81: {  	_ =	shalt  }
0x82: {  	_ =	shalt  }
0x83: {  	_ =	shalt  }
0x84: {  	_ =	shalt  }
0x85: {  	_ =	shalt  }
0x86: {  	_ =	shalt  }
0x87: {  	_ =	shalt  }
.Lfunc_end0:
.L_simem_size_0:
called_computation.3_lowered:
.L_overlay_start_0:
0x88: {  	s2 =	sld [smem:$0x3FD9]  }
0x89: {  	s3 =	sld [smem:$0x3FFE];
	_ =	sdelay $0x1  }
0x8a: {  	s1 =	srdreg.scid  }
0x8b: {  	s0 =	sand.u32 $0x1, s1  }
0x8c: {  	s17 =	sshll.u32 s0, $0xA;
	s2 =	sadd.s32 s3, s2  }
0x8d: {  	s2 =	sadd.s32 s2, s17  }
0x8e: {  	[smem:$0x3FBD] =	sst s2  }
0x8f: {  	_ = 	snop  }
0x90: {  	s2 =	sld [smem:$0x3FD0];
	(tm) =	ssettm $0x1  }
0x91: {  	s18 =	sld [smem:$0x3FFB];
	_ =	sdelay $0x3  }
0x92: {  	_ =	strace s18  }
0x93: {  	s3 =	sld [smem:$0x3FFC];
	_ =	sdelay $0x3  }
0x94: {  	_ =	strace s3  }
0x95: {  	s3 =	sld [smem:$0x3FFD];
	_ =	sdelay $0x3  }
0x96: {  	_ =	strace s3  }
0x97: {  	_ =	strace $0x8FFFFFFF  }
0x98: {  	s19 =	sld [smem:$0x3FDB];
	_ =	sdelay $0x1  }
0x99: {  	s4 =	simm.s32 $_scs_section_size  }
0x9a: {  	s5 =	simm.s32 $_size__tile_overlayer_lowered;
	s6 =	simm.s32 $_tile_overlayer_lowered  }
0x9b: {  	s22 =	simm.s32 $0x1BFF;
	s21 =	sshll.u32 s6, $0x1;
	s3 =	sadd.s32 s4, s19  }
0x9c: {  	s7 =	simm.s32 $0x0;
	s20 =	sshll.u32 s5, $0x1;
	s5 =	sadd.s32 s21, s3  }
0x9d: {  	[timem:s7], [sflag:s22] =	dma.local [hbm:s5], s20  }
0x9e: {  	_ =	swait.ge [sflag:s22], s20  }
0x9f: {  	s4 =	ssub.s32 $0x0, s20;
	[sflag:s22] =	ssyncset.done $0x0  }
0xa0: {  	[sflag:s22] =	ssyncadd.s32 s4;
	_ =	sdelay $0x1  }
0xa1: {  	s23 =	simm.s32 $0x1B8B  }
0xa2: {  	_ =	swait.ge [sflag:s23], $0x1  }
0xa3: {  	[sflag:s23] =	ssyncset.done $0x0  }
0xa4: {  	s25 =	simm.s32 $0x1B8E;
	s24 =	sld [smem:$0x3FFE];
	[sflag:s23] =	ssyncadd.s32 $0xFFFFFFFF  }
0xa5: {  	s26 =	simm.s32 $execute0_lowered;
	[smem:$0x3FD2] =	sst s25  }
0xa6: {  	s5 =	sshll.u32 s26, $0x1;
	_ =	strace $0x8000004C;
	[dreg:$0x1] =	wrdreg $0xFFFFFFFF  }
0xa7: {  	s28 =	simm.s32 $_size_execute0_lowered;
	s3 =	sadd.s32 s3, s5;
	[dreg:$0x0] =	wrdreg $0x0  }
0xa8: {  	s5 =	sshll.u32 s28, $0x1;
	[dreg:$0x2] =	wrdreg s3  }
0xa9: {  	[dreg:$0x3] =	wrdreg s5  }
0xaa: {  	[dreg:$0x4] =	wrdreg $0xC0  }
0xab: {  	_ =	task [dreg:s7], $0x5FFFF  }
0xac: {  	[dreg:$0x1] =	wrdreg $0xFFFFFFFF  }
0xad: {  	[dreg:$0x0] =	wrdreg $0x60  }
0xae: {  	[dreg:$0x2] =	wrdreg s24  }
0xaf: {  	[dreg:$0x3] =	wrdreg s2  }
0xb0: {  	[dreg:$0x4] =	wrdreg $0xA8000  }
0xb1: {  	[dreg:$0x5] =	wrdreg $0xA  }
0xb2: {  	_ =	task.clear_ibuf [dreg:s7], $0x6FFFF;
	_ =	strace $0x9000004C  }
0xb3: {  	s29 =	simm.s32 $0xA;
	_ =	strace $0x8000004E  }
0xb4: {  	_ =	swait.ge [sflag:s29], $0x1  }
0xb5: {  	[sflag:s29] =	ssyncadd.s32 $0xFFFFFFFF  }
0xb6: {  	_ =	strace $0x9000004E  }
0xb7: {  	_ =	sfence  }
0xb8: {  	s30 =	sld [smem:$0x0];
	_ =	sdelay $0x2  }
0xb9: {  	s31 =	sshll.u32 s1, $0xD;
	s1 =	sshrl.u32 s1, $0x2  }
0xba: {  	s3 =	sand.u32 $0x4000, s31;
	s1 =	sadd.s32 s1, s30  }
0xbb: {  	s0 =	sor.u32 s3, s0;
	s1 =	sshll.u32 s1, $0x11  }
0xbc: {  	s0 =	sor.u32 s1, s0  }
0xbd: {  	s0 =	sadd.s32 $0x8F2B, s0  }
0xbe: {  	[sflag:s0] =	ssyncadd.remote.s32 $0x1  }
0xbf: {  	_ =	sfence.sel $0xFFFF  }
0xc0: {  	[dreg:$0x0] =	wrdreg $0xFFFFFFFF;
	(pc) =	sbr.abs _section_cstart, $3  }
0xc1: {  	[dreg:$0x1] =	wrdreg $0xFFFFFFFF  }
0xc2: {  	_ =	task.clear_ibuf [dreg:s7], $0x2FFFF;
	_ =	strace $0x9FFFFFFF  }
0xc3: {  	(tm) =	ssettm $0x7FFFFFFF  }
tec
execute0_lowered:
.L_overlay_start_1:
0x0: {  	(tag) =	ssettag $0x1  }
0x1: {  	s5 =	rddreg [dreg:$0x0]  }
0x2: {  	s10 =	rddreg [dreg:$0x1]  }
0x3: {  	s2 =	rddreg [dreg:$0x2]  }
0x4: {  	s0 =	rddreg [dreg:$0x3]  }
0x5: {  	s1 =	stileid.u32;
	s4 =	srdreg.scid  }
0x6: {  	s3 =	simm.s32 $0x0;
	s16 =	simm.s32 $0x80;
	s17 =	simm.s32 $0x2800  }
0x7: {  	s18 =	simm.s32 $0x1;
	s19 =	simm.s32 $0x6800;
	s20 =	simm.s32 $0x2  }
0x8: {  	s21 =	simm.s32 $0x1480;
	s22 =	simm.s32 $0x3;
	s6 =	smul.u32 $0x13C00, s1  }
0x9: {  	s7 =	sand.u32 $0x1, s4;
	[smem:$0x7FF] =	sst s3;
	s4 =	sadd.s32 $0x34C00, s5  }
0xa: {  	s11 =	sadd.s32 $0x3400, s5;
	s12 =	smul.u32 $0x4F000, s1;
	s30 =	sshll.u32 s1, $0x6  }
0xb: {  	s8 =	smul.u32 $0x13C000, s7;
	_ =	strace $0x8000004D;
	s23 =	sshll.u32 s7, $0x4  }
0xc: {  	s24 =	ssub.s32 $0x2, s7;
	s9 =	sshrl.u32 s6, $0x3;
	s25 =	sor.u32 s1, s23  }
0xd: {  	s7 =	sshrl.u32 s24, $0x1;
	s26 =	sshrl.u32 s12, $0x2;
	s23 =	simm.s32 $0x100  }
0xe: {  	s9 =	sadd.s32 s9, s5;
	s6 =	sadd.s32 s6, s8;
	s28 =	smul.u32 $0x2800, s25  }
0xf: {  	s14 =	ssub.s32 s24, s7;
	s15 =	sadd.s32 s26, s2;
	s29 =	smul.u32 $0x500, s25  }
0x10: {  	s24 =	simm.s32 $0x4;
	s25 =	simm.s32 $0x0;
	s6 =	sshrl.u32 s6, $0x3  }
.Ltmp0:
0x11: {  	s13 =	sadd.s32 s6, s5;
	s31 =	sshrl.u32 s28, $0x3;
	(pc) =	sbr.rel .LBB2_1-.Ltmp0, $4  }
0x12: {  	s5 =	sadd.s32 $0xD400, s9;
	s6 =	sor.u32 $0x1C05, s30;
	s12 =	sadd.s32 $0x280, s31  }
0x13: {  	s7 =	sadd.s32 s11, s29;
	s8 =	sadd.s32 s10, s29;
	s9 =	sadd.s32 s11, s12  }
0x14: {  	s10 =	sadd.s32 s10, s12;
	s11 =	sadd.s32 $0xD3400, s13;
	s12 =	smax.u32 s14, $0x1  }
0x15: {  	s13 =	sshrl.u32 s15, $0x3;
	s14 =	simm.s32 $0x5;
	s15 =	simm.s32 $0x1400  }
.LBB2_7:
0x16: {  	_ =	swait.ge [sflag:s24], $0x4000  }
0x17: {  	s25 =	sadd.s32 $0x1, s25;
	[sflag:s24] =	ssyncset.done $0x0  }
0x18: {  	p0 =	sne.s32 s25, s12;
	[sflag:s24] =	ssyncadd.s32 $0xFFFFC000  }
.Ltmp1:
0x19: {  	[bflag:$0x0] =	sbarrier.arrive $0xFFFF;
	(pc) =	sbr.rel @!p0 .LBB2_8-.Ltmp1, $4  }
0x1a: {  	[hbm:s11], [sflag:s6] =	dma.local [spmem:s13], $0x2780  }
0x1b: {  	_ =	swait.ge [sflag:s14], $0x2780  }
0x1c: {  	[sflag:s14] =	ssyncset.done $0x0  }
0x1d: {  	[sflag:s14] =	ssyncadd.s32 $0xFFFFD880  }
.LBB2_1:
0x1e: {  	[spmem:s13], [sflag:s6] =	dma.local [hbm:s5], $0x2780  }
0x1f: {  	_ =	swait.ge [sflag:s14], $0x2780  }
0x20: {  	[sflag:s14] =	ssyncset.done $0x0  }
0x21: {  	[sflag:s14] =	ssyncadd.s32 $0xFFFFD880  }
0x22: {  	[bflag:$0x0] =	sbarrier.arrive $0xFFFF  }
0x23: {  	[tilespmem:s3], [sflag:$0x5] =	stream.linear.gather [hbm4b:s7+s3], $0x1400, $0x38;
	[tilespmem:$0x1E400] =	vst v63  }
0x24: {  	_ =	swait.ge [sflag:s14], $0x1400  }
0x25: {  	[sflag:s14] =	ssyncset.done $0x0  }
0x26: {  	[sflag:s14] =	ssyncadd.s32 $0xFFFFEC00  }
0x27: {  	[tilespmem:s15], [sflag:$0x5] =	stream.linear.gather [hbm4b:s8+s3], $0x1400, $0x38;
	[tilespmem:$0x1E400] =	vst v63  }
0x28: {  	_ =	swait.ge [sflag:s14], $0x1400  }
0x29: {  	[sflag:s14] =	ssyncset.done $0x0  }
0x2a: {  	[sflag:s14] =	ssyncadd.s32 $0xFFFFEC00  }
0x2b: {  	[tilespmem:s17], [sflag:$0x1] =	stream.indirect.gather [hbm4b:s4+s16], $0x80, s3, s16, $0xb8;
	[tilespmem:$0x1E400] =	vst v63  }
0x2c: {  	_ =	swait.ge [sflag:s18], $0x4000  }
0x2d: {  	[sflag:s18] =	ssyncset.done $0x0  }
0x2e: {  	[sflag:s18] =	ssyncadd.s32 $0xFFFFC000  }
0x2f: {  	[spmem:s2] =	stream.indirect.scatter.add.f32 [tilespmem:s17], [sflag:$0x3], $0x80, s15, s16, $0xb8;
	[tilespmem:$0x1E400] =	vst v63  }
0x30: {  	_ = 	snop  }
0x31: {  	[tilespmem:s19], [sflag:$0x2] =	stream.indirect.gather [hbm4b:s4+s16], $0x80, s16, s16, $0xb8;
	[tilespmem:$0x1E400] =	vst v63  }
0x32: {  	_ =	swait.ge [sflag:s20], $0x4000  }
0x33: {  	[sflag:s20] =	ssyncset.done $0x0  }
0x34: {  	[sflag:s20] =	ssyncadd.s32 $0xFFFFC000  }
0x35: {  	[spmem:s2] =	stream.indirect.scatter.add.f32 [tilespmem:s19], [sflag:$0x4], $0x80, s21, s16, $0xb8;
	[tilespmem:$0x1E400] =	vst v63  }
0x36: {  	_ =	swait.ge [sflag:s22], $0x4000  }
0x37: {  	[sflag:s22] =	ssyncset.done $0x0  }
0x38: {  	s26 =	simm.s32 $0xFFFFB800;
	[sflag:s22] =	ssyncadd.s32 $0xFFFFC000  }
0x39: {  	[tilespmem:s17], [sflag:$0x1] =	stream.indirect.gather [hbm4b:s4+s16], $0x80, s23, s16, $0xb8;
	[tilespmem:$0x1E400] =	vst v63  }
.LBB2_2:
0x3a: {  	_ =	swait.ge [sflag:s18], $0x4000  }
0x3b: {  	s28 =	sshra.s32 s26, $0x2;
	[sflag:s18] =	ssyncset.done $0x0  }
0x3c: {  	s29 =	sadd.s32 $0x2700, s28;
	[sflag:s18] =	ssyncadd.s32 $0xFFFFC000  }
0x3d: {  	[spmem:s2] =	stream.indirect.scatter.add.f32 [tilespmem:s17], [sflag:$0x3], $0x80, s29, s16, $0xb8;
	[tilespmem:$0x1E400] =	vst v63  }
0x3e: {  	_ =	swait.ge [sflag:s24], $0x4000  }
0x3f: {  	[sflag:s24] =	ssyncset.done $0x0  }
0x40: {  	s30 =	sadd.s32 $0x1380, s28;
	[sflag:s24] =	ssyncadd.s32 $0xFFFFC000  }
0x41: {  	[tilespmem:s19], [sflag:$0x2] =	stream.indirect.gather [hbm4b:s4+s16], $0x80, s30, s16, $0xb8;
	[tilespmem:$0x1E400] =	vst v63  }
0x42: {  	_ =	swait.ge [sflag:s20], $0x4000  }
0x43: {  	p0 =	seq.s32 s26, $0x0;
	[sflag:s20] =	ssyncset.done $0x0  }
.Ltmp2:
0x44: {  	s31 =	sadd.s32 $0x2780, s28;
	[sflag:s20] =	ssyncadd.s32 $0xFFFFC000;
	(pc) =	sbr.rel @p0 .LBB2_4-.Ltmp2, $4  }
0x45: {  	[spmem:s2] =	stream.indirect.scatter.add.f32 [tilespmem:s19], [sflag:$0x4], $0x80, s31, s16, $0xb8;
	[tilespmem:$0x1E400] =	vst v63  }
0x46: {  	_ =	swait.ge [sflag:s22], $0x4000  }
0x47: {  	[sflag:s22] =	ssyncset.done $0x0  }
0x48: {  	[sflag:s22] =	ssyncadd.s32 $0xFFFFC000  }
.Ltmp3:
0x49: {  	(pc) =	sbr.rel .LBB2_2-.Ltmp3, $3  }
0x4a: {  	_ =	sdelay $0x1  }
0x4b: {  	s28 =	sadd.s32 $0x1400, s28;
	s26 =	sadd.s32 $0x400, s26  }
0x4c: {  	[tilespmem:s17], [sflag:$0x1] =	stream.indirect.gather [hbm4b:s4+s16], $0x80, s28, s16, $0xb8;
	[tilespmem:$0x1E400] =	vst v63  }
.LBB2_4:
0x4d: {  	_ =	swait.ge [sflag:s24], $0x4000  }
0x4e: {  	[sflag:s24] =	ssyncset.done $0x0  }
0x4f: {  	[sflag:s24] =	ssyncadd.s32 $0xFFFFC000  }
0x50: {  	[tilespmem:s3], [sflag:$0x5] =	stream.linear.gather [hbm4b:s9+s3], $0x1400, $0x38;
	[tilespmem:$0x1E400] =	vst v63  }
0x51: {  	_ =	swait.ge [sflag:s14], $0x1400  }
0x52: {  	[sflag:s14] =	ssyncset.done $0x0  }
0x53: {  	[sflag:s14] =	ssyncadd.s32 $0xFFFFEC00  }
0x54: {  	[tilespmem:s15], [sflag:$0x5] =	stream.linear.gather [hbm4b:s10+s3], $0x1400, $0x38;
	[tilespmem:$0x1E400] =	vst v63  }
0x55: {  	_ =	swait.ge [sflag:s14], $0x1400  }
0x56: {  	[sflag:s14] =	ssyncset.done $0x0  }
0x57: {  	[sflag:s14] =	ssyncadd.s32 $0xFFFFEC00  }
0x58: {  	[tilespmem:s17], [sflag:$0x1] =	stream.indirect.gather [hbm4b:s4+s16], $0x80, s3, s16, $0xb8;
	[tilespmem:$0x1E400] =	vst v63  }
0x59: {  	_ =	swait.ge [sflag:s18], $0x4000  }
0x5a: {  	[sflag:s18] =	ssyncset.done $0x0  }
0x5b: {  	[sflag:s18] =	ssyncadd.s32 $0xFFFFC000  }
0x5c: {  	[spmem:s2] =	stream.indirect.scatter.add.f32 [tilespmem:s17], [sflag:$0x3], $0x80, s15, s16, $0xb8;
	[tilespmem:$0x1E400] =	vst v63  }
0x5d: {  	_ = 	snop  }
0x5e: {  	[tilespmem:s19], [sflag:$0x2] =	stream.indirect.gather [hbm4b:s4+s16], $0x80, s16, s16, $0xb8;
	[tilespmem:$0x1E400] =	vst v63  }
0x5f: {  	_ =	swait.ge [sflag:s20], $0x4000  }
0x60: {  	[sflag:s20] =	ssyncset.done $0x0  }
0x61: {  	[sflag:s20] =	ssyncadd.s32 $0xFFFFC000  }
0x62: {  	[spmem:s2] =	stream.indirect.scatter.add.f32 [tilespmem:s19], [sflag:$0x4], $0x80, s21, s16, $0xb8;
	[tilespmem:$0x1E400] =	vst v63  }
0x63: {  	_ =	swait.ge [sflag:s22], $0x4000  }
0x64: {  	[sflag:s22] =	ssyncset.done $0x0  }
0x65: {  	s26 =	simm.s32 $0xFFFFB800;
	[sflag:s22] =	ssyncadd.s32 $0xFFFFC000  }
0x66: {  	[tilespmem:s17], [sflag:$0x1] =	stream.indirect.gather [hbm4b:s4+s16], $0x80, s23, s16, $0xb8;
	[tilespmem:$0x1E400] =	vst v63  }
.LBB2_5:
0x67: {  	_ =	swait.ge [sflag:s18], $0x4000  }
0x68: {  	s28 =	sshra.s32 s26, $0x2;
	[sflag:s18] =	ssyncset.done $0x0  }
0x69: {  	s29 =	sadd.s32 $0x2700, s28;
	[sflag:s18] =	ssyncadd.s32 $0xFFFFC000  }
0x6a: {  	[spmem:s2] =	stream.indirect.scatter.add.f32 [tilespmem:s17], [sflag:$0x3], $0x80, s29, s16, $0xb8;
	[tilespmem:$0x1E400] =	vst v63  }
0x6b: {  	_ =	swait.ge [sflag:s24], $0x4000  }
0x6c: {  	[sflag:s24] =	ssyncset.done $0x0  }
0x6d: {  	s30 =	sadd.s32 $0x1380, s28;
	[sflag:s24] =	ssyncadd.s32 $0xFFFFC000  }
0x6e: {  	[tilespmem:s19], [sflag:$0x2] =	stream.indirect.gather [hbm4b:s4+s16], $0x80, s30, s16, $0xb8;
	[tilespmem:$0x1E400] =	vst v63  }
0x6f: {  	_ =	swait.ge [sflag:s20], $0x4000  }
0x70: {  	p0 =	seq.s32 s26, $0x0;
	[sflag:s20] =	ssyncset.done $0x0  }
.Ltmp4:
0x71: {  	s31 =	sadd.s32 $0x2780, s28;
	[sflag:s20] =	ssyncadd.s32 $0xFFFFC000;
	(pc) =	sbr.rel @p0 .LBB2_7-.Ltmp4, $4  }
0x72: {  	[spmem:s2] =	stream.indirect.scatter.add.f32 [tilespmem:s19], [sflag:$0x4], $0x80, s31, s16, $0xb8;
	[tilespmem:$0x1E400] =	vst v63  }
0x73: {  	_ =	swait.ge [sflag:s22], $0x4000  }
0x74: {  	[sflag:s22] =	ssyncset.done $0x0  }
0x75: {  	[sflag:s22] =	ssyncadd.s32 $0xFFFFC000  }
.Ltmp5:
0x76: {  	(pc) =	sbr.rel .LBB2_5-.Ltmp5, $3  }
0x77: {  	_ =	sdelay $0x1  }
0x78: {  	s28 =	sadd.s32 $0x1400, s28;
	s26 =	sadd.s32 $0x400, s26  }
0x79: {  	[tilespmem:s17], [sflag:$0x1] =	stream.indirect.gather [hbm4b:s4+s16], $0x80, s28, s16, $0xb8;
	[tilespmem:$0x1E400] =	vst v63  }
.LBB2_8:
0x7a: {  	_ =	sfence.sel $0x180000  }
0x7b: {  	[bflag:$0x0] =	sbarrier.arrive $0xFFFF  }
0x7c: {  	p0 =	sne.s32 s1, $0x0;
	_ =	strace $0x9000004D  }
0x7d: {  	s0 =	sadd.s32 @!p0 $0x100000, s0;
	[bflag:$0x2] =	sbarrier.arrive $0xFFFF  }
0x7e: {  	[sflag:s0] =	ssyncadd.tile.s32 @!p0 $0x1;
	_ =	shalt  }
.Lfunc_end2:
_tile_overlayer_lowered:
.L_overlay_start_2:
0x7f: {  	(tag) =	ssettag $0x2  }
0x80: {  	s0 =	rddreg [dreg:$0x0];
	s2 =	stileid.u32  }
0x81: {  	s1 =	rddreg [dreg:$0x1];
	p0 =	sne.s32 s2, $0x0  }
0x82: {  	s3 =	rddreg [dreg:$0x2];
	[bflag:$0x3] =	sbarrier.arrive $0xFFFF;
	s2 =	simm.s32 @!p0 $0x1C05  }
0x83: {  	[timem:s3], [sflag:s2] =	dma.local @!p0 [hbm:s0], s1  }
0x84: {  	s0 =	simm.s32 @!p0 $0x5  }
0x85: {  	_ =	swait.ge @!p0 [sflag:s0], s1  }
0x86: {  	s1 =	ssub.s32 @!p0 $0x0, s1;
	[sflag:s0] =	ssyncset.done @!p0 $0x0  }
0x87: {  	[sflag:s0] =	ssyncadd.s32 @!p0 s1  }
0x88: {  	[bflag:$0x3] =	sbarrier.arrive $0xFFFF  }
0x89: {  	_ =	shalt  }

// kernel: kernel.23.cloned.1.call-start
scs
__scs_entry_jumppad:
0x0: {  	(pc) =	sbr.rel $0x88, $3  }
0x1: {  	(tag) =	ssettag $0x0;
	lr =	simm.s32 $0x1  }
0x2: {  	[smem:$0x3F96] =	sst lr;
	_ =	strace $0xD0000000  }
0x3: {  	_ = 	snop  }
0x4: {  	_ = 	snop  }
0x5: {  	_ = 	snop  }
0x6: {  	_ = 	snop  }
0x7: {  	_ = 	snop  }
__scs_overlays_trampoline_lowered:
0x8: {  	[smem:$0x3FA5] =	sst s0  }
0x9: {  	[smem:$0x3FA6] =	sst s1  }
0xa: {  	[smem:$0x3FA7] =	sst s2  }
0xb: {  	[smem:$0x3FA8] =	sst s3  }
0xc: {  	[smem:$0x3FA9] =	sst s4  }
0xd: {  	[smem:$0x3FAA] =	sst s5  }
0xe: {  	[smem:$0x3FAB] =	sst s6  }
0xf: {  	[smem:$0x3FAC] =	sst s7  }
0x10: {  	[smem:$0x3FAD] =	sst s8  }
0x11: {  	[smem:$0x3FAE] =	sst s9;
	s0 =	simm.s32 @!p0 $0x0  }
0x12: {  	s1 =	sld [smem:$0x3F94];
	s0 =	simm.s32 @p0 $0x1  }
0x13: {  	[smem:$0x3FAF] =	sst s0;
	s0 =	simm.s32 @!p1 $0x0  }
0x14: {  	s2 =	sld [smem:$0x3F93];
	s0 =	simm.s32 @p1 $0x1  }
0x15: {  	[smem:$0x3FB0] =	sst s0;
	s0 =	simm.s32 @!p2 $0x0  }
0x16: {  	s3 =	sld [smem:$0x3FDB];
	s0 =	simm.s32 @p2 $0x1  }
0x17: {  	s4 =	simm.s32 $0x1BF5;
	[smem:$0x3FB2] =	sst s0  }
0x18: {  	s0 =	sld [smem:$0x3F95];
	_ =	swait.ge [sflag:s4], $0x0  }
0x19: {  	s7 =	sld [smem:$0x3F96]  }
0x1a: {  	s8 =	sadd.s32 $0xFFFFE003, lr  }
0x1b: {  	s9 =	sadd.s32 $0xFFFFFEF7, lr;
	s5 =	simm.s32 $0xFFFFFFFF;
	p2 =	slt.u32 s8, $0xFFFFF086  }
0x1c: {  	p1 =	slt.u32 s9, $0xF7A;
	s5 =	simm.s32 @!p2 $0x0  }
0x1d: {  	s5 =	simm.s32 @p1 $0x1;
	p0 =	seq.s32 s7, s2  }
0x1e: {  	s7 =	smul.u32 @!p0 $0xF7A, s2;
	p2 =	seq.s32 @!p0 s5, $0x0  }
0x1f: {  	s9 =	smul.u32 $0xF7A, s1;
	s8 =	simm.s32 @!p0 $0x1BF5;
	p2 =	por !p2, p0  }
0x20: {  	[sflag:s8] =	ssyncset.s32 @!p0 $0xFFFFF086;
	s6 =	sadd.s32 @!p0 s3, s7;
	s7 =	simm.s32 @!p0 $0x108  }
0x21: {  	s3 =	sadd.s32 s3, s9;
	s6 =	sadd.s32 @!p0 $0x88, s6;
	s7 =	simm.s32 @p2 $0x1082  }
0x22: {  	[simem:s7], [sflag:s8] =	dma.local @!p0 [hbm:s6], $0xF7A  }
0x23: {  	s9 =	sor.u32 $0xD0000000, s2;
	s6 =	simm.s32 $0x108;
	_ =	swait.ge @!p0 [sflag:s8], $0x0  }
0x24: {  	s3 =	sadd.s32 $0x88, s3;
	s6 =	simm.s32 @!p1 $0x1082;
	[sflag:s4] =	ssyncset.s32 $0xFFFFF086  }
0x25: {  	[simem:s6], [sflag:s4] =	dma.local [hbm:s3], $0xF7A  }
0x26: {  	[smem:$0x3F96] =	sst s1;
	(tag) =	ssettag s2;
	_ =	strace s9  }
0x27: {  	s1 =	sld [smem:$0x3FA6]  }
0x28: {  	s2 =	sld [smem:$0x3FA7]  }
0x29: {  	s4 =	sld [smem:$0x3FA9]  }
0x2a: {  	p0 =	seq.s32 s5, $0x0;
	s5 =	sld [smem:$0x3FAA]  }
0x2b: {  	s6 =	sld [smem:$0x3FAB]  }
0x2c: {  	s7 =	sld [smem:$0x3FAC]  }
0x2d: {  	s3 =	simm.s32 $0x108;
	s8 =	sld [smem:$0x3FAD]  }
0x2e: {  	s3 =	simm.s32 @!p0 $0x1082;
	s9 =	sld [smem:$0x3FAE]  }
0x2f: {  	lr =	sadd.s32 s0, s3;
	s0 =	sld [smem:$0x3FA5]  }
0x30: {  	s3 =	sld [smem:$0x3FA8]  }
0x31: {  	[smem:$0x3FB1] =	sst s10  }
0x32: {  	s10 =	sld [smem:$0x3FAF];
	_ =	sdelay $0x3  }
0x33: {  	p0 =	seq.s32 s10, $0x1;
	s10 =	sld [smem:$0x3FB1];
	_ =	sdelay $0x3  }
0x34: {  	[smem:$0x3FB1] =	sst s10  }
0x35: {  	s10 =	sld [smem:$0x3FB0];
	_ =	sdelay $0x3  }
0x36: {  	p1 =	seq.s32 s10, $0x1;
	s10 =	sld [smem:$0x3FB1];
	_ =	sdelay $0x3  }
0x37: {  	[smem:$0x3FB1] =	sst s10  }
0x38: {  	s10 =	sld [smem:$0x3FB2]  }
0x39: {  	_ = 	snop;
	(pc) =	sbr.ind lr, $3  }
0x3a: {  	_ = 	snop  }
0x3b: {  	_ = 	snop  }
0x3c: {  	p2 =	seq.s32 s10, $0x1;
	s10 =	sld [smem:$0x3FB1]  }
0x3d: {  	_ =	shalt  }
0x3e: {  	_ =	shalt  }
0x3f: {  	_ =	shalt  }
0x40: {  	_ =	shalt  }
0x41: {  	_ =	shalt  }
0x42: {  	_ =	shalt  }
0x43: {  	_ =	shalt  }
0x44: {  	_ =	shalt  }
0x45: {  	_ =	shalt  }
0x46: {  	_ =	shalt  }
0x47: {  	_ =	shalt  }
0x48: {  	_ =	shalt  }
0x49: {  	_ =	shalt  }
0x4a: {  	_ =	shalt  }
0x4b: {  	_ =	shalt  }
0x4c: {  	_ =	shalt  }
0x4d: {  	_ =	shalt  }
0x4e: {  	_ =	shalt  }
0x4f: {  	_ =	shalt  }
0x50: {  	_ =	shalt  }
0x51: {  	_ =	shalt  }
0x52: {  	_ =	shalt  }
0x53: {  	_ =	shalt  }
0x54: {  	_ =	shalt  }
0x55: {  	_ =	shalt  }
0x56: {  	_ =	shalt  }
0x57: {  	_ =	shalt  }
0x58: {  	_ =	shalt  }
0x59: {  	_ =	shalt  }
0x5a: {  	_ =	shalt  }
0x5b: {  	_ =	shalt  }
0x5c: {  	_ =	shalt  }
0x5d: {  	_ =	shalt  }
0x5e: {  	_ =	shalt  }
0x5f: {  	_ =	shalt  }
0x60: {  	_ =	shalt  }
0x61: {  	_ =	shalt  }
0x62: {  	_ =	shalt  }
0x63: {  	_ =	shalt  }
0x64: {  	_ =	shalt  }
0x65: {  	_ =	shalt  }
0x66: {  	_ =	shalt  }
0x67: {  	_ =	shalt  }
0x68: {  	_ =	shalt  }
0x69: {  	_ =	shalt  }
0x6a: {  	_ =	shalt  }
0x6b: {  	_ =	shalt  }
0x6c: {  	_ =	shalt  }
0x6d: {  	_ =	shalt  }
0x6e: {  	_ =	shalt  }
0x6f: {  	_ =	shalt  }
0x70: {  	_ =	shalt  }
0x71: {  	_ =	shalt  }
0x72: {  	_ =	shalt  }
0x73: {  	_ =	shalt  }
0x74: {  	_ =	shalt  }
0x75: {  	_ =	shalt  }
0x76: {  	_ =	shalt  }
0x77: {  	_ =	shalt  }
0x78: {  	_ =	shalt  }
0x79: {  	_ =	shalt  }
0x7a: {  	_ =	shalt  }
0x7b: {  	_ =	shalt  }
0x7c: {  	_ =	shalt  }
0x7d: {  	_ =	shalt  }
0x7e: {  	_ =	shalt  }
0x7f: {  	_ =	shalt  }
0x80: {  	_ =	shalt  }
0x81: {  	_ =	shalt  }
0x82: {  	_ =	shalt  }
0x83: {  	_ =	shalt  }
0x84: {  	_ =	shalt  }
0x85: {  	_ =	shalt  }
0x86: {  	_ =	shalt  }
0x87: {  	_ =	shalt  }
.Lfunc_end0:
.L_simem_size_0:
called_computation.4_lowered:
.L_overlay_start_0:
0x88: {  	s2 =	sld [smem:$0x3FD9]  }
0x89: {  	s3 =	sld [smem:$0x3FFE];
	_ =	sdelay $0x1  }
0x8a: {  	s1 =	srdreg.scid  }
0x8b: {  	s0 =	sand.u32 $0x1, s1  }
0x8c: {  	s17 =	sshll.u32 s0, $0xA;
	s2 =	sadd.s32 s3, s2  }
0x8d: {  	s2 =	sadd.s32 s2, s17  }
0x8e: {  	[smem:$0x3FBD] =	sst s2  }
0x8f: {  	_ = 	snop  }
0x90: {  	s2 =	sld [smem:$0x3FD0];
	(tm) =	ssettm $0x1  }
0x91: {  	s18 =	sld [smem:$0x3FFB];
	_ =	sdelay $0x3  }
0x92: {  	_ =	strace s18  }
0x93: {  	s3 =	sld [smem:$0x3FFC];
	_ =	sdelay $0x3  }
0x94: {  	_ =	strace s3  }
0x95: {  	s3 =	sld [smem:$0x3FFD];
	_ =	sdelay $0x3  }
0x96: {  	_ =	strace s3  }
0x97: {  	_ =	strace $0x8FFFFFFF  }
0x98: {  	s19 =	sld [smem:$0x3FDB];
	_ =	sdelay $0x1  }
0x99: {  	s4 =	simm.s32 $_scs_section_size  }
0x9a: {  	s5 =	simm.s32 $_size__tile_overlayer_lowered;
	s6 =	simm.s32 $_tile_overlayer_lowered  }
0x9b: {  	s22 =	simm.s32 $0x1BFF;
	s21 =	sshll.u32 s6, $0x1;
	s3 =	sadd.s32 s4, s19  }
0x9c: {  	s7 =	simm.s32 $0x0;
	s20 =	sshll.u32 s5, $0x1;
	s5 =	sadd.s32 s21, s3  }
0x9d: {  	[timem:s7], [sflag:s22] =	dma.local [hbm:s5], s20  }
0x9e: {  	_ =	swait.ge [sflag:s22], s20  }
0x9f: {  	s4 =	ssub.s32 $0x0, s20;
	[sflag:s22] =	ssyncset.done $0x0  }
0xa0: {  	[sflag:s22] =	ssyncadd.s32 s4;
	_ =	sdelay $0x1  }
0xa1: {  	s23 =	simm.s32 $0x1B8B  }
0xa2: {  	_ =	swait.ge [sflag:s23], $0x1  }
0xa3: {  	[sflag:s23] =	ssyncset.done $0x0  }
0xa4: {  	s25 =	simm.s32 $0x1B8E;
	s24 =	sld [smem:$0x3FFE];
	[sflag:s23] =	ssyncadd.s32 $0xFFFFFFFF  }
0xa5: {  	s26 =	simm.s32 $execute0_lowered;
	[smem:$0x3FD2] =	sst s25  }
0xa6: {  	s5 =	sshll.u32 s26, $0x1;
	_ =	strace $0x80000052;
	[dreg:$0x1] =	wrdreg $0xFFFFFFFF  }
0xa7: {  	s28 =	simm.s32 $_size_execute0_lowered;
	s3 =	sadd.s32 s3, s5;
	[dreg:$0x0] =	wrdreg $0x0  }
0xa8: {  	s5 =	sshll.u32 s28, $0x1;
	[dreg:$0x2] =	wrdreg s3  }
0xa9: {  	[dreg:$0x3] =	wrdreg s5  }
0xaa: {  	[dreg:$0x4] =	wrdreg $0xC0  }
0xab: {  	_ =	task [dreg:s7], $0x5FFFF  }
0xac: {  	[dreg:$0x1] =	wrdreg $0xFFFFFFFF  }
0xad: {  	[dreg:$0x0] =	wrdreg $0x60  }
0xae: {  	[dreg:$0x2] =	wrdreg s24  }
0xaf: {  	[dreg:$0x3] =	wrdreg s2  }
0xb0: {  	[dreg:$0x4] =	wrdreg $0xBC000  }
0xb1: {  	[dreg:$0x5] =	wrdreg $0x9  }
0xb2: {  	_ =	task.clear_ibuf [dreg:s7], $0x6FFFF;
	_ =	strace $0x90000052  }
0xb3: {  	s29 =	simm.s32 $0x9;
	_ =	strace $0x80000054  }
0xb4: {  	_ =	swait.ge [sflag:s29], $0x1  }
0xb5: {  	[sflag:s29] =	ssyncadd.s32 $0xFFFFFFFF  }
0xb6: {  	_ =	strace $0x90000054  }
0xb7: {  	_ =	sfence  }
0xb8: {  	s30 =	sld [smem:$0x0];
	_ =	sdelay $0x2  }
0xb9: {  	s31 =	sshll.u32 s1, $0xD;
	s1 =	sshrl.u32 s1, $0x2  }
0xba: {  	s3 =	sand.u32 $0x4000, s31;
	s1 =	sadd.s32 s1, s30  }
0xbb: {  	s0 =	sor.u32 s3, s0;
	s1 =	sshll.u32 s1, $0x11  }
0xbc: {  	s0 =	sor.u32 s1, s0  }
0xbd: {  	s0 =	sadd.s32 $0x8F2B, s0  }
0xbe: {  	[sflag:s0] =	ssyncadd.remote.s32 $0x1  }
0xbf: {  	_ =	sfence.sel $0xFFFF  }
0xc0: {  	[dreg:$0x0] =	wrdreg $0xFFFFFFFF;
	(pc) =	sbr.abs _section_cstart, $3  }
0xc1: {  	[dreg:$0x1] =	wrdreg $0xFFFFFFFF  }
0xc2: {  	_ =	task.clear_ibuf [dreg:s7], $0x2FFFF;
	_ =	strace $0x9FFFFFFF  }
0xc3: {  	(tm) =	ssettm $0x7FFFFFFF  }
tec
execute0_lowered:
.L_overlay_start_1:
0x0: {  	(tag) =	ssettag $0x1  }
0x1: {  	s0 =	rddreg [dreg:$0x0]  }
0x2: {  	s1 =	rddreg [dreg:$0x1]  }
0x3: {  	s2 =	rddreg [dreg:$0x2];
	s3 =	simm.s32 $0x0;
	s13 =	stileid.u32  }
0x4: {  	s4 =	srdreg.scid;
	s16 =	simm.s32 $0x7;
	s28 =	simm.s32 $0x5  }
0x5: {  	s29 =	simm.s32 $0x100;
	s30 =	simm.s32 $0x4;
	s31 =	simm.s32 $0x6  }
0x6: {  	[smem:$0x7FF] =	sst s3;
	s5 =	smul.u32 $0x13C00, s13;
	s6 =	sand.u32 $0x1, s4  }
0x7: {  	s4 =	sadd.s32 $0x34C00, s0;
	s10 =	sadd.s32 $0x3400, s0;
	s12 =	sadd.s32 $0x66400, s0  }
0x8: {  	s9 =	smul.u32 $0x4F000, s13;
	s23 =	sshll.u32 s13, $0x6;
	_ =	strace $0x80000053  }
0x9: {  	s7 =	smul.u32 $0x13C000, s6;
	s17 =	sshll.u32 s6, $0x4;
	s18 =	ssub.s32 $0x2, s6  }
0xa: {  	s6 =	sor.u32 $0x1C07, s23;
	s23 =	simm.s32 $0x2;
	s8 =	sshrl.u32 s5, $0x3  }
0xb: {  	s19 =	sor.u32 s13, s17;
	s20 =	sshrl.u32 s18, $0x1;
	s9 =	sshrl.u32 s9, $0x2  }
0xc: {  	s17 =	simm.s32 $0x1400;
	s8 =	sadd.s32 s8, s0;
	s11 =	smul.u32 $0x2800, s19  }
0xd: {  	s5 =	sadd.s32 s5, s7;
	s15 =	sadd.s32 s9, s2;
	s21 =	smul.u32 $0x500, s19  }
0xe: {  	s19 =	simm.s32 $0x80;
	s5 =	sshrl.u32 s5, $0x3;
	s22 =	sadd.s32 $0xD400, s8  }
0xf: {  	s15 =	sshrl.u32 s15, $0x3;
	s0 =	sadd.s32 s5, s0;
	s5 =	ssub.s32 s18, s20  }
0x10: {  	[dreg:$0x4] =	wrdreg s22;
	s24 =	sshrl.u32 s11, $0x3;
	s25 =	sadd.s32 s10, s21  }
0x11: {  	s8 =	sadd.s32 s1, s21;
	s9 =	sadd.s32 s12, s21;
	s18 =	simm.s32 $0x2800  }
.Ltmp0:
0x12: {  	s20 =	simm.s32 $0x3C00;
	s21 =	simm.s32 $0x1;
	(pc) =	sbr.rel .LBB2_1-.Ltmp0, $4  }
0x13: {  	s22 =	simm.s32 $0x7C00;
	[dreg:$0x5] =	wrdreg s25;
	s26 =	sadd.s32 $0x280, s24  }
0x14: {  	s13 =	sadd.s32 $0x70400, s0;
	s14 =	smax.u32 s5, $0x1;
	s24 =	simm.s32 $0x1480  }
0x15: {  	s25 =	simm.s32 $0x2880;
	s0 =	simm.s32 $0x0;
	s10 =	sadd.s32 s10, s26  }
0x16: {  	s11 =	sadd.s32 s1, s26;
	s12 =	sadd.s32 s12, s26;
	s26 =	simm.s32 $0x3  }
.LBB2_7:
0x17: {  	_ =	swait.ge [sflag:s30], $0x4000  }
0x18: {  	[sflag:s30] =	ssyncset.done $0x0  }
0x19: {  	[sflag:s30] =	ssyncadd.s32 $0xFFFFC000  }
0x1a: {  	_ =	swait.ge [sflag:s28], $0x4000  }
0x1b: {  	[sflag:s28] =	ssyncset.done $0x0  }
0x1c: {  	[sflag:s28] =	ssyncadd.s32 $0xFFFFC000  }
0x1d: {  	_ =	swait.ge [sflag:s31], $0x4000  }
0x1e: {  	s0 =	sadd.s32 $0x1, s0;
	[sflag:s31] =	ssyncset.done $0x0  }
0x1f: {  	p0 =	sne.s32 s0, s14;
	[sflag:s31] =	ssyncadd.s32 $0xFFFFC000  }
.Ltmp1:
0x20: {  	[bflag:$0x0] =	sbarrier.arrive $0xFFFF;
	(pc) =	sbr.rel @!p0 .LBB2_8-.Ltmp1, $4  }
0x21: {  	[hbm:s13], [sflag:s6] =	dma.local [spmem:s15], $0x2780  }
0x22: {  	_ =	swait.ge [sflag:s16], $0x2780  }
0x23: {  	[sflag:s16] =	ssyncset.done $0x0  }
0x24: {  	[sflag:s16] =	ssyncadd.s32 $0xFFFFD880  }
.LBB2_1:
0x25: {  	s1 =	rddreg [dreg:$0x4]  }
0x26: {  	[spmem:s15], [sflag:s6] =	dma.local [hbm:s1], $0x2780  }
0x27: {  	_ =	swait.ge [sflag:s16], $0x2780  }
0x28: {  	[sflag:s16] =	ssyncset.done $0x0  }
0x29: {  	[sflag:s16] =	ssyncadd.s32 $0xFFFFD880  }
0x2a: {  	[bflag:$0x0] =	sbarrier.arrive $0xFFFF  }
0x2b: {  	s7 =	rddreg [dreg:$0x5]  }
0x2c: {  	[tilespmem:s3], [sflag:$0x7] =	stream.linear.gather [hbm4b:s7+s3], $0x1400, $0x38;
	[tilespmem:$0x1F800] =	vst v63  }
0x2d: {  	_ =	swait.ge [sflag:s16], $0x1400  }
0x2e: {  	[sflag:s16] =	ssyncset.done $0x0  }
0x2f: {  	[sflag:s16] =	ssyncadd.s32 $0xFFFFEC00  }
0x30: {  	[tilespmem:s17], [sflag:$0x7] =	stream.linear.gather [hbm4b:s8+s3], $0x1400, $0x38;
	[tilespmem:$0x1F800] =	vst v63  }
0x31: {  	_ =	swait.ge [sflag:s16], $0x1400  }
0x32: {  	[sflag:s16] =	ssyncset.done $0x0  }
0x33: {  	[sflag:s16] =	ssyncadd.s32 $0xFFFFEC00  }
0x34: {  	[tilespmem:s18], [sflag:$0x7] =	stream.linear.gather [hbm4b:s9+s3], $0x1400, $0x38;
	[tilespmem:$0x1F800] =	vst v63  }
0x35: {  	_ =	swait.ge [sflag:s16], $0x1400  }
0x36: {  	[sflag:s16] =	ssyncset.done $0x0  }
0x37: {  	[sflag:s16] =	ssyncadd.s32 $0xFFFFEC00  }
0x38: {  	[tilespmem:s20], [sflag:$0x1] =	stream.indirect.gather [hbm4b:s4+s19], $0x80, s3, s19, $0xb8;
	[tilespmem:$0x1F800] =	vst v63  }
0x39: {  	_ =	swait.ge [sflag:s21], $0x4000  }
0x3a: {  	[sflag:s21] =	ssyncset.done $0x0  }
0x3b: {  	[sflag:s21] =	ssyncadd.s32 $0xFFFFC000  }
0x3c: {  	[spmem:s2] =	stream.indirect.scatter.add.f32 [tilespmem:s20], [sflag:$0x3], $0x80, s17, s19, $0xb8;
	[tilespmem:$0x1F800] =	vst v63  }
0x3d: {  	_ = 	snop  }
0x3e: {  	[spmem:s2] =	stream.indirect.scatter.add.f32 [tilespmem:s20], [sflag:$0x5], $0x80, s18, s19, $0xb8;
	[tilespmem:$0x1F800] =	vst v63  }
0x3f: {  	_ = 	snop  }
0x40: {  	[tilespmem:s22], [sflag:$0x2] =	stream.indirect.gather [hbm4b:s4+s19], $0x80, s19, s19, $0xb8;
	[tilespmem:$0x1F800] =	vst v63  }
0x41: {  	_ =	swait.ge [sflag:s23], $0x4000  }
0x42: {  	[sflag:s23] =	ssyncset.done $0x0  }
0x43: {  	[sflag:s23] =	ssyncadd.s32 $0xFFFFC000  }
0x44: {  	[spmem:s2] =	stream.indirect.scatter.add.f32 [tilespmem:s22], [sflag:$0x4], $0x80, s24, s19, $0xb8;
	[tilespmem:$0x1F800] =	vst v63  }
0x45: {  	_ = 	snop  }
0x46: {  	[spmem:s2] =	stream.indirect.scatter.add.f32 [tilespmem:s22], [sflag:$0x6], $0x80, s25, s19, $0xb8;
	[tilespmem:$0x1F800] =	vst v63  }
0x47: {  	_ =	swait.ge [sflag:s26], $0x4000  }
0x48: {  	[sflag:s26] =	ssyncset.done $0x0  }
0x49: {  	[sflag:s26] =	ssyncadd.s32 $0xFFFFC000  }
0x4a: {  	_ =	swait.ge [sflag:s28], $0x4000  }
0x4b: {  	[sflag:s28] =	ssyncset.done $0x0  }
0x4c: {  	s1 =	simm.s32 $0x0;
	[sflag:s28] =	ssyncadd.s32 $0xFFFFC000  }
0x4d: {  	[tilespmem:s20], [sflag:$0x1] =	stream.indirect.gather [hbm4b:s4+s19], $0x80, s29, s19, $0xb8;
	[tilespmem:$0x1F800] =	vst v63  }
.LBB2_2:
0x4e: {  	_ =	swait.ge [sflag:s21], $0x4000  }
0x4f: {  	s5 =	sshra.s32 s1, $0x2;
	[sflag:s21] =	ssyncset.done $0x0  }
0x50: {  	s7 =	sadd.s32 $0x1500, s5;
	[sflag:s21] =	ssyncadd.s32 $0xFFFFC000  }
0x51: {  	[spmem:s2] =	stream.indirect.scatter.add.f32 [tilespmem:s20], [sflag:$0x3], $0x80, s7, s19, $0xb8;
	[tilespmem:$0x1F800] =	vst v63  }
0x52: {  	s7 =	sadd.s32 $0x2900, s5  }
0x53: {  	[spmem:s2] =	stream.indirect.scatter.add.f32 [tilespmem:s20], [sflag:$0x5], $0x80, s7, s19, $0xb8;
	[tilespmem:$0x1F800] =	vst v63  }
0x54: {  	_ =	swait.ge [sflag:s30], $0x4000  }
0x55: {  	[sflag:s30] =	ssyncset.done $0x0  }
0x56: {  	[sflag:s30] =	ssyncadd.s32 $0xFFFFC000  }
0x57: {  	_ =	swait.ge [sflag:s31], $0x4000  }
0x58: {  	[sflag:s31] =	ssyncset.done $0x0  }
0x59: {  	s7 =	sadd.s32 $0x180, s5;
	[sflag:s31] =	ssyncadd.s32 $0xFFFFC000  }
0x5a: {  	[tilespmem:s22], [sflag:$0x2] =	stream.indirect.gather [hbm4b:s4+s19], $0x80, s7, s19, $0xb8;
	[tilespmem:$0x1F800] =	vst v63  }
0x5b: {  	_ =	swait.ge [sflag:s23], $0x4000  }
0x5c: {  	[sflag:s23] =	ssyncset.done $0x0  }
0x5d: {  	p0 =	seq.s32 s1, $0x4800;
	s7 =	sadd.s32 $0x1580, s5;
	[sflag:s23] =	ssyncadd.s32 $0xFFFFC000  }
0x5e: {  	[spmem:s2] =	stream.indirect.scatter.add.f32 [tilespmem:s22], [sflag:$0x4], $0x80, s7, s19, $0xb8;
	[tilespmem:$0x1F800] =	vst v63  }
.Ltmp2:
0x5f: {  	s7 =	sadd.s32 $0x2980, s5;
	(pc) =	sbr.rel @p0 .LBB2_4-.Ltmp2, $4  }
0x60: {  	[spmem:s2] =	stream.indirect.scatter.add.f32 [tilespmem:s22], [sflag:$0x6], $0x80, s7, s19, $0xb8;
	[tilespmem:$0x1F800] =	vst v63  }
0x61: {  	_ =	swait.ge [sflag:s26], $0x4000  }
0x62: {  	[sflag:s26] =	ssyncset.done $0x0  }
0x63: {  	[sflag:s26] =	ssyncadd.s32 $0xFFFFC000  }
.Ltmp3:
0x64: {  	(pc) =	sbr.rel .LBB2_2-.Ltmp3, $4  }
0x65: {  	_ =	swait.ge [sflag:s28], $0x4000  }
0x66: {  	[sflag:s28] =	ssyncset.done $0x0  }
0x67: {  	s5 =	sadd.s32 $0x200, s5;
	s1 =	sadd.s32 $0x400, s1;
	[sflag:s28] =	ssyncadd.s32 $0xFFFFC000  }
0x68: {  	[tilespmem:s20], [sflag:$0x1] =	stream.indirect.gather [hbm4b:s4+s19], $0x80, s5, s19, $0xb8;
	[tilespmem:$0x1F800] =	vst v63  }
.LBB2_4:
0x69: {  	_ =	swait.ge [sflag:s30], $0x4000  }
0x6a: {  	[sflag:s30] =	ssyncset.done $0x0  }
0x6b: {  	[sflag:s30] =	ssyncadd.s32 $0xFFFFC000  }
0x6c: {  	_ =	swait.ge [sflag:s28], $0x4000  }
0x6d: {  	[sflag:s28] =	ssyncset.done $0x0  }
0x6e: {  	[sflag:s28] =	ssyncadd.s32 $0xFFFFC000  }
0x6f: {  	_ =	swait.ge [sflag:s31], $0x4000  }
0x70: {  	[sflag:s31] =	ssyncset.done $0x0  }
0x71: {  	s1 =	simm.s32 $0x0;
	[sflag:s31] =	ssyncadd.s32 $0xFFFFC000  }
0x72: {  	[tilespmem:s1], [sflag:$0x7] =	stream.linear.gather [hbm4b:s10+s1], $0x1400, $0x38;
	[tilespmem:$0x1F800] =	vst v63  }
0x73: {  	_ =	swait.ge [sflag:s16], $0x1400  }
0x74: {  	[sflag:s16] =	ssyncset.done $0x0  }
0x75: {  	[sflag:s16] =	ssyncadd.s32 $0xFFFFEC00  }
0x76: {  	[tilespmem:s17], [sflag:$0x7] =	stream.linear.gather [hbm4b:s11+s1], $0x1400, $0x38;
	[tilespmem:$0x1F800] =	vst v63  }
0x77: {  	_ =	swait.ge [sflag:s16], $0x1400  }
0x78: {  	[sflag:s16] =	ssyncset.done $0x0  }
0x79: {  	[sflag:s16] =	ssyncadd.s32 $0xFFFFEC00  }
0x7a: {  	[tilespmem:s18], [sflag:$0x7] =	stream.linear.gather [hbm4b:s12+s1], $0x1400, $0x38;
	[tilespmem:$0x1F800] =	vst v63  }
0x7b: {  	_ =	swait.ge [sflag:s16], $0x1400  }
0x7c: {  	[sflag:s16] =	ssyncset.done $0x0  }
0x7d: {  	[sflag:s16] =	ssyncadd.s32 $0xFFFFEC00  }
0x7e: {  	[tilespmem:s20], [sflag:$0x1] =	stream.indirect.gather [hbm4b:s4+s19], $0x80, s1, s19, $0xb8;
	[tilespmem:$0x1F800] =	vst v63  }
0x7f: {  	_ =	swait.ge [sflag:s21], $0x4000  }
0x80: {  	[sflag:s21] =	ssyncset.done $0x0  }
0x81: {  	[sflag:s21] =	ssyncadd.s32 $0xFFFFC000  }
0x82: {  	[spmem:s2] =	stream.indirect.scatter.add.f32 [tilespmem:s20], [sflag:$0x3], $0x80, s17, s19, $0xb8;
	[tilespmem:$0x1F800] =	vst v63  }
0x83: {  	_ = 	snop  }
0x84: {  	[spmem:s2] =	stream.indirect.scatter.add.f32 [tilespmem:s20], [sflag:$0x5], $0x80, s18, s19, $0xb8;
	[tilespmem:$0x1F800] =	vst v63  }
0x85: {  	_ = 	snop  }
0x86: {  	[tilespmem:s22], [sflag:$0x2] =	stream.indirect.gather [hbm4b:s4+s19], $0x80, s19, s19, $0xb8;
	[tilespmem:$0x1F800] =	vst v63  }
0x87: {  	_ =	swait.ge [sflag:s23], $0x4000  }
0x88: {  	[sflag:s23] =	ssyncset.done $0x0  }
0x89: {  	[sflag:s23] =	ssyncadd.s32 $0xFFFFC000  }
0x8a: {  	[spmem:s2] =	stream.indirect.scatter.add.f32 [tilespmem:s22], [sflag:$0x4], $0x80, s24, s19, $0xb8;
	[tilespmem:$0x1F800] =	vst v63  }
0x8b: {  	_ = 	snop  }
0x8c: {  	[spmem:s2] =	stream.indirect.scatter.add.f32 [tilespmem:s22], [sflag:$0x6], $0x80, s25, s19, $0xb8;
	[tilespmem:$0x1F800] =	vst v63  }
0x8d: {  	_ =	swait.ge [sflag:s26], $0x4000  }
0x8e: {  	[sflag:s26] =	ssyncset.done $0x0  }
0x8f: {  	[sflag:s26] =	ssyncadd.s32 $0xFFFFC000  }
0x90: {  	_ =	swait.ge [sflag:s28], $0x4000  }
0x91: {  	[sflag:s28] =	ssyncset.done $0x0  }
0x92: {  	[sflag:s28] =	ssyncadd.s32 $0xFFFFC000  }
0x93: {  	[tilespmem:s20], [sflag:$0x1] =	stream.indirect.gather [hbm4b:s4+s19], $0x80, s29, s19, $0xb8;
	[tilespmem:$0x1F800] =	vst v63  }
.LBB2_5:
0x94: {  	_ =	swait.ge [sflag:s21], $0x4000  }
0x95: {  	s5 =	sshra.s32 s1, $0x2;
	[sflag:s21] =	ssyncset.done $0x0  }
0x96: {  	s7 =	sadd.s32 $0x1500, s5;
	[sflag:s21] =	ssyncadd.s32 $0xFFFFC000  }
0x97: {  	[spmem:s2] =	stream.indirect.scatter.add.f32 [tilespmem:s20], [sflag:$0x3], $0x80, s7, s19, $0xb8;
	[tilespmem:$0x1F800] =	vst v63  }
0x98: {  	s7 =	sadd.s32 $0x2900, s5  }
0x99: {  	[spmem:s2] =	stream.indirect.scatter.add.f32 [tilespmem:s20], [sflag:$0x5], $0x80, s7, s19, $0xb8;
	[tilespmem:$0x1F800] =	vst v63  }
0x9a: {  	_ =	swait.ge [sflag:s30], $0x4000  }
0x9b: {  	[sflag:s30] =	ssyncset.done $0x0  }
0x9c: {  	[sflag:s30] =	ssyncadd.s32 $0xFFFFC000  }
0x9d: {  	_ =	swait.ge [sflag:s31], $0x4000  }
0x9e: {  	[sflag:s31] =	ssyncset.done $0x0  }
0x9f: {  	s7 =	sadd.s32 $0x180, s5;
	[sflag:s31] =	ssyncadd.s32 $0xFFFFC000  }
0xa0: {  	[tilespmem:s22], [sflag:$0x2] =	stream.indirect.gather [hbm4b:s4+s19], $0x80, s7, s19, $0xb8;
	[tilespmem:$0x1F800] =	vst v63  }
0xa1: {  	_ =	swait.ge [sflag:s23], $0x4000  }
0xa2: {  	[sflag:s23] =	ssyncset.done $0x0  }
0xa3: {  	p0 =	seq.s32 s1, $0x4800;
	s7 =	sadd.s32 $0x1580, s5;
	[sflag:s23] =	ssyncadd.s32 $0xFFFFC000  }
0xa4: {  	[spmem:s2] =	stream.indirect.scatter.add.f32 [tilespmem:s22], [sflag:$0x4], $0x80, s7, s19, $0xb8;
	[tilespmem:$0x1F800] =	vst v63  }
.Ltmp4:
0xa5: {  	s7 =	sadd.s32 $0x2980, s5;
	(pc) =	sbr.rel @p0 .LBB2_7-.Ltmp4, $4  }
0xa6: {  	[spmem:s2] =	stream.indirect.scatter.add.f32 [tilespmem:s22], [sflag:$0x6], $0x80, s7, s19, $0xb8;
	[tilespmem:$0x1F800] =	vst v63  }
0xa7: {  	_ =	swait.ge [sflag:s26], $0x4000  }
0xa8: {  	[sflag:s26] =	ssyncset.done $0x0  }
0xa9: {  	[sflag:s26] =	ssyncadd.s32 $0xFFFFC000  }
.Ltmp5:
0xaa: {  	(pc) =	sbr.rel .LBB2_5-.Ltmp5, $4  }
0xab: {  	_ =	swait.ge [sflag:s28], $0x4000  }
0xac: {  	[sflag:s28] =	ssyncset.done $0x0  }
0xad: {  	s5 =	sadd.s32 $0x200, s5;
	s1 =	sadd.s32 $0x400, s1;
	[sflag:s28] =	ssyncadd.s32 $0xFFFFC000  }
0xae: {  	[tilespmem:s20], [sflag:$0x1] =	stream.indirect.gather [hbm4b:s4+s19], $0x80, s5, s19, $0xb8;
	[tilespmem:$0x1F800] =	vst v63  }
.LBB2_8:
0xaf: {  	_ =	sfence.sel $0x180000  }
0xb0: {  	[bflag:$0x0] =	sbarrier.arrive $0xFFFF  }
0xb1: {  	_ =	strace $0x90000053  }
0xb2: {  	s0 =	stileid.u32;
	[bflag:$0x2] =	sbarrier.arrive $0xFFFF  }
0xb3: {  	p0 =	sne.s32 s0, $0x0;
	s0 =	rddreg [dreg:$0x3]  }
0xb4: {  	s0 =	sadd.s32 @!p0 $0x100000, s0  }
0xb5: {  	[sflag:s0] =	ssyncadd.tile.s32 @!p0 $0x1;
	_ =	shalt  }
.Lfunc_end2:
_tile_overlayer_lowered:
.L_overlay_start_2:
0xb6: {  	(tag) =	ssettag $0x2  }
0xb7: {  	s0 =	rddreg [dreg:$0x0];
	s2 =	stileid.u32  }
0xb8: {  	s1 =	rddreg [dreg:$0x1];
	p0 =	sne.s32 s2, $0x0  }
0xb9: {  	s3 =	rddreg [dreg:$0x2];
	[bflag:$0x3] =	sbarrier.arrive $0xFFFF;
	s2 =	simm.s32 @!p0 $0x1C07  }
0xba: {  	[timem:s3], [sflag:s2] =	dma.local @!p0 [hbm:s0], s1  }
0xbb: {  	s0 =	simm.s32 @!p0 $0x7  }
0xbc: {  	_ =	swait.ge @!p0 [sflag:s0], s1  }
0xbd: {  	s1 =	ssub.s32 @!p0 $0x0, s1;
	[sflag:s0] =	ssyncset.done @!p0 $0x0  }
0xbe: {  	[sflag:s0] =	ssyncadd.s32 @!p0 s1  }
0xbf: {  	[bflag:$0x3] =	sbarrier.arrive $0xFFFF  }
0xc0: {  	_ =	shalt  }

</sc_bundles>
